<compile_context>
chip_gen: v7x
topology: tpu7x:2x2x1
jax: 0.10.2.dev20260603
libtpu: 0.0.44.dev20260713+nightly
codegen_flags: <defaults>
</compile_context>

<pallas_src>
import functools

import jax
import jax.numpy as jnp
from jax import lax
from jax.experimental import pallas as pl
from jax.experimental.pallas import tpu as pltpu
from jax.experimental.pallas import tpu_sc as plsc

N = 100000
E = 3200000
HOPS = 3
HID = 64
GROUPS = [(0, 16), (16, 32), (32, 48), (48, 58)]

CB = 5888

NC, NS, L = 2, 16, 16
NW = NC * NS
NPAD = 100096
SL = NPAD // NS
CR = 8
ROWS_PER_HOP = E // 128
CHUNKS_PER_HOP = ROWS_PER_HOP // CR
TOTAL_CHUNKS = HOPS * CHUNKS_PER_HOP
CPW = (TOTAL_CHUNKS + NW - 1) // NW
TMAX = (CPW + 2) // 3
BE = CR * 128
ZB = 2048


def _mlp_body(xt_ref, gw_ref, w1_ref, b1_ref, w2_ref, b2_ref, o_ref):
    xw = xt_ref[...] * gw_ref[...]
    z = lax.dot_general(w1_ref[...], xw, (((0,), (0,)), ((), ())),
                        preferred_element_type=jnp.float32)
    h1 = jnp.maximum(z + b1_ref[...], 0.0)
    o_ref[...] = lax.dot_general(w2_ref[...], h1, (((0,), (0,)), ((), ())),
                                 preferred_element_type=jnp.float32) \
        + b2_ref[...]


def _combine_body(a_ref, b_ref, c_ref, o_ref):
    o_ref[...] = a_ref[...] + b_ref[...] + c_ref[...]


def _sc_body(h_hbm, ei_hbm, att_hbm, temp_hbm, out0_hbm, out1_hbm,
             *sc):
    (src0, dst0, att0, gat0, src1, dst1, att1, gat1, src2, dst2, att2, gat2,
     zero_v, temp_v, h_vmem, acc_sh,
     sl0, sl1, sl2, ss0, ss1, ss2) = sc
    srcs = (src0, src1, src2)
    dsts = (dst0, dst1, dst2)
    atts = (att0, att1, att2)
    gats = (gat0, gat1, gat2)
    sls = (sl0, sl1, sl2)
    sss = (ss0, ss1, ss2)
    cid = lax.axis_index("c")
    sid = lax.axis_index("s")
    g = cid * NS + sid
    base = sid * SL

    pltpu.sync_copy(h_hbm, h_vmem)

    def _z(i, _):
        zero_v[pl.ds(i * L, L)] = jnp.zeros((L,), jnp.float32)
        return 0
    lax.fori_loop(0, ZB // L, _z, 0)
    pltpu.sync_copy(zero_v, acc_sh.at[pl.ds(base, ZB)])
    pltpu.sync_copy(zero_v, acc_sh.at[pl.ds(base + ZB, ZB)])
    pltpu.sync_copy(zero_v, acc_sh.at[pl.ds(base + 2 * ZB, ZB)])
    pltpu.sync_copy(zero_v.at[pl.ds(0, SL - 3 * ZB)],
                    acc_sh.at[pl.ds(base + 3 * ZB, SL - 3 * ZB)])
    pltpu.sync_copy(temp_hbm, temp_v)
    plsc.subcore_barrier()

    q0 = g * CPW
    cnt = jnp.minimum(CPW, TOTAL_CHUNKS - q0)

    def fire_loads(c, s):
        q = q0 + c
        hop = q // CHUNKS_PER_HOP
        eoff = (q - hop * CHUNKS_PER_HOP) * BE
        pltpu.async_copy(ei_hbm.at[hop, 0, pl.ds(eoff, BE)], srcs[s], sls[s])
        pltpu.async_copy(ei_hbm.at[hop, 1, pl.ds(eoff, BE)], dsts[s], sls[s])
        pltpu.async_copy(att_hbm.at[hop, pl.ds(eoff, BE)], atts[s], sls[s])

    def wait_loads(s):
        pltpu.make_async_copy(ei_hbm.at[0, 0, pl.ds(0, BE)], srcs[s], sls[s]).wait()
        pltpu.make_async_copy(ei_hbm.at[0, 1, pl.ds(0, BE)], dsts[s], sls[s]).wait()
        pltpu.make_async_copy(att_hbm.at[0, pl.ds(0, BE)], atts[s], sls[s]).wait()

    def drain_scatters(s):
        for j in range(CR):
            pltpu.make_async_copy(gats[s].at[pl.ds(j * 128, 128)],
                                  acc_sh.at[dsts[s].at[pl.ds(j * 128, 128)]],
                                  sss[s]).wait()

    def process(c, s):
        wait_loads(s)
        hop = (q0 + c) // CHUNKS_PER_HOP
        t16 = temp_v[hop]

        def _mul(r, _):
            for u in range(8):
                cc = r * 128 + u * L
                idx = srcs[s][pl.ds(cc, L)]
                vals = plsc.load_gather(h_vmem, [idx])
                gats[s][pl.ds(cc, L)] = vals * atts[s][pl.ds(cc, L)] * t16
            return 0
        lax.fori_loop(0, CR, _mul, 0)
        for j in range(CR):
            pltpu.async_copy(gats[s].at[pl.ds(j * 128, 128)],
                             acc_sh.at[dsts[s].at[pl.ds(j * 128, 128)]], sss[s],
                             add=True)

    @pl.when(cnt > 0)
    def _():
        fire_loads(0, 0)

    def _triple(t, _):
        for u in range(3):
            c = t * 3 + u

            @pl.when(c < cnt)
            def _(c=c, u=u):
                @pl.when(c >= 2)
                def _():
                    drain_scatters((u + 1) % 3)

                @pl.when(c + 1 < cnt)
                def _():
                    fire_loads(c + 1, (u + 1) % 3)

                process(c, u)
        return 0

    lax.fori_loop(0, TMAX, _triple, 0)

    for s in range(3):
        @pl.when((cnt >= 1) & ((cnt - 1) % 3 == s))
        def _(s=s):
            drain_scatters(s)

        @pl.when((cnt >= 2) & ((cnt - 2) % 3 == s))
        def _(s=s):
            drain_scatters(s)

    plsc.subcore_barrier()

    pltpu.sync_copy(acc_sh.at[pl.ds(base, SL)], h_vmem.at[pl.ds(0, SL)])

    @pl.when(cid == 0)
    def _():
        pltpu.sync_copy(h_vmem.at[pl.ds(0, SL)], out0_hbm.at[pl.ds(base, SL)])

    @pl.when(cid == 1)
    def _():
        pltpu.sync_copy(h_vmem.at[pl.ds(0, SL)], out1_hbm.at[pl.ds(base, SL)])


_sc_call = functools.partial(
    pl.kernel,
    mesh=plsc.VectorSubcoreMesh(core_axis_name="c", subcore_axis_name="s"),
    compiler_params=pltpu.CompilerParams(needs_layout_passes=False),
    out_type=(jax.ShapeDtypeStruct((NPAD,), jnp.float32),
              jax.ShapeDtypeStruct((NPAD,), jnp.float32)),
    scratch_types=(
        [pltpu.VMEM((BE,), dt)
         for _ in range(3) for dt in (jnp.int32, jnp.int32,
                                      jnp.float32, jnp.float32)]
        + [
            pltpu.VMEM((ZB,), jnp.float32),
            pltpu.VMEM((HOPS, L), jnp.float32),
            pltpu.VMEM((NPAD,), jnp.float32),
            pltpu.VMEM_SHARED((NPAD,), jnp.float32),
        ]
        + [pltpu.SemaphoreType.DMA] * 6
    ),
)(_sc_body)


def kernel(x, hop_edge_index, hop_edge_att, W1, b1, W2, b2, group_weights, temp):
    f32 = jnp.float32
    gw = jnp.concatenate(
        [jnp.full((e - s,), 1.0, f32) * group_weights[i]
         for i, (s, e) in enumerate(GROUPS)])

    h_row = pl.pallas_call(
        _mlp_body,
        grid=(NPAD // CB,),
        in_specs=[
            pl.BlockSpec((58, CB), lambda i: (0, i)),
            pl.BlockSpec((58, 1), lambda i: (0, 0)),
            pl.BlockSpec((58, HID), lambda i: (0, 0)),
            pl.BlockSpec((HID, 1), lambda i: (0, 0)),
            pl.BlockSpec((HID, 1), lambda i: (0, 0)),
            pl.BlockSpec((1, 1), lambda i: (0, 0)),
        ],
        out_specs=pl.BlockSpec((1, CB), lambda i: (0, i)),
        out_shape=jax.ShapeDtypeStruct((1, NPAD), f32),
    )(x.T, gw[:, None], W1, b1[:, None], W2, b2[None, :])

    h_flat = h_row.reshape(NPAD)

    temp_b = jnp.broadcast_to(temp[:, None], (HOPS, L))

    p0, p1 = _sc_call(h_flat, hop_edge_index, hop_edge_att, temp_b)

    out2d = pl.pallas_call(
        _combine_body,
        out_shape=jax.ShapeDtypeStruct((NPAD // 128, 128), f32),
    )(p0.reshape(NPAD // 128, 128),
      p1.reshape(NPAD // 128, 128),
      h_flat.reshape(NPAD // 128, 128))

    return out2d.reshape(NPAD)[:N].reshape(N, 1)

# --- scband reference (transcript-rebuilt; emitter-appended) ---
"""Pipeline reference for scband-cgmap-23450521436462 (READ-ONLY COPY).

The authoritative reference and input builder live on the scoring server;
editing this copy changes nothing except your own understanding.
"""

import jax, jax.numpy as jnp
import numpy as np

N = 100000
E = 3200000
HOPS = 3
HID = 64
BETA = 0.1
LAYERS = [1, 2, 3]
GROUPS = [(0, 16), (16, 32), (32, 48), (48, 58)]


def setup_inputs(seed: int = 0) -> dict:
    key = jax.random.key(seed)
    ks = jax.random.split(key, 8)
    x = jax.random.normal(ks[0], (N, 58), dtype=jnp.float32)
    hop_edge_index = jax.random.randint(ks[1], (HOPS, 2, E), 0, N, dtype=jnp.int32)
    hop_edge_att = jax.random.uniform(ks[2], (HOPS, E), dtype=jnp.float32)
    W1 = jax.random.normal(ks[3], (58, HID), dtype=jnp.float32) * (1.0 / np.sqrt(58))
    b1 = jnp.zeros((HID,), dtype=jnp.float32)
    W2 = jax.random.normal(ks[4], (HID, 1), dtype=jnp.float32) * (1.0 / np.sqrt(HID))
    b2 = jnp.zeros((1,), dtype=jnp.float32)
    group_weights = jnp.array([0.05, 0.05, 0.6, 2.3], dtype=jnp.float32)
    TEMP = BETA * (1.0 - BETA) ** np.arange(len(LAYERS))
    TEMP[-1] = (1.0 - BETA) ** len(LAYERS)
    temp = jnp.asarray(TEMP, dtype=jnp.float32)
    return {
        "x": x,
        "hop_edge_index": hop_edge_index,
        "hop_edge_att": hop_edge_att,
        "W1": W1,
        "b1": b1,
        "W2": W2,
        "b2": b2,
        "group_weights": group_weights,
        "temp": temp,
    }


def reference(x, hop_edge_index, hop_edge_att, W1, b1, W2, b2, group_weights, temp):
    # feature group weighting
    weighted = jnp.concatenate(
        [group_weights[i] * x[:, s:e] for i, (s, e) in enumerate(GROUPS)], axis=1
    )
    # dropout is identity in eval mode
    h = jax.nn.relu(weighted @ W1 + b1)
    h = h @ W2 + b2  # [N, 1]
    # prop_sum: PPR-style multi-hop propagation with aggr='add'
    embeds = [h]
    for i in range(len(LAYERS)):
        ei = hop_edge_index[LAYERS[i] - 1]  # [2, E]
        norm = hop_edge_att[LAYERS[i] - 1]  # [E]
        src, dst = ei[0], ei[1]
        msg = norm[:, None] * h[src]  # message: norm.view(-1,1) * x_j
        agg = jax.ops.segment_sum(msg, dst, num_segments=N)
        embeds.append(temp[i] * agg)
    embed = jnp.stack(embeds, axis=1)  # [N, K+1, 1]
    return jnp.sum(embed, axis=1)  # [N, 1]

if __name__ == "__main__":
    import jax
    _d = setup_inputs()
    print(jax.jit(kernel)(*tuple(_d.values())))

</pallas_src>

<mosaic_0001>
#map = affine_map<(d0, d1) -> (0)>
#map1 = affine_map<(d0, d1) -> (0, 0, 0)>
#map2 = affine_map<(d0, d1) -> (0, 0)>
module attributes {stable_mosaic.version = 14 : i64} {
  func.func @_sc_body(%arg0: i32, %arg1: i32, %arg2: memref<100096xf32, #tpu.memory_space<hbm>>, %arg3: memref<3x2x3200000xi32, #tpu.memory_space<hbm>>, %arg4: memref<3x3200000xf32, #tpu.memory_space<hbm>>, %arg5: memref<3x16xf32, #tpu.memory_space<hbm>>, %arg6: memref<100096xf32, #tpu.memory_space<hbm>>, %arg7: memref<100096xf32, #tpu.memory_space<hbm>>, %arg8: memref<1024xi32, #tpu.memory_space<vmem>>, %arg9: memref<1024xi32, #tpu.memory_space<vmem>>, %arg10: memref<1024xf32, #tpu.memory_space<vmem>>, %arg11: memref<1024xf32, #tpu.memory_space<vmem>>, %arg12: memref<1024xi32, #tpu.memory_space<vmem>>, %arg13: memref<1024xi32, #tpu.memory_space<vmem>>, %arg14: memref<1024xf32, #tpu.memory_space<vmem>>, %arg15: memref<1024xf32, #tpu.memory_space<vmem>>, %arg16: memref<1024xi32, #tpu.memory_space<vmem>>, %arg17: memref<1024xi32, #tpu.memory_space<vmem>>, %arg18: memref<1024xf32, #tpu.memory_space<vmem>>, %arg19: memref<1024xf32, #tpu.memory_space<vmem>>, %arg20: memref<2048xf32, #tpu.memory_space<vmem>>, %arg21: memref<3x16xf32, #tpu.memory_space<vmem>>, %arg22: memref<100096xf32, #tpu.memory_space<vmem>>, %arg23: memref<100096xf32, #tpu.memory_space<vmem_shared>>, %arg24: memref<!tpu.dma_semaphore, #tpu.memory_space<semaphore_mem>>, %arg25: memref<!tpu.dma_semaphore, #tpu.memory_space<semaphore_mem>>, %arg26: memref<!tpu.dma_semaphore, #tpu.memory_space<semaphore_mem>>, %arg27: memref<!tpu.dma_semaphore, #tpu.memory_space<semaphore_mem>>, %arg28: memref<!tpu.dma_semaphore, #tpu.memory_space<semaphore_mem>>, %arg29: memref<!tpu.dma_semaphore, #tpu.memory_space<semaphore_mem>>) attributes {dimension_semantics = [#tpu.dimension_semantics<core_parallel>, #tpu.dimension_semantics<subcore_parallel>], iteration_bounds = array<i64: 2, 16>, scalar_prefetch = 0 : i64, scratch_operands = 22 : i64, tpu.core_type = #tpu.core_type<sc_vector_subcore>, window_params = [{transform_indices = #map}, {transform_indices = #map1}, {transform_indices = #map2}, {transform_indices = #map2}, {transform_indices = #map}, {transform_indices = #map}]} {
    %mul3A = arith.constant 16 : i32
    %mul3A_0 = arith.muli %arg0, %mul3A : i32
    %add3A = arith.addi %mul3A_0, %arg1 : i32
    %mul3A_1 = arith.constant 6256 : i32
    %mul3A_2 = arith.muli %arg1, %mul3A_1 : i32
    "tpu.region"() ({
      %run_scoped3A = tpu.sem_alloc : memref<!tpu.dma_semaphore, #tpu.memory_space<semaphore_mem>>
      tpu.enqueue_dma source(%arg2 : memref<100096xf32, #tpu.memory_space<hbm>>) target(%arg22 : memref<100096xf32, #tpu.memory_space<vmem>>) target_semaphore(%run_scoped3A : memref<!tpu.dma_semaphore, #tpu.memory_space<semaphore_mem>>)
      tpu.wait_dma2 semaphore(%run_scoped3A : memref<!tpu.dma_semaphore, #tpu.memory_space<semaphore_mem>>) src(%arg2 : memref<100096xf32, #tpu.memory_space<hbm>>) dst(%arg22 : memref<100096xf32, #tpu.memory_space<vmem>>)
      tpu.yield
    }) : () -> ()
    %scan3A = arith.constant 0 : i32
    %scan3A_3 = arith.constant 0 : i32
    %scan3A_4 = arith.constant 128 : i32
    %scan3A_5 = arith.addi %scan3A_3, %scan3A_4 : i32
    %scan3A_6 = arith.constant 1 : i32
    %scan3A_7 = scf.for %scan3A_187 = %scan3A_3 to %scan3A_5 step %scan3A_6 iter_args(%scan3A_188 = %scan3A) -> (i32)  : i32 {
      %broadcast_in_dim3A = arith.constant 0.000000e+00 : f32
      %broadcast_in_dim3A_189 = vector.broadcast %broadcast_in_dim3A : f32 to vector<16xf32>
      %mul3A_190 = arith.constant 16 : i32
      %mul3A_191 = arith.muli %scan3A_187, %mul3A_190 : i32
      %swap3A = arith.index_cast %mul3A_191 : i32 to index
      %swap3A_192 = tpu.vector_load %arg20[%swap3A] {strides = array<i32>} : memref<2048xf32, #tpu.memory_space<vmem>>, vector<16xf32>,
      tpu.vector_store %arg20[%swap3A], %broadcast_in_dim3A_189 {strides = array<i32>} : memref<2048xf32, #tpu.memory_space<vmem>>, vector<16xf32>,
      %scan3A_193 = arith.constant 0 : i32
      scf.yield %scan3A_193 : i32
    }
    %scan3A_8 = arith.constant 128 : i32
    "tpu.region"() ({
      %run_scoped3A = tpu.sem_alloc : memref<!tpu.dma_semaphore, #tpu.memory_space<semaphore_mem>>
      %dma_start3A = tpu.memref_slice %arg23[%mul3A_2] : memref<100096xf32, #tpu.memory_space<vmem_shared>> -> memref<2048xf32, #tpu.memory_space<vmem_shared>>
      %dma_start3A_187 = tpu.memref_slice %arg23[%mul3A_2] : memref<100096xf32, #tpu.memory_space<vmem_shared>> -> memref<2048xf32, #tpu.memory_space<vmem_shared>>
      tpu.enqueue_dma source(%arg20 : memref<2048xf32, #tpu.memory_space<vmem>>) target(%dma_start3A_187 : memref<2048xf32, #tpu.memory_space<vmem_shared>>) target_semaphore(%run_scoped3A : memref<!tpu.dma_semaphore, #tpu.memory_space<semaphore_mem>>)
      %dma_wait3A = tpu.memref_slice %arg23[%mul3A_2] : memref<100096xf32, #tpu.memory_space<vmem_shared>> -> memref<2048xf32, #tpu.memory_space<vmem_shared>>
      %dma_wait3A_188 = tpu.memref_slice %arg23[%mul3A_2] : memref<100096xf32, #tpu.memory_space<vmem_shared>> -> memref<2048xf32, #tpu.memory_space<vmem_shared>>
      tpu.wait_dma2 semaphore(%run_scoped3A : memref<!tpu.dma_semaphore, #tpu.memory_space<semaphore_mem>>) src(%arg20 : memref<2048xf32, #tpu.memory_space<vmem>>) dst(%dma_wait3A_188 : memref<2048xf32, #tpu.memory_space<vmem_shared>>)
      tpu.yield
    }) : () -> ()
    %add3A_9 = arith.constant 2048 : i32
    %add3A_10 = arith.addi %mul3A_2, %add3A_9 : i32
    "tpu.region"() ({
      %run_scoped3A = tpu.sem_alloc : memref<!tpu.dma_semaphore, #tpu.memory_space<semaphore_mem>>
      %dma_start3A = tpu.memref_slice %arg23[%add3A_10] : memref<100096xf32, #tpu.memory_space<vmem_shared>> -> memref<2048xf32, #tpu.memory_space<vmem_shared>>
      %dma_start3A_187 = tpu.memref_slice %arg23[%add3A_10] : memref<100096xf32, #tpu.memory_space<vmem_shared>> -> memref<2048xf32, #tpu.memory_space<vmem_shared>>
      tpu.enqueue_dma source(%arg20 : memref<2048xf32, #tpu.memory_space<vmem>>) target(%dma_start3A_187 : memref<2048xf32, #tpu.memory_space<vmem_shared>>) target_semaphore(%run_scoped3A : memref<!tpu.dma_semaphore, #tpu.memory_space<semaphore_mem>>)
      %dma_wait3A = tpu.memref_slice %arg23[%add3A_10] : memref<100096xf32, #tpu.memory_space<vmem_shared>> -> memref<2048xf32, #tpu.memory_space<vmem_shared>>
      %dma_wait3A_188 = tpu.memref_slice %arg23[%add3A_10] : memref<100096xf32, #tpu.memory_space<vmem_shared>> -> memref<2048xf32, #tpu.memory_space<vmem_shared>>
      tpu.wait_dma2 semaphore(%run_scoped3A : memref<!tpu.dma_semaphore, #tpu.memory_space<semaphore_mem>>) src(%arg20 : memref<2048xf32, #tpu.memory_space<vmem>>) dst(%dma_wait3A_188 : memref<2048xf32, #tpu.memory_space<vmem_shared>>)
      tpu.yield
    }) : () -> ()
    %add3A_11 = arith.constant 4096 : i32
    %add3A_12 = arith.addi %mul3A_2, %add3A_11 : i32
    "tpu.region"() ({
      %run_scoped3A = tpu.sem_alloc : memref<!tpu.dma_semaphore, #tpu.memory_space<semaphore_mem>>
      %dma_start3A = tpu.memref_slice %arg23[%add3A_12] : memref<100096xf32, #tpu.memory_space<vmem_shared>> -> memref<2048xf32, #tpu.memory_space<vmem_shared>>
      %dma_start3A_187 = tpu.memref_slice %arg23[%add3A_12] : memref<100096xf32, #tpu.memory_space<vmem_shared>> -> memref<2048xf32, #tpu.memory_space<vmem_shared>>
      tpu.enqueue_dma source(%arg20 : memref<2048xf32, #tpu.memory_space<vmem>>) target(%dma_start3A_187 : memref<2048xf32, #tpu.memory_space<vmem_shared>>) target_semaphore(%run_scoped3A : memref<!tpu.dma_semaphore, #tpu.memory_space<semaphore_mem>>)
      %dma_wait3A = tpu.memref_slice %arg23[%add3A_12] : memref<100096xf32, #tpu.memory_space<vmem_shared>> -> memref<2048xf32, #tpu.memory_space<vmem_shared>>
      %dma_wait3A_188 = tpu.memref_slice %arg23[%add3A_12] : memref<100096xf32, #tpu.memory_space<vmem_shared>> -> memref<2048xf32, #tpu.memory_space<vmem_shared>>
      tpu.wait_dma2 semaphore(%run_scoped3A : memref<!tpu.dma_semaphore, #tpu.memory_space<semaphore_mem>>) src(%arg20 : memref<2048xf32, #tpu.memory_space<vmem>>) dst(%dma_wait3A_188 : memref<2048xf32, #tpu.memory_space<vmem_shared>>)
      tpu.yield
    }) : () -> ()
    %add3A_13 = arith.constant 6144 : i32
    %add3A_14 = arith.addi %mul3A_2, %add3A_13 : i32
    "tpu.region"() ({
      %run_scoped3A = tpu.sem_alloc : memref<!tpu.dma_semaphore, #tpu.memory_space<semaphore_mem>>
      %dma_start3A = arith.constant 0 : i32
      %dma_start3A_187 = tpu.memref_slice %arg20[%dma_start3A] : memref<2048xf32, #tpu.memory_space<vmem>> -> memref<112xf32, #tpu.memory_space<vmem>>
      %dma_start3A_188 = tpu.memref_slice %arg23[%add3A_14] : memref<100096xf32, #tpu.memory_space<vmem_shared>> -> memref<112xf32, #tpu.memory_space<vmem_shared>>
      %dma_start3A_189 = tpu.memref_slice %arg23[%add3A_14] : memref<100096xf32, #tpu.memory_space<vmem_shared>> -> memref<112xf32, #tpu.memory_space<vmem_shared>>
      %dma_start3A_190 = arith.constant 0 : i32
      %dma_start3A_191 = tpu.memref_slice %arg20[%dma_start3A_190] : memref<2048xf32, #tpu.memory_space<vmem>> -> memref<112xf32, #tpu.memory_space<vmem>>
      tpu.enqueue_dma source(%dma_start3A_191 : memref<112xf32, #tpu.memory_space<vmem>>) target(%dma_start3A_189 : memref<112xf32, #tpu.memory_space<vmem_shared>>) target_semaphore(%run_scoped3A : memref<!tpu.dma_semaphore, #tpu.memory_space<semaphore_mem>>)
      %dma_wait3A = arith.constant 0 : i32
      %dma_wait3A_192 = tpu.memref_slice %arg20[%dma_wait3A] : memref<2048xf32, #tpu.memory_space<vmem>> -> memref<112xf32, #tpu.memory_space<vmem>>
      %dma_wait3A_193 = tpu.memref_slice %arg23[%add3A_14] : memref<100096xf32, #tpu.memory_space<vmem_shared>> -> memref<112xf32, #tpu.memory_space<vmem_shared>>
      %dma_wait3A_194 = tpu.memref_slice %arg23[%add3A_14] : memref<100096xf32, #tpu.memory_space<vmem_shared>> -> memref<112xf32, #tpu.memory_space<vmem_shared>>
      %dma_wait3A_195 = arith.constant 0 : i32
      %dma_wait3A_196 = tpu.memref_slice %arg20[%dma_wait3A_195] : memref<2048xf32, #tpu.memory_space<vmem>> -> memref<112xf32, #tpu.memory_space<vmem>>
      tpu.wait_dma2 semaphore(%run_scoped3A : memref<!tpu.dma_semaphore, #tpu.memory_space<semaphore_mem>>) src(%dma_wait3A_196 : memref<112xf32, #tpu.memory_space<vmem>>) dst(%dma_wait3A_194 : memref<112xf32, #tpu.memory_space<vmem_shared>>)
      tpu.yield
    }) : () -> ()
    "tpu.region"() ({
      %run_scoped3A = tpu.sem_alloc : memref<!tpu.dma_semaphore, #tpu.memory_space<semaphore_mem>>
      tpu.enqueue_dma source(%arg5 : memref<3x16xf32, #tpu.memory_space<hbm>>) target(%arg21 : memref<3x16xf32, #tpu.memory_space<vmem>>) target_semaphore(%run_scoped3A : memref<!tpu.dma_semaphore, #tpu.memory_space<semaphore_mem>>)
      tpu.wait_dma2 semaphore(%run_scoped3A : memref<!tpu.dma_semaphore, #tpu.memory_space<semaphore_mem>>) src(%arg5 : memref<3x16xf32, #tpu.memory_space<hbm>>) dst(%arg21 : memref<3x16xf32, #tpu.memory_space<vmem>>)
      tpu.yield
    }) : () -> ()
    %barrier3A = arith.constant 0 : index
    tpu.barrier barrier_id(%barrier3A)
    %mul3A_15 = arith.constant 293 : i32
    %mul3A_16 = arith.muli %add3A, %mul3A_15 : i32
    %sub3A = arith.constant 9375 : i32
    %sub3A_17 = arith.subi %sub3A, %mul3A_16 : i32
    %min3A = arith.constant 293 : i32
    %min3A_18 = arith.minsi %min3A, %sub3A_17 : i32
    %gt3A = arith.constant 0 : i32
    %gt3A_19 = arith.cmpi sgt, %min3A_18, %gt3A : i32
    %convert_element_type3A = arith.extui %gt3A_19 : i1 to i32
    %cond3A = arith.constant 0 : i32
    %cond3A_20 = arith.cmpi ne, %convert_element_type3A, %cond3A : i32
    scf.if %cond3A_20 {
      %add3A_187 = arith.constant 0 : i32
      %add3A_188 = arith.addi %mul3A_16, %add3A_187 : i32
      %jit3A_189 = arith.constant 3125 : i32
      %div3A = arith.divsi %add3A_188, %jit3A_189 : i32
      %sign3A = arith.constant 0 : i32
      %sign3A_190 = arith.cmpi sgt, %add3A_188, %sign3A : i32
      %sign3A_191 = arith.extui %sign3A_190 : i1 to i32
      %sign3A_192 = arith.constant 0 : i32
      %sign3A_193 = arith.cmpi slt, %add3A_188, %sign3A_192 : i32
      %sign3A_194 = arith.extui %sign3A_193 : i1 to i32
      %sign3A_195 = arith.subi %sign3A_191, %sign3A_194 : i32
      %sign3A_196 = arith.constant 0 : i32
      %sign3A_197 = arith.cmpi sgt, %jit3A_189, %sign3A_196 : i32
      %sign3A_198 = arith.extui %sign3A_197 : i1 to i32
      %sign3A_199 = arith.constant 0 : i32
      %sign3A_200 = arith.cmpi slt, %jit3A_189, %sign3A_199 : i32
      %sign3A_201 = arith.extui %sign3A_200 : i1 to i32
      %sign3A_202 = arith.subi %sign3A_198, %sign3A_201 : i32
      %ne3A_203 = arith.cmpi ne, %sign3A_195, %sign3A_202 : i32
      %rem3A_204 = arith.remsi %add3A_188, %jit3A_189 : i32
      %ne3A_205 = arith.constant 0 : i32
      %ne3A_206 = arith.cmpi ne, %rem3A_204, %ne3A_205 : i32
      %and3A_207 = arith.andi %ne3A_203, %ne3A_206 : i1
      %sub3A_208 = arith.constant 1 : i32
      %sub3A_209 = arith.subi %div3A, %sub3A_208 : i32
      %select_n3A_210 = arith.select %and3A_207, %sub3A_209, %div3A : i32
      %mul3A_211 = arith.constant 3125 : i32
      %mul3A_212 = arith.muli %select_n3A_210, %mul3A_211 : i32
      %sub3A_213 = arith.subi %add3A_188, %mul3A_212 : i32
      %mul3A_214 = arith.constant 1024 : i32
      %mul3A_215 = arith.muli %sub3A_213, %mul3A_214 : i32
      %dma_start3A = arith.constant 0 : i32
      %dma_start3A_216 = tpu.memref_slice %arg3[%select_n3A_210, %dma_start3A, %mul3A_215] : memref<3x2x3200000xi32, #tpu.memory_space<hbm>> -> memref<1x1x1024xi32, #tpu.memory_space<hbm>>
      %dma_start3A_217 = tpu.memref_squeeze %dma_start3A_216 : memref<1x1x1024xi32, #tpu.memory_space<hbm>> -> memref<1024xi32, #tpu.memory_space<hbm>>
      %dma_start3A_218 = tpu.memref_slice %arg3[%select_n3A_210, %dma_start3A, %mul3A_215] : memref<3x2x3200000xi32, #tpu.memory_space<hbm>> -> memref<1x1x1024xi32, #tpu.memory_space<hbm>>
      %dma_start3A_219 = tpu.memref_squeeze %dma_start3A_218 : memref<1x1x1024xi32, #tpu.memory_space<hbm>> -> memref<1024xi32, #tpu.memory_space<hbm>>
      tpu.enqueue_dma source(%dma_start3A_219 : memref<1024xi32, #tpu.memory_space<hbm>>) target(%arg8 : memref<1024xi32, #tpu.memory_space<vmem>>) target_semaphore(%arg24 : memref<!tpu.dma_semaphore, #tpu.memory_space<semaphore_mem>>)
      %dma_start3A_220 = arith.constant 1 : i32
      %dma_start3A_221 = tpu.memref_slice %arg3[%select_n3A_210, %dma_start3A_220, %mul3A_215] : memref<3x2x3200000xi32, #tpu.memory_space<hbm>> -> memref<1x1x1024xi32, #tpu.memory_space<hbm>>
      %dma_start3A_222 = tpu.memref_squeeze %dma_start3A_221 : memref<1x1x1024xi32, #tpu.memory_space<hbm>> -> memref<1024xi32, #tpu.memory_space<hbm>>
      %dma_start3A_223 = tpu.memref_slice %arg3[%select_n3A_210, %dma_start3A_220, %mul3A_215] : memref<3x2x3200000xi32, #tpu.memory_space<hbm>> -> memref<1x1x1024xi32, #tpu.memory_space<hbm>>
      %dma_start3A_224 = tpu.memref_squeeze %dma_start3A_223 : memref<1x1x1024xi32, #tpu.memory_space<hbm>> -> memref<1024xi32, #tpu.memory_space<hbm>>
      tpu.enqueue_dma source(%dma_start3A_224 : memref<1024xi32, #tpu.memory_space<hbm>>) target(%arg9 : memref<1024xi32, #tpu.memory_space<vmem>>) target_semaphore(%arg24 : memref<!tpu.dma_semaphore, #tpu.memory_space<semaphore_mem>>)
      %dma_start3A_225 = tpu.memref_slice %arg4[%select_n3A_210, %mul3A_215] : memref<3x3200000xf32, #tpu.memory_space<hbm>> -> memref<1x1024xf32, #tpu.memory_space<hbm>>
      %dma_start3A_226 = tpu.memref_squeeze %dma_start3A_225 : memref<1x1024xf32, #tpu.memory_space<hbm>> -> memref<1024xf32, #tpu.memory_space<hbm>>
      %dma_start3A_227 = tpu.memref_slice %arg4[%select_n3A_210, %mul3A_215] : memref<3x3200000xf32, #tpu.memory_space<hbm>> -> memref<1x1024xf32, #tpu.memory_space<hbm>>
      %dma_start3A_228 = tpu.memref_squeeze %dma_start3A_227 : memref<1x1024xf32, #tpu.memory_space<hbm>> -> memref<1024xf32, #tpu.memory_space<hbm>>
      tpu.enqueue_dma source(%dma_start3A_228 : memref<1024xf32, #tpu.memory_space<hbm>>) target(%arg10 : memref<1024xf32, #tpu.memory_space<vmem>>) target_semaphore(%arg24 : memref<!tpu.dma_semaphore, #tpu.memory_space<semaphore_mem>>)
    } else {
    }
    %scan3A_21 = arith.constant 0 : i32
    %scan3A_22 = arith.constant 0 : i32
    %scan3A_23 = arith.constant 98 : i32
    %scan3A_24 = arith.addi %scan3A_22, %scan3A_23 : i32
    %scan3A_25 = arith.constant 1 : i32
    %scan3A_26 = scf.for %scan3A_187 = %scan3A_22 to %scan3A_24 step %scan3A_25 iter_args(%scan3A_188 = %scan3A_21) -> (i32)  : i32 {
      %mul3A_189 = arith.constant 3 : i32
      %mul3A_190 = arith.muli %scan3A_187, %mul3A_189 : i32
      %add3A_191 = arith.constant 0 : i32
      %add3A_192 = arith.addi %mul3A_190, %add3A_191 : i32
      %lt3A_193 = arith.cmpi slt, %add3A_192, %min3A_18 : i32
      %convert_element_type3A_194 = arith.extui %lt3A_193 : i1 to i32
      %cond3A_195 = arith.constant 0 : i32
      %cond3A_196 = arith.cmpi ne, %convert_element_type3A_194, %cond3A_195 : i32
      scf.if %cond3A_196 {
        %ge3A_214 = arith.constant 2 : i32
        %ge3A_215 = arith.cmpi sge, %add3A_192, %ge3A_214 : i32
        %convert_element_type3A_216 = arith.extui %ge3A_215 : i1 to i32
        %cond3A_217 = arith.constant 0 : i32
        %cond3A_218 = arith.cmpi ne, %convert_element_type3A_216, %cond3A_217 : i32
        scf.if %cond3A_218 {
          %dma_wait3A_326 = arith.constant 0 : i32
          %dma_wait3A_327 = tpu.memref_slice %arg15[%dma_wait3A_326] : memref<1024xf32, #tpu.memory_space<vmem>> -> memref<128xf32, #tpu.memory_space<vmem>>
          %dma_wait3A_328 = arith.constant 0 : i32
          %dma_wait3A_329 = tpu.memref_slice %arg13[%dma_wait3A_328] : memref<1024xi32, #tpu.memory_space<vmem>> -> memref<128xi32, #tpu.memory_space<vmem>>
          %dma_wait3A_330 = arith.constant 0 : i32
          %dma_wait3A_331 = tpu.memref_slice %arg23[%dma_wait3A_330] : memref<100096xf32, #tpu.memory_space<vmem_shared>> -> memref<100096xf32, #tpu.memory_space<vmem_shared>>
          tpu.wait_indirect_dma semaphore(%arg28 : memref<!tpu.dma_semaphore, #tpu.memory_space<semaphore_mem>>) src(%dma_wait3A_327 : memref<128xf32, #tpu.memory_space<vmem>>) dst(%dma_wait3A_331 : memref<100096xf32, #tpu.memory_space<vmem_shared>>)
          %dma_wait3A_332 = arith.constant 128 : i32
          %dma_wait3A_333 = tpu.memref_slice %arg15[%dma_wait3A_332] : memref<1024xf32, #tpu.memory_space<vmem>> -> memref<128xf32, #tpu.memory_space<vmem>>
          %dma_wait3A_334 = arith.constant 128 : i32
          %dma_wait3A_335 = tpu.memref_slice %arg13[%dma_wait3A_334] : memref<1024xi32, #tpu.memory_space<vmem>> -> memref<128xi32, #tpu.memory_space<vmem>>
          %dma_wait3A_336 = arith.constant 0 : i32
          %dma_wait3A_337 = tpu.memref_slice %arg23[%dma_wait3A_336] : memref<100096xf32, #tpu.memory_space<vmem_shared>> -> memref<100096xf32, #tpu.memory_space<vmem_shared>>
          tpu.wait_indirect_dma semaphore(%arg28 : memref<!tpu.dma_semaphore, #tpu.memory_space<semaphore_mem>>) src(%dma_wait3A_333 : memref<128xf32, #tpu.memory_space<vmem>>) dst(%dma_wait3A_337 : memref<100096xf32, #tpu.memory_space<vmem_shared>>)
          %dma_wait3A_338 = arith.constant 256 : i32
          %dma_wait3A_339 = tpu.memref_slice %arg15[%dma_wait3A_338] : memref<1024xf32, #tpu.memory_space<vmem>> -> memref<128xf32, #tpu.memory_space<vmem>>
          %dma_wait3A_340 = arith.constant 256 : i32
          %dma_wait3A_341 = tpu.memref_slice %arg13[%dma_wait3A_340] : memref<1024xi32, #tpu.memory_space<vmem>> -> memref<128xi32, #tpu.memory_space<vmem>>
          %dma_wait3A_342 = arith.constant 0 : i32
          %dma_wait3A_343 = tpu.memref_slice %arg23[%dma_wait3A_342] : memref<100096xf32, #tpu.memory_space<vmem_shared>> -> memref<100096xf32, #tpu.memory_space<vmem_shared>>
          tpu.wait_indirect_dma semaphore(%arg28 : memref<!tpu.dma_semaphore, #tpu.memory_space<semaphore_mem>>) src(%dma_wait3A_339 : memref<128xf32, #tpu.memory_space<vmem>>) dst(%dma_wait3A_343 : memref<100096xf32, #tpu.memory_space<vmem_shared>>)
          %dma_wait3A_344 = arith.constant 384 : i32
          %dma_wait3A_345 = tpu.memref_slice %arg15[%dma_wait3A_344] : memref<1024xf32, #tpu.memory_space<vmem>> -> memref<128xf32, #tpu.memory_space<vmem>>
          %dma_wait3A_346 = arith.constant 384 : i32
          %dma_wait3A_347 = tpu.memref_slice %arg13[%dma_wait3A_346] : memref<1024xi32, #tpu.memory_space<vmem>> -> memref<128xi32, #tpu.memory_space<vmem>>
          %dma_wait3A_348 = arith.constant 0 : i32
          %dma_wait3A_349 = tpu.memref_slice %arg23[%dma_wait3A_348] : memref<100096xf32, #tpu.memory_space<vmem_shared>> -> memref<100096xf32, #tpu.memory_space<vmem_shared>>
          tpu.wait_indirect_dma semaphore(%arg28 : memref<!tpu.dma_semaphore, #tpu.memory_space<semaphore_mem>>) src(%dma_wait3A_345 : memref<128xf32, #tpu.memory_space<vmem>>) dst(%dma_wait3A_349 : memref<100096xf32, #tpu.memory_space<vmem_shared>>)
          %dma_wait3A_350 = arith.constant 512 : i32
          %dma_wait3A_351 = tpu.memref_slice %arg15[%dma_wait3A_350] : memref<1024xf32, #tpu.memory_space<vmem>> -> memref<128xf32, #tpu.memory_space<vmem>>
          %dma_wait3A_352 = arith.constant 512 : i32
          %dma_wait3A_353 = tpu.memref_slice %arg13[%dma_wait3A_352] : memref<1024xi32, #tpu.memory_space<vmem>> -> memref<128xi32, #tpu.memory_space<vmem>>
          %dma_wait3A_354 = arith.constant 0 : i32
          %dma_wait3A_355 = tpu.memref_slice %arg23[%dma_wait3A_354] : memref<100096xf32, #tpu.memory_space<vmem_shared>> -> memref<100096xf32, #tpu.memory_space<vmem_shared>>
          tpu.wait_indirect_dma semaphore(%arg28 : memref<!tpu.dma_semaphore, #tpu.memory_space<semaphore_mem>>) src(%dma_wait3A_351 : memref<128xf32, #tpu.memory_space<vmem>>) dst(%dma_wait3A_355 : memref<100096xf32, #tpu.memory_space<vmem_shared>>)
          %dma_wait3A_356 = arith.constant 640 : i32
          %dma_wait3A_357 = tpu.memref_slice %arg15[%dma_wait3A_356] : memref<1024xf32, #tpu.memory_space<vmem>> -> memref<128xf32, #tpu.memory_space<vmem>>
          %dma_wait3A_358 = arith.constant 640 : i32
          %dma_wait3A_359 = tpu.memref_slice %arg13[%dma_wait3A_358] : memref<1024xi32, #tpu.memory_space<vmem>> -> memref<128xi32, #tpu.memory_space<vmem>>
          %dma_wait3A_360 = arith.constant 0 : i32
          %dma_wait3A_361 = tpu.memref_slice %arg23[%dma_wait3A_360] : memref<100096xf32, #tpu.memory_space<vmem_shared>> -> memref<100096xf32, #tpu.memory_space<vmem_shared>>
          tpu.wait_indirect_dma semaphore(%arg28 : memref<!tpu.dma_semaphore, #tpu.memory_space<semaphore_mem>>) src(%dma_wait3A_357 : memref<128xf32, #tpu.memory_space<vmem>>) dst(%dma_wait3A_361 : memref<100096xf32, #tpu.memory_space<vmem_shared>>)
          %dma_wait3A_362 = arith.constant 768 : i32
          %dma_wait3A_363 = tpu.memref_slice %arg15[%dma_wait3A_362] : memref<1024xf32, #tpu.memory_space<vmem>> -> memref<128xf32, #tpu.memory_space<vmem>>
          %dma_wait3A_364 = arith.constant 768 : i32
          %dma_wait3A_365 = tpu.memref_slice %arg13[%dma_wait3A_364] : memref<1024xi32, #tpu.memory_space<vmem>> -> memref<128xi32, #tpu.memory_space<vmem>>
          %dma_wait3A_366 = arith.constant 0 : i32
          %dma_wait3A_367 = tpu.memref_slice %arg23[%dma_wait3A_366] : memref<100096xf32, #tpu.memory_space<vmem_shared>> -> memref<100096xf32, #tpu.memory_space<vmem_shared>>
          tpu.wait_indirect_dma semaphore(%arg28 : memref<!tpu.dma_semaphore, #tpu.memory_space<semaphore_mem>>) src(%dma_wait3A_363 : memref<128xf32, #tpu.memory_space<vmem>>) dst(%dma_wait3A_367 : memref<100096xf32, #tpu.memory_space<vmem_shared>>)
          %dma_wait3A_368 = arith.constant 896 : i32
          %dma_wait3A_369 = tpu.memref_slice %arg15[%dma_wait3A_368] : memref<1024xf32, #tpu.memory_space<vmem>> -> memref<128xf32, #tpu.memory_space<vmem>>
          %dma_wait3A_370 = arith.constant 896 : i32
          %dma_wait3A_371 = tpu.memref_slice %arg13[%dma_wait3A_370] : memref<1024xi32, #tpu.memory_space<vmem>> -> memref<128xi32, #tpu.memory_space<vmem>>
          %dma_wait3A_372 = arith.constant 0 : i32
          %dma_wait3A_373 = tpu.memref_slice %arg23[%dma_wait3A_372] : memref<100096xf32, #tpu.memory_space<vmem_shared>> -> memref<100096xf32, #tpu.memory_space<vmem_shared>>
          tpu.wait_indirect_dma semaphore(%arg28 : memref<!tpu.dma_semaphore, #tpu.memory_space<semaphore_mem>>) src(%dma_wait3A_369 : memref<128xf32, #tpu.memory_space<vmem>>) dst(%dma_wait3A_373 : memref<100096xf32, #tpu.memory_space<vmem_shared>>)
        } else {
        }
        %add3A_219 = arith.constant 1 : i32
        %add3A_220 = arith.addi %add3A_192, %add3A_219 : i32
        %lt3A_221 = arith.cmpi slt, %add3A_220, %min3A_18 : i32
        %convert_element_type3A_222 = arith.extui %lt3A_221 : i1 to i32
        %cond3A_223 = arith.constant 0 : i32
        %cond3A_224 = arith.cmpi ne, %convert_element_type3A_222, %cond3A_223 : i32
        scf.if %cond3A_224 {
          %add3A_326 = arith.constant 1 : i32
          %add3A_327 = arith.addi %add3A_192, %add3A_326 : i32
          %add3A_328 = arith.addi %mul3A_16, %add3A_327 : i32
          %jit3A_329 = arith.constant 3125 : i32
          %div3A_330 = arith.divsi %add3A_328, %jit3A_329 : i32
          %sign3A_331 = arith.constant 0 : i32
          %sign3A_332 = arith.cmpi sgt, %add3A_328, %sign3A_331 : i32
          %sign3A_333 = arith.extui %sign3A_332 : i1 to i32
          %sign3A_334 = arith.constant 0 : i32
          %sign3A_335 = arith.cmpi slt, %add3A_328, %sign3A_334 : i32
          %sign3A_336 = arith.extui %sign3A_335 : i1 to i32
          %sign3A_337 = arith.subi %sign3A_333, %sign3A_336 : i32
          %sign3A_338 = arith.constant 0 : i32
          %sign3A_339 = arith.cmpi sgt, %jit3A_329, %sign3A_338 : i32
          %sign3A_340 = arith.extui %sign3A_339 : i1 to i32
          %sign3A_341 = arith.constant 0 : i32
          %sign3A_342 = arith.cmpi slt, %jit3A_329, %sign3A_341 : i32
          %sign3A_343 = arith.extui %sign3A_342 : i1 to i32
          %sign3A_344 = arith.subi %sign3A_340, %sign3A_343 : i32
          %ne3A_345 = arith.cmpi ne, %sign3A_337, %sign3A_344 : i32
          %rem3A_346 = arith.remsi %add3A_328, %jit3A_329 : i32
          %ne3A_347 = arith.constant 0 : i32
          %ne3A_348 = arith.cmpi ne, %rem3A_346, %ne3A_347 : i32
          %and3A_349 = arith.andi %ne3A_345, %ne3A_348 : i1
          %sub3A_350 = arith.constant 1 : i32
          %sub3A_351 = arith.subi %div3A_330, %sub3A_350 : i32
          %select_n3A_352 = arith.select %and3A_349, %sub3A_351, %div3A_330 : i32
          %mul3A_353 = arith.constant 3125 : i32
          %mul3A_354 = arith.muli %select_n3A_352, %mul3A_353 : i32
          %sub3A_355 = arith.subi %add3A_328, %mul3A_354 : i32
          %mul3A_356 = arith.constant 1024 : i32
          %mul3A_357 = arith.muli %sub3A_355, %mul3A_356 : i32
          %dma_start3A_358 = arith.constant 0 : i32
          %dma_start3A_359 = tpu.memref_slice %arg3[%select_n3A_352, %dma_start3A_358, %mul3A_357] : memref<3x2x3200000xi32, #tpu.memory_space<hbm>> -> memref<1x1x1024xi32, #tpu.memory_space<hbm>>
          %dma_start3A_360 = tpu.memref_squeeze %dma_start3A_359 : memref<1x1x1024xi32, #tpu.memory_space<hbm>> -> memref<1024xi32, #tpu.memory_space<hbm>>
          %dma_start3A_361 = tpu.memref_slice %arg3[%select_n3A_352, %dma_start3A_358, %mul3A_357] : memref<3x2x3200000xi32, #tpu.memory_space<hbm>> -> memref<1x1x1024xi32, #tpu.memory_space<hbm>>
          %dma_start3A_362 = tpu.memref_squeeze %dma_start3A_361 : memref<1x1x1024xi32, #tpu.memory_space<hbm>> -> memref<1024xi32, #tpu.memory_space<hbm>>
          tpu.enqueue_dma source(%dma_start3A_362 : memref<1024xi32, #tpu.memory_space<hbm>>) target(%arg12 : memref<1024xi32, #tpu.memory_space<vmem>>) target_semaphore(%arg25 : memref<!tpu.dma_semaphore, #tpu.memory_space<semaphore_mem>>)
          %dma_start3A_363 = arith.constant 1 : i32
          %dma_start3A_364 = tpu.memref_slice %arg3[%select_n3A_352, %dma_start3A_363, %mul3A_357] : memref<3x2x3200000xi32, #tpu.memory_space<hbm>> -> memref<1x1x1024xi32, #tpu.memory_space<hbm>>
          %dma_start3A_365 = tpu.memref_squeeze %dma_start3A_364 : memref<1x1x1024xi32, #tpu.memory_space<hbm>> -> memref<1024xi32, #tpu.memory_space<hbm>>
          %dma_start3A_366 = tpu.memref_slice %arg3[%select_n3A_352, %dma_start3A_363, %mul3A_357] : memref<3x2x3200000xi32, #tpu.memory_space<hbm>> -> memref<1x1x1024xi32, #tpu.memory_space<hbm>>
          %dma_start3A_367 = tpu.memref_squeeze %dma_start3A_366 : memref<1x1x1024xi32, #tpu.memory_space<hbm>> -> memref<1024xi32, #tpu.memory_space<hbm>>
          tpu.enqueue_dma source(%dma_start3A_367 : memref<1024xi32, #tpu.memory_space<hbm>>) target(%arg13 : memref<1024xi32, #tpu.memory_space<vmem>>) target_semaphore(%arg25 : memref<!tpu.dma_semaphore, #tpu.memory_space<semaphore_mem>>)
          %dma_start3A_368 = tpu.memref_slice %arg4[%select_n3A_352, %mul3A_357] : memref<3x3200000xf32, #tpu.memory_space<hbm>> -> memref<1x1024xf32, #tpu.memory_space<hbm>>
          %dma_start3A_369 = tpu.memref_squeeze %dma_start3A_368 : memref<1x1024xf32, #tpu.memory_space<hbm>> -> memref<1024xf32, #tpu.memory_space<hbm>>
          %dma_start3A_370 = tpu.memref_slice %arg4[%select_n3A_352, %mul3A_357] : memref<3x3200000xf32, #tpu.memory_space<hbm>> -> memref<1x1024xf32, #tpu.memory_space<hbm>>
          %dma_start3A_371 = tpu.memref_squeeze %dma_start3A_370 : memref<1x1024xf32, #tpu.memory_space<hbm>> -> memref<1024xf32, #tpu.memory_space<hbm>>
          tpu.enqueue_dma source(%dma_start3A_371 : memref<1024xf32, #tpu.memory_space<hbm>>) target(%arg14 : memref<1024xf32, #tpu.memory_space<vmem>>) target_semaphore(%arg25 : memref<!tpu.dma_semaphore, #tpu.memory_space<semaphore_mem>>)
        } else {
        }
        %dma_wait3A = arith.constant 0 : i32
        %dma_wait3A_225 = arith.constant 0 : i32
        %dma_wait3A_226 = arith.constant 0 : i32
        %dma_wait3A_227 = tpu.memref_slice %arg3[%dma_wait3A, %dma_wait3A_225, %dma_wait3A_226] : memref<3x2x3200000xi32, #tpu.memory_space<hbm>> -> memref<1x1x1024xi32, #tpu.memory_space<hbm>>
        %dma_wait3A_228 = tpu.memref_squeeze %dma_wait3A_227 : memref<1x1x1024xi32, #tpu.memory_space<hbm>> -> memref<1024xi32, #tpu.memory_space<hbm>>
        %dma_wait3A_229 = arith.constant 0 : i32
        %dma_wait3A_230 = tpu.memref_slice %arg3[%dma_wait3A, %dma_wait3A_225, %dma_wait3A_229] : memref<3x2x3200000xi32, #tpu.memory_space<hbm>> -> memref<1x1x1024xi32, #tpu.memory_space<hbm>>
        %dma_wait3A_231 = tpu.memref_squeeze %dma_wait3A_230 : memref<1x1x1024xi32, #tpu.memory_space<hbm>> -> memref<1024xi32, #tpu.memory_space<hbm>>
        tpu.wait_dma2 semaphore(%arg24 : memref<!tpu.dma_semaphore, #tpu.memory_space<semaphore_mem>>) src(%dma_wait3A_231 : memref<1024xi32, #tpu.memory_space<hbm>>) dst(%arg8 : memref<1024xi32, #tpu.memory_space<vmem>>)
        %dma_wait3A_232 = arith.constant 0 : i32
        %dma_wait3A_233 = arith.constant 1 : i32
        %dma_wait3A_234 = arith.constant 0 : i32
        %dma_wait3A_235 = tpu.memref_slice %arg3[%dma_wait3A_232, %dma_wait3A_233, %dma_wait3A_234] : memref<3x2x3200000xi32, #tpu.memory_space<hbm>> -> memref<1x1x1024xi32, #tpu.memory_space<hbm>>
        %dma_wait3A_236 = tpu.memref_squeeze %dma_wait3A_235 : memref<1x1x1024xi32, #tpu.memory_space<hbm>> -> memref<1024xi32, #tpu.memory_space<hbm>>
        %dma_wait3A_237 = arith.constant 0 : i32
        %dma_wait3A_238 = tpu.memref_slice %arg3[%dma_wait3A_232, %dma_wait3A_233, %dma_wait3A_237] : memref<3x2x3200000xi32, #tpu.memory_space<hbm>> -> memref<1x1x1024xi32, #tpu.memory_space<hbm>>
        %dma_wait3A_239 = tpu.memref_squeeze %dma_wait3A_238 : memref<1x1x1024xi32, #tpu.memory_space<hbm>> -> memref<1024xi32, #tpu.memory_space<hbm>>
        tpu.wait_dma2 semaphore(%arg24 : memref<!tpu.dma_semaphore, #tpu.memory_space<semaphore_mem>>) src(%dma_wait3A_239 : memref<1024xi32, #tpu.memory_space<hbm>>) dst(%arg9 : memref<1024xi32, #tpu.memory_space<vmem>>)
        %dma_wait3A_240 = arith.constant 0 : i32
        %dma_wait3A_241 = arith.constant 0 : i32
        %dma_wait3A_242 = tpu.memref_slice %arg4[%dma_wait3A_240, %dma_wait3A_241] : memref<3x3200000xf32, #tpu.memory_space<hbm>> -> memref<1x1024xf32, #tpu.memory_space<hbm>>
        %dma_wait3A_243 = tpu.memref_squeeze %dma_wait3A_242 : memref<1x1024xf32, #tpu.memory_space<hbm>> -> memref<1024xf32, #tpu.memory_space<hbm>>
        %dma_wait3A_244 = arith.constant 0 : i32
        %dma_wait3A_245 = tpu.memref_slice %arg4[%dma_wait3A_240, %dma_wait3A_244] : memref<3x3200000xf32, #tpu.memory_space<hbm>> -> memref<1x1024xf32, #tpu.memory_space<hbm>>
        %dma_wait3A_246 = tpu.memref_squeeze %dma_wait3A_245 : memref<1x1024xf32, #tpu.memory_space<hbm>> -> memref<1024xf32, #tpu.memory_space<hbm>>
        tpu.wait_dma2 semaphore(%arg24 : memref<!tpu.dma_semaphore, #tpu.memory_space<semaphore_mem>>) src(%dma_wait3A_246 : memref<1024xf32, #tpu.memory_space<hbm>>) dst(%arg10 : memref<1024xf32, #tpu.memory_space<vmem>>)
        %add3A_247 = arith.addi %mul3A_16, %add3A_192 : i32
        %jit3A_248 = arith.constant 3125 : i32
        %div3A = arith.divsi %add3A_247, %jit3A_248 : i32
        %sign3A = arith.constant 0 : i32
        %sign3A_249 = arith.cmpi sgt, %add3A_247, %sign3A : i32
        %sign3A_250 = arith.extui %sign3A_249 : i1 to i32
        %sign3A_251 = arith.constant 0 : i32
        %sign3A_252 = arith.cmpi slt, %add3A_247, %sign3A_251 : i32
        %sign3A_253 = arith.extui %sign3A_252 : i1 to i32
        %sign3A_254 = arith.subi %sign3A_250, %sign3A_253 : i32
        %sign3A_255 = arith.constant 0 : i32
        %sign3A_256 = arith.cmpi sgt, %jit3A_248, %sign3A_255 : i32
        %sign3A_257 = arith.extui %sign3A_256 : i1 to i32
        %sign3A_258 = arith.constant 0 : i32
        %sign3A_259 = arith.cmpi slt, %jit3A_248, %sign3A_258 : i32
        %sign3A_260 = arith.extui %sign3A_259 : i1 to i32
        %sign3A_261 = arith.subi %sign3A_257, %sign3A_260 : i32
        %ne3A_262 = arith.cmpi ne, %sign3A_254, %sign3A_261 : i32
        %rem3A_263 = arith.remsi %add3A_247, %jit3A_248 : i32
        %ne3A_264 = arith.constant 0 : i32
        %ne3A_265 = arith.cmpi ne, %rem3A_263, %ne3A_264 : i32
        %and3A_266 = arith.andi %ne3A_262, %ne3A_265 : i1
        %sub3A_267 = arith.constant 1 : i32
        %sub3A_268 = arith.subi %div3A, %sub3A_267 : i32
        %select_n3A_269 = arith.select %and3A_266, %sub3A_268, %div3A : i32
        %get3A = arith.index_cast %select_n3A_269 : i32 to index
        %get3A_270 = arith.constant 0 : index
        %get3A_271 = tpu.vector_load %arg21[%get3A, %get3A_270] {strides = array<i32>} : memref<3x16xf32, #tpu.memory_space<vmem>>, vector<16xf32>,
        %scan3A_272 = arith.constant 0 : i32
        %scan3A_273 = arith.constant 0 : i32
        %scan3A_274 = arith.constant 8 : i32
        %scan3A_275 = arith.addi %scan3A_273, %scan3A_274 : i32
        %scan3A_276 = arith.constant 1 : i32
        %scan3A_277 = scf.for %scan3A_326 = %scan3A_273 to %scan3A_275 step %scan3A_276 iter_args(%scan3A_327 = %scan3A_272) -> (i32)  : i32 {
          %mul3A_328 = arith.constant 128 : i32
          %mul3A_329 = arith.muli %scan3A_326, %mul3A_328 : i32
          %add3A_330 = arith.constant 0 : i32
          %add3A_331 = arith.addi %mul3A_329, %add3A_330 : i32
          %get3A_332 = arith.index_cast %add3A_331 : i32 to index
          %get3A_333 = tpu.vector_load %arg8[%get3A_332] {strides = array<i32>} : memref<1024xi32, #tpu.memory_space<vmem>>, vector<16xi32>,
          %gather3A = tpu.vector_load_idx %arg22[%get3A_333] : memref<100096xf32, #tpu.memory_space<vmem>>[vector<16xi32>], vector<16xf32>,
          %get3A_334 = arith.index_cast %add3A_331 : i32 to index
          %get3A_335 = tpu.vector_load %arg10[%get3A_334] {strides = array<i32>} : memref<1024xf32, #tpu.memory_space<vmem>>, vector<16xf32>,
          %mul3A_336 = arith.mulf %gather3A, %get3A_335 : vector<16xf32>
          %mul3A_337 = arith.mulf %mul3A_336, %get3A_271 : vector<16xf32>
          %swap3A = arith.index_cast %add3A_331 : i32 to index
          %swap3A_338 = tpu.vector_load %arg11[%swap3A] {strides = array<i32>} : memref<1024xf32, #tpu.memory_space<vmem>>, vector<16xf32>,
          tpu.vector_store %arg11[%swap3A], %mul3A_337 {strides = array<i32>} : memref<1024xf32, #tpu.memory_space<vmem>>, vector<16xf32>,
          %mul3A_339 = arith.constant 128 : i32
          %mul3A_340 = arith.muli %scan3A_326, %mul3A_339 : i32
          %add3A_341 = arith.constant 16 : i32
          %add3A_342 = arith.addi %mul3A_340, %add3A_341 : i32
          %get3A_343 = arith.index_cast %add3A_342 : i32 to index
          %get3A_344 = tpu.vector_load %arg8[%get3A_343] {strides = array<i32>} : memref<1024xi32, #tpu.memory_space<vmem>>, vector<16xi32>,
          %gather3A_345 = tpu.vector_load_idx %arg22[%get3A_344] : memref<100096xf32, #tpu.memory_space<vmem>>[vector<16xi32>], vector<16xf32>,
          %get3A_346 = arith.index_cast %add3A_342 : i32 to index
          %get3A_347 = tpu.vector_load %arg10[%get3A_346] {strides = array<i32>} : memref<1024xf32, #tpu.memory_space<vmem>>, vector<16xf32>,
          %mul3A_348 = arith.mulf %gather3A_345, %get3A_347 : vector<16xf32>
          %mul3A_349 = arith.mulf %mul3A_348, %get3A_271 : vector<16xf32>
          %swap3A_350 = arith.index_cast %add3A_342 : i32 to index
          %swap3A_351 = tpu.vector_load %arg11[%swap3A_350] {strides = array<i32>} : memref<1024xf32, #tpu.memory_space<vmem>>, vector<16xf32>,
          tpu.vector_store %arg11[%swap3A_350], %mul3A_349 {strides = array<i32>} : memref<1024xf32, #tpu.memory_space<vmem>>, vector<16xf32>,
          %mul3A_352 = arith.constant 128 : i32
          %mul3A_353 = arith.muli %scan3A_326, %mul3A_352 : i32
          %add3A_354 = arith.constant 32 : i32
          %add3A_355 = arith.addi %mul3A_353, %add3A_354 : i32
          %get3A_356 = arith.index_cast %add3A_355 : i32 to index
          %get3A_357 = tpu.vector_load %arg8[%get3A_356] {strides = array<i32>} : memref<1024xi32, #tpu.memory_space<vmem>>, vector<16xi32>,
          %gather3A_358 = tpu.vector_load_idx %arg22[%get3A_357] : memref<100096xf32, #tpu.memory_space<vmem>>[vector<16xi32>], vector<16xf32>,
          %get3A_359 = arith.index_cast %add3A_355 : i32 to index
          %get3A_360 = tpu.vector_load %arg10[%get3A_359] {strides = array<i32>} : memref<1024xf32, #tpu.memory_space<vmem>>, vector<16xf32>,
          %mul3A_361 = arith.mulf %gather3A_358, %get3A_360 : vector<16xf32>
          %mul3A_362 = arith.mulf %mul3A_361, %get3A_271 : vector<16xf32>
          %swap3A_363 = arith.index_cast %add3A_355 : i32 to index
          %swap3A_364 = tpu.vector_load %arg11[%swap3A_363] {strides = array<i32>} : memref<1024xf32, #tpu.memory_space<vmem>>, vector<16xf32>,
          tpu.vector_store %arg11[%swap3A_363], %mul3A_362 {strides = array<i32>} : memref<1024xf32, #tpu.memory_space<vmem>>, vector<16xf32>,
          %mul3A_365 = arith.constant 128 : i32
          %mul3A_366 = arith.muli %scan3A_326, %mul3A_365 : i32
          %add3A_367 = arith.constant 48 : i32
          %add3A_368 = arith.addi %mul3A_366, %add3A_367 : i32
          %get3A_369 = arith.index_cast %add3A_368 : i32 to index
          %get3A_370 = tpu.vector_load %arg8[%get3A_369] {strides = array<i32>} : memref<1024xi32, #tpu.memory_space<vmem>>, vector<16xi32>,
          %gather3A_371 = tpu.vector_load_idx %arg22[%get3A_370] : memref<100096xf32, #tpu.memory_space<vmem>>[vector<16xi32>], vector<16xf32>,
          %get3A_372 = arith.index_cast %add3A_368 : i32 to index
          %get3A_373 = tpu.vector_load %arg10[%get3A_372] {strides = array<i32>} : memref<1024xf32, #tpu.memory_space<vmem>>, vector<16xf32>,
          %mul3A_374 = arith.mulf %gather3A_371, %get3A_373 : vector<16xf32>
          %mul3A_375 = arith.mulf %mul3A_374, %get3A_271 : vector<16xf32>
          %swap3A_376 = arith.index_cast %add3A_368 : i32 to index
          %swap3A_377 = tpu.vector_load %arg11[%swap3A_376] {strides = array<i32>} : memref<1024xf32, #tpu.memory_space<vmem>>, vector<16xf32>,
          tpu.vector_store %arg11[%swap3A_376], %mul3A_375 {strides = array<i32>} : memref<1024xf32, #tpu.memory_space<vmem>>, vector<16xf32>,
          %mul3A_378 = arith.constant 128 : i32
          %mul3A_379 = arith.muli %scan3A_326, %mul3A_378 : i32
          %add3A_380 = arith.constant 64 : i32
          %add3A_381 = arith.addi %mul3A_379, %add3A_380 : i32
          %get3A_382 = arith.index_cast %add3A_381 : i32 to index
          %get3A_383 = tpu.vector_load %arg8[%get3A_382] {strides = array<i32>} : memref<1024xi32, #tpu.memory_space<vmem>>, vector<16xi32>,
          %gather3A_384 = tpu.vector_load_idx %arg22[%get3A_383] : memref<100096xf32, #tpu.memory_space<vmem>>[vector<16xi32>], vector<16xf32>,
          %get3A_385 = arith.index_cast %add3A_381 : i32 to index
          %get3A_386 = tpu.vector_load %arg10[%get3A_385] {strides = array<i32>} : memref<1024xf32, #tpu.memory_space<vmem>>, vector<16xf32>,
          %mul3A_387 = arith.mulf %gather3A_384, %get3A_386 : vector<16xf32>
          %mul3A_388 = arith.mulf %mul3A_387, %get3A_271 : vector<16xf32>
          %swap3A_389 = arith.index_cast %add3A_381 : i32 to index
          %swap3A_390 = tpu.vector_load %arg11[%swap3A_389] {strides = array<i32>} : memref<1024xf32, #tpu.memory_space<vmem>>, vector<16xf32>,
          tpu.vector_store %arg11[%swap3A_389], %mul3A_388 {strides = array<i32>} : memref<1024xf32, #tpu.memory_space<vmem>>, vector<16xf32>,
          %mul3A_391 = arith.constant 128 : i32
          %mul3A_392 = arith.muli %scan3A_326, %mul3A_391 : i32
          %add3A_393 = arith.constant 80 : i32
          %add3A_394 = arith.addi %mul3A_392, %add3A_393 : i32
          %get3A_395 = arith.index_cast %add3A_394 : i32 to index
          %get3A_396 = tpu.vector_load %arg8[%get3A_395] {strides = array<i32>} : memref<1024xi32, #tpu.memory_space<vmem>>, vector<16xi32>,
          %gather3A_397 = tpu.vector_load_idx %arg22[%get3A_396] : memref<100096xf32, #tpu.memory_space<vmem>>[vector<16xi32>], vector<16xf32>,
          %get3A_398 = arith.index_cast %add3A_394 : i32 to index
          %get3A_399 = tpu.vector_load %arg10[%get3A_398] {strides = array<i32>} : memref<1024xf32, #tpu.memory_space<vmem>>, vector<16xf32>,
          %mul3A_400 = arith.mulf %gather3A_397, %get3A_399 : vector<16xf32>
          %mul3A_401 = arith.mulf %mul3A_400, %get3A_271 : vector<16xf32>
          %swap3A_402 = arith.index_cast %add3A_394 : i32 to index
          %swap3A_403 = tpu.vector_load %arg11[%swap3A_402] {strides = array<i32>} : memref<1024xf32, #tpu.memory_space<vmem>>, vector<16xf32>,
          tpu.vector_store %arg11[%swap3A_402], %mul3A_401 {strides = array<i32>} : memref<1024xf32, #tpu.memory_space<vmem>>, vector<16xf32>,
          %mul3A_404 = arith.constant 128 : i32
          %mul3A_405 = arith.muli %scan3A_326, %mul3A_404 : i32
          %add3A_406 = arith.constant 96 : i32
          %add3A_407 = arith.addi %mul3A_405, %add3A_406 : i32
          %get3A_408 = arith.index_cast %add3A_407 : i32 to index
          %get3A_409 = tpu.vector_load %arg8[%get3A_408] {strides = array<i32>} : memref<1024xi32, #tpu.memory_space<vmem>>, vector<16xi32>,
          %gather3A_410 = tpu.vector_load_idx %arg22[%get3A_409] : memref<100096xf32, #tpu.memory_space<vmem>>[vector<16xi32>], vector<16xf32>,
          %get3A_411 = arith.index_cast %add3A_407 : i32 to index
          %get3A_412 = tpu.vector_load %arg10[%get3A_411] {strides = array<i32>} : memref<1024xf32, #tpu.memory_space<vmem>>, vector<16xf32>,
          %mul3A_413 = arith.mulf %gather3A_410, %get3A_412 : vector<16xf32>
          %mul3A_414 = arith.mulf %mul3A_413, %get3A_271 : vector<16xf32>
          %swap3A_415 = arith.index_cast %add3A_407 : i32 to index
          %swap3A_416 = tpu.vector_load %arg11[%swap3A_415] {strides = array<i32>} : memref<1024xf32, #tpu.memory_space<vmem>>, vector<16xf32>,
          tpu.vector_store %arg11[%swap3A_415], %mul3A_414 {strides = array<i32>} : memref<1024xf32, #tpu.memory_space<vmem>>, vector<16xf32>,
          %mul3A_417 = arith.constant 128 : i32
          %mul3A_418 = arith.muli %scan3A_326, %mul3A_417 : i32
          %add3A_419 = arith.constant 112 : i32
          %add3A_420 = arith.addi %mul3A_418, %add3A_419 : i32
          %get3A_421 = arith.index_cast %add3A_420 : i32 to index
          %get3A_422 = tpu.vector_load %arg8[%get3A_421] {strides = array<i32>} : memref<1024xi32, #tpu.memory_space<vmem>>, vector<16xi32>,
          %gather3A_423 = tpu.vector_load_idx %arg22[%get3A_422] : memref<100096xf32, #tpu.memory_space<vmem>>[vector<16xi32>], vector<16xf32>,
          %get3A_424 = arith.index_cast %add3A_420 : i32 to index
          %get3A_425 = tpu.vector_load %arg10[%get3A_424] {strides = array<i32>} : memref<1024xf32, #tpu.memory_space<vmem>>, vector<16xf32>,
          %mul3A_426 = arith.mulf %gather3A_423, %get3A_425 : vector<16xf32>
          %mul3A_427 = arith.mulf %mul3A_426, %get3A_271 : vector<16xf32>
          %swap3A_428 = arith.index_cast %add3A_420 : i32 to index
          %swap3A_429 = tpu.vector_load %arg11[%swap3A_428] {strides = array<i32>} : memref<1024xf32, #tpu.memory_space<vmem>>, vector<16xf32>,
          tpu.vector_store %arg11[%swap3A_428], %mul3A_427 {strides = array<i32>} : memref<1024xf32, #tpu.memory_space<vmem>>, vector<16xf32>,
          %scan3A_430 = arith.constant 0 : i32
          scf.yield %scan3A_430 : i32
        }
        %scan3A_278 = arith.constant 8 : i32
        %dma_start3A = arith.constant 0 : i32
        %dma_start3A_279 = tpu.memref_slice %arg11[%dma_start3A] : memref<1024xf32, #tpu.memory_space<vmem>> -> memref<128xf32, #tpu.memory_space<vmem>>
        %dma_start3A_280 = arith.constant 0 : i32
        %dma_start3A_281 = tpu.memref_slice %arg9[%dma_start3A_280] : memref<1024xi32, #tpu.memory_space<vmem>> -> memref<128xi32, #tpu.memory_space<vmem>>
        %dma_start3A_282 = arith.constant 0 : i32
        %dma_start3A_283 = tpu.memref_slice %arg23[%dma_start3A_282] : memref<100096xf32, #tpu.memory_space<vmem_shared>> -> memref<100096xf32, #tpu.memory_space<vmem_shared>>
        tpu.enqueue_indirect_dma source(%dma_start3A_279 : memref<128xf32, #tpu.memory_space<vmem>>) target(%dma_start3A_283 : memref<100096xf32, #tpu.memory_space<vmem_shared>>) offsets(%dma_start3A_281 : memref<128xi32, #tpu.memory_space<vmem>>) semaphore(%arg27 : memref<!tpu.dma_semaphore, #tpu.memory_space<semaphore_mem>>) {add = true}
        %dma_start3A_284 = arith.constant 128 : i32
        %dma_start3A_285 = tpu.memref_slice %arg11[%dma_start3A_284] : memref<1024xf32, #tpu.memory_space<vmem>> -> memref<128xf32, #tpu.memory_space<vmem>>
        %dma_start3A_286 = arith.constant 128 : i32
        %dma_start3A_287 = tpu.memref_slice %arg9[%dma_start3A_286] : memref<1024xi32, #tpu.memory_space<vmem>> -> memref<128xi32, #tpu.memory_space<vmem>>
        %dma_start3A_288 = arith.constant 0 : i32
        %dma_start3A_289 = tpu.memref_slice %arg23[%dma_start3A_288] : memref<100096xf32, #tpu.memory_space<vmem_shared>> -> memref<100096xf32, #tpu.memory_space<vmem_shared>>
        tpu.enqueue_indirect_dma source(%dma_start3A_285 : memref<128xf32, #tpu.memory_space<vmem>>) target(%dma_start3A_289 : memref<100096xf32, #tpu.memory_space<vmem_shared>>) offsets(%dma_start3A_287 : memref<128xi32, #tpu.memory_space<vmem>>) semaphore(%arg27 : memref<!tpu.dma_semaphore, #tpu.memory_space<semaphore_mem>>) {add = true}
        %dma_start3A_290 = arith.constant 256 : i32
        %dma_start3A_291 = tpu.memref_slice %arg11[%dma_start3A_290] : memref<1024xf32, #tpu.memory_space<vmem>> -> memref<128xf32, #tpu.memory_space<vmem>>
        %dma_start3A_292 = arith.constant 256 : i32
        %dma_start3A_293 = tpu.memref_slice %arg9[%dma_start3A_292] : memref<1024xi32, #tpu.memory_space<vmem>> -> memref<128xi32, #tpu.memory_space<vmem>>
        %dma_start3A_294 = arith.constant 0 : i32
        %dma_start3A_295 = tpu.memref_slice %arg23[%dma_start3A_294] : memref<100096xf32, #tpu.memory_space<vmem_shared>> -> memref<100096xf32, #tpu.memory_space<vmem_shared>>
        tpu.enqueue_indirect_dma source(%dma_start3A_291 : memref<128xf32, #tpu.memory_space<vmem>>) target(%dma_start3A_295 : memref<100096xf32, #tpu.memory_space<vmem_shared>>) offsets(%dma_start3A_293 : memref<128xi32, #tpu.memory_space<vmem>>) semaphore(%arg27 : memref<!tpu.dma_semaphore, #tpu.memory_space<semaphore_mem>>) {add = true}
        %dma_start3A_296 = arith.constant 384 : i32
        %dma_start3A_297 = tpu.memref_slice %arg11[%dma_start3A_296] : memref<1024xf32, #tpu.memory_space<vmem>> -> memref<128xf32, #tpu.memory_space<vmem>>
        %dma_start3A_298 = arith.constant 384 : i32
        %dma_start3A_299 = tpu.memref_slice %arg9[%dma_start3A_298] : memref<1024xi32, #tpu.memory_space<vmem>> -> memref<128xi32, #tpu.memory_space<vmem>>
        %dma_start3A_300 = arith.constant 0 : i32
        %dma_start3A_301 = tpu.memref_slice %arg23[%dma_start3A_300] : memref<100096xf32, #tpu.memory_space<vmem_shared>> -> memref<100096xf32, #tpu.memory_space<vmem_shared>>
        tpu.enqueue_indirect_dma source(%dma_start3A_297 : memref<128xf32, #tpu.memory_space<vmem>>) target(%dma_start3A_301 : memref<100096xf32, #tpu.memory_space<vmem_shared>>) offsets(%dma_start3A_299 : memref<128xi32, #tpu.memory_space<vmem>>) semaphore(%arg27 : memref<!tpu.dma_semaphore, #tpu.memory_space<semaphore_mem>>) {add = true}
        %dma_start3A_302 = arith.constant 512 : i32
        %dma_start3A_303 = tpu.memref_slice %arg11[%dma_start3A_302] : memref<1024xf32, #tpu.memory_space<vmem>> -> memref<128xf32, #tpu.memory_space<vmem>>
        %dma_start3A_304 = arith.constant 512 : i32
        %dma_start3A_305 = tpu.memref_slice %arg9[%dma_start3A_304] : memref<1024xi32, #tpu.memory_space<vmem>> -> memref<128xi32, #tpu.memory_space<vmem>>
        %dma_start3A_306 = arith.constant 0 : i32
        %dma_start3A_307 = tpu.memref_slice %arg23[%dma_start3A_306] : memref<100096xf32, #tpu.memory_space<vmem_shared>> -> memref<100096xf32, #tpu.memory_space<vmem_shared>>
        tpu.enqueue_indirect_dma source(%dma_start3A_303 : memref<128xf32, #tpu.memory_space<vmem>>) target(%dma_start3A_307 : memref<100096xf32, #tpu.memory_space<vmem_shared>>) offsets(%dma_start3A_305 : memref<128xi32, #tpu.memory_space<vmem>>) semaphore(%arg27 : memref<!tpu.dma_semaphore, #tpu.memory_space<semaphore_mem>>) {add = true}
        %dma_start3A_308 = arith.constant 640 : i32
        %dma_start3A_309 = tpu.memref_slice %arg11[%dma_start3A_308] : memref<1024xf32, #tpu.memory_space<vmem>> -> memref<128xf32, #tpu.memory_space<vmem>>
        %dma_start3A_310 = arith.constant 640 : i32
        %dma_start3A_311 = tpu.memref_slice %arg9[%dma_start3A_310] : memref<1024xi32, #tpu.memory_space<vmem>> -> memref<128xi32, #tpu.memory_space<vmem>>
        %dma_start3A_312 = arith.constant 0 : i32
        %dma_start3A_313 = tpu.memref_slice %arg23[%dma_start3A_312] : memref<100096xf32, #tpu.memory_space<vmem_shared>> -> memref<100096xf32, #tpu.memory_space<vmem_shared>>
        tpu.enqueue_indirect_dma source(%dma_start3A_309 : memref<128xf32, #tpu.memory_space<vmem>>) target(%dma_start3A_313 : memref<100096xf32, #tpu.memory_space<vmem_shared>>) offsets(%dma_start3A_311 : memref<128xi32, #tpu.memory_space<vmem>>) semaphore(%arg27 : memref<!tpu.dma_semaphore, #tpu.memory_space<semaphore_mem>>) {add = true}
        %dma_start3A_314 = arith.constant 768 : i32
        %dma_start3A_315 = tpu.memref_slice %arg11[%dma_start3A_314] : memref<1024xf32, #tpu.memory_space<vmem>> -> memref<128xf32, #tpu.memory_space<vmem>>
        %dma_start3A_316 = arith.constant 768 : i32
        %dma_start3A_317 = tpu.memref_slice %arg9[%dma_start3A_316] : memref<1024xi32, #tpu.memory_space<vmem>> -> memref<128xi32, #tpu.memory_space<vmem>>
        %dma_start3A_318 = arith.constant 0 : i32
        %dma_start3A_319 = tpu.memref_slice %arg23[%dma_start3A_318] : memref<100096xf32, #tpu.memory_space<vmem_shared>> -> memref<100096xf32, #tpu.memory_space<vmem_shared>>
        tpu.enqueue_indirect_dma source(%dma_start3A_315 : memref<128xf32, #tpu.memory_space<vmem>>) target(%dma_start3A_319 : memref<100096xf32, #tpu.memory_space<vmem_shared>>) offsets(%dma_start3A_317 : memref<128xi32, #tpu.memory_space<vmem>>) semaphore(%arg27 : memref<!tpu.dma_semaphore, #tpu.memory_space<semaphore_mem>>) {add = true}
        %dma_start3A_320 = arith.constant 896 : i32
        %dma_start3A_321 = tpu.memref_slice %arg11[%dma_start3A_320] : memref<1024xf32, #tpu.memory_space<vmem>> -> memref<128xf32, #tpu.memory_space<vmem>>
        %dma_start3A_322 = arith.constant 896 : i32
        %dma_start3A_323 = tpu.memref_slice %arg9[%dma_start3A_322] : memref<1024xi32, #tpu.memory_space<vmem>> -> memref<128xi32, #tpu.memory_space<vmem>>
        %dma_start3A_324 = arith.constant 0 : i32
        %dma_start3A_325 = tpu.memref_slice %arg23[%dma_start3A_324] : memref<100096xf32, #tpu.memory_space<vmem_shared>> -> memref<100096xf32, #tpu.memory_space<vmem_shared>>
        tpu.enqueue_indirect_dma source(%dma_start3A_321 : memref<128xf32, #tpu.memory_space<vmem>>) target(%dma_start3A_325 : memref<100096xf32, #tpu.memory_space<vmem_shared>>) offsets(%dma_start3A_323 : memref<128xi32, #tpu.memory_space<vmem>>) semaphore(%arg27 : memref<!tpu.dma_semaphore, #tpu.memory_space<semaphore_mem>>) {add = true}
      } else {
      }
      %mul3A_197 = arith.constant 3 : i32
      %mul3A_198 = arith.muli %scan3A_187, %mul3A_197 : i32
      %add3A_199 = arith.constant 1 : i32
      %add3A_200 = arith.addi %mul3A_198, %add3A_199 : i32
      %lt3A_201 = arith.cmpi slt, %add3A_200, %min3A_18 : i32
      %convert_element_type3A_202 = arith.extui %lt3A_201 : i1 to i32
      %cond3A_203 = arith.constant 0 : i32
      %cond3A_204 = arith.cmpi ne, %convert_element_type3A_202, %cond3A_203 : i32
      scf.if %cond3A_204 {
        %ge3A_214 = arith.constant 2 : i32
        %ge3A_215 = arith.cmpi sge, %add3A_200, %ge3A_214 : i32
        %convert_element_type3A_216 = arith.extui %ge3A_215 : i1 to i32
        %cond3A_217 = arith.constant 0 : i32
        %cond3A_218 = arith.cmpi ne, %convert_element_type3A_216, %cond3A_217 : i32
        scf.if %cond3A_218 {
          %dma_wait3A_326 = arith.constant 0 : i32
          %dma_wait3A_327 = tpu.memref_slice %arg19[%dma_wait3A_326] : memref<1024xf32, #tpu.memory_space<vmem>> -> memref<128xf32, #tpu.memory_space<vmem>>
          %dma_wait3A_328 = arith.constant 0 : i32
          %dma_wait3A_329 = tpu.memref_slice %arg17[%dma_wait3A_328] : memref<1024xi32, #tpu.memory_space<vmem>> -> memref<128xi32, #tpu.memory_space<vmem>>
          %dma_wait3A_330 = arith.constant 0 : i32
          %dma_wait3A_331 = tpu.memref_slice %arg23[%dma_wait3A_330] : memref<100096xf32, #tpu.memory_space<vmem_shared>> -> memref<100096xf32, #tpu.memory_space<vmem_shared>>
          tpu.wait_indirect_dma semaphore(%arg29 : memref<!tpu.dma_semaphore, #tpu.memory_space<semaphore_mem>>) src(%dma_wait3A_327 : memref<128xf32, #tpu.memory_space<vmem>>) dst(%dma_wait3A_331 : memref<100096xf32, #tpu.memory_space<vmem_shared>>)
          %dma_wait3A_332 = arith.constant 128 : i32
          %dma_wait3A_333 = tpu.memref_slice %arg19[%dma_wait3A_332] : memref<1024xf32, #tpu.memory_space<vmem>> -> memref<128xf32, #tpu.memory_space<vmem>>
          %dma_wait3A_334 = arith.constant 128 : i32
          %dma_wait3A_335 = tpu.memref_slice %arg17[%dma_wait3A_334] : memref<1024xi32, #tpu.memory_space<vmem>> -> memref<128xi32, #tpu.memory_space<vmem>>
          %dma_wait3A_336 = arith.constant 0 : i32
          %dma_wait3A_337 = tpu.memref_slice %arg23[%dma_wait3A_336] : memref<100096xf32, #tpu.memory_space<vmem_shared>> -> memref<100096xf32, #tpu.memory_space<vmem_shared>>
          tpu.wait_indirect_dma semaphore(%arg29 : memref<!tpu.dma_semaphore, #tpu.memory_space<semaphore_mem>>) src(%dma_wait3A_333 : memref<128xf32, #tpu.memory_space<vmem>>) dst(%dma_wait3A_337 : memref<100096xf32, #tpu.memory_space<vmem_shared>>)
          %dma_wait3A_338 = arith.constant 256 : i32
          %dma_wait3A_339 = tpu.memref_slice %arg19[%dma_wait3A_338] : memref<1024xf32, #tpu.memory_space<vmem>> -> memref<128xf32, #tpu.memory_space<vmem>>
          %dma_wait3A_340 = arith.constant 256 : i32
          %dma_wait3A_341 = tpu.memref_slice %arg17[%dma_wait3A_340] : memref<1024xi32, #tpu.memory_space<vmem>> -> memref<128xi32, #tpu.memory_space<vmem>>
          %dma_wait3A_342 = arith.constant 0 : i32
          %dma_wait3A_343 = tpu.memref_slice %arg23[%dma_wait3A_342] : memref<100096xf32, #tpu.memory_space<vmem_shared>> -> memref<100096xf32, #tpu.memory_space<vmem_shared>>
          tpu.wait_indirect_dma semaphore(%arg29 : memref<!tpu.dma_semaphore, #tpu.memory_space<semaphore_mem>>) src(%dma_wait3A_339 : memref<128xf32, #tpu.memory_space<vmem>>) dst(%dma_wait3A_343 : memref<100096xf32, #tpu.memory_space<vmem_shared>>)
          %dma_wait3A_344 = arith.constant 384 : i32
          %dma_wait3A_345 = tpu.memref_slice %arg19[%dma_wait3A_344] : memref<1024xf32, #tpu.memory_space<vmem>> -> memref<128xf32, #tpu.memory_space<vmem>>
          %dma_wait3A_346 = arith.constant 384 : i32
          %dma_wait3A_347 = tpu.memref_slice %arg17[%dma_wait3A_346] : memref<1024xi32, #tpu.memory_space<vmem>> -> memref<128xi32, #tpu.memory_space<vmem>>
          %dma_wait3A_348 = arith.constant 0 : i32
          %dma_wait3A_349 = tpu.memref_slice %arg23[%dma_wait3A_348] : memref<100096xf32, #tpu.memory_space<vmem_shared>> -> memref<100096xf32, #tpu.memory_space<vmem_shared>>
          tpu.wait_indirect_dma semaphore(%arg29 : memref<!tpu.dma_semaphore, #tpu.memory_space<semaphore_mem>>) src(%dma_wait3A_345 : memref<128xf32, #tpu.memory_space<vmem>>) dst(%dma_wait3A_349 : memref<100096xf32, #tpu.memory_space<vmem_shared>>)
          %dma_wait3A_350 = arith.constant 512 : i32
          %dma_wait3A_351 = tpu.memref_slice %arg19[%dma_wait3A_350] : memref<1024xf32, #tpu.memory_space<vmem>> -> memref<128xf32, #tpu.memory_space<vmem>>
          %dma_wait3A_352 = arith.constant 512 : i32
          %dma_wait3A_353 = tpu.memref_slice %arg17[%dma_wait3A_352] : memref<1024xi32, #tpu.memory_space<vmem>> -> memref<128xi32, #tpu.memory_space<vmem>>
          %dma_wait3A_354 = arith.constant 0 : i32
          %dma_wait3A_355 = tpu.memref_slice %arg23[%dma_wait3A_354] : memref<100096xf32, #tpu.memory_space<vmem_shared>> -> memref<100096xf32, #tpu.memory_space<vmem_shared>>
          tpu.wait_indirect_dma semaphore(%arg29 : memref<!tpu.dma_semaphore, #tpu.memory_space<semaphore_mem>>) src(%dma_wait3A_351 : memref<128xf32, #tpu.memory_space<vmem>>) dst(%dma_wait3A_355 : memref<100096xf32, #tpu.memory_space<vmem_shared>>)
          %dma_wait3A_356 = arith.constant 640 : i32
          %dma_wait3A_357 = tpu.memref_slice %arg19[%dma_wait3A_356] : memref<1024xf32, #tpu.memory_space<vmem>> -> memref<128xf32, #tpu.memory_space<vmem>>
          %dma_wait3A_358 = arith.constant 640 : i32
          %dma_wait3A_359 = tpu.memref_slice %arg17[%dma_wait3A_358] : memref<1024xi32, #tpu.memory_space<vmem>> -> memref<128xi32, #tpu.memory_space<vmem>>
          %dma_wait3A_360 = arith.constant 0 : i32
          %dma_wait3A_361 = tpu.memref_slice %arg23[%dma_wait3A_360] : memref<100096xf32, #tpu.memory_space<vmem_shared>> -> memref<100096xf32, #tpu.memory_space<vmem_shared>>
          tpu.wait_indirect_dma semaphore(%arg29 : memref<!tpu.dma_semaphore, #tpu.memory_space<semaphore_mem>>) src(%dma_wait3A_357 : memref<128xf32, #tpu.memory_space<vmem>>) dst(%dma_wait3A_361 : memref<100096xf32, #tpu.memory_space<vmem_shared>>)
          %dma_wait3A_362 = arith.constant 768 : i32
          %dma_wait3A_363 = tpu.memref_slice %arg19[%dma_wait3A_362] : memref<1024xf32, #tpu.memory_space<vmem>> -> memref<128xf32, #tpu.memory_space<vmem>>
          %dma_wait3A_364 = arith.constant 768 : i32
          %dma_wait3A_365 = tpu.memref_slice %arg17[%dma_wait3A_364] : memref<1024xi32, #tpu.memory_space<vmem>> -> memref<128xi32, #tpu.memory_space<vmem>>
          %dma_wait3A_366 = arith.constant 0 : i32
          %dma_wait3A_367 = tpu.memref_slice %arg23[%dma_wait3A_366] : memref<100096xf32, #tpu.memory_space<vmem_shared>> -> memref<100096xf32, #tpu.memory_space<vmem_shared>>
          tpu.wait_indirect_dma semaphore(%arg29 : memref<!tpu.dma_semaphore, #tpu.memory_space<semaphore_mem>>) src(%dma_wait3A_363 : memref<128xf32, #tpu.memory_space<vmem>>) dst(%dma_wait3A_367 : memref<100096xf32, #tpu.memory_space<vmem_shared>>)
          %dma_wait3A_368 = arith.constant 896 : i32
          %dma_wait3A_369 = tpu.memref_slice %arg19[%dma_wait3A_368] : memref<1024xf32, #tpu.memory_space<vmem>> -> memref<128xf32, #tpu.memory_space<vmem>>
          %dma_wait3A_370 = arith.constant 896 : i32
          %dma_wait3A_371 = tpu.memref_slice %arg17[%dma_wait3A_370] : memref<1024xi32, #tpu.memory_space<vmem>> -> memref<128xi32, #tpu.memory_space<vmem>>
          %dma_wait3A_372 = arith.constant 0 : i32
          %dma_wait3A_373 = tpu.memref_slice %arg23[%dma_wait3A_372] : memref<100096xf32, #tpu.memory_space<vmem_shared>> -> memref<100096xf32, #tpu.memory_space<vmem_shared>>
          tpu.wait_indirect_dma semaphore(%arg29 : memref<!tpu.dma_semaphore, #tpu.memory_space<semaphore_mem>>) src(%dma_wait3A_369 : memref<128xf32, #tpu.memory_space<vmem>>) dst(%dma_wait3A_373 : memref<100096xf32, #tpu.memory_space<vmem_shared>>)
        } else {
        }
        %add3A_219 = arith.constant 1 : i32
        %add3A_220 = arith.addi %add3A_200, %add3A_219 : i32
        %lt3A_221 = arith.cmpi slt, %add3A_220, %min3A_18 : i32
        %convert_element_type3A_222 = arith.extui %lt3A_221 : i1 to i32
        %cond3A_223 = arith.constant 0 : i32
        %cond3A_224 = arith.cmpi ne, %convert_element_type3A_222, %cond3A_223 : i32
        scf.if %cond3A_224 {
          %add3A_326 = arith.constant 1 : i32
          %add3A_327 = arith.addi %add3A_200, %add3A_326 : i32
          %add3A_328 = arith.addi %mul3A_16, %add3A_327 : i32
          %jit3A_329 = arith.constant 3125 : i32
          %div3A_330 = arith.divsi %add3A_328, %jit3A_329 : i32
          %sign3A_331 = arith.constant 0 : i32
          %sign3A_332 = arith.cmpi sgt, %add3A_328, %sign3A_331 : i32
          %sign3A_333 = arith.extui %sign3A_332 : i1 to i32
          %sign3A_334 = arith.constant 0 : i32
          %sign3A_335 = arith.cmpi slt, %add3A_328, %sign3A_334 : i32
          %sign3A_336 = arith.extui %sign3A_335 : i1 to i32
          %sign3A_337 = arith.subi %sign3A_333, %sign3A_336 : i32
          %sign3A_338 = arith.constant 0 : i32
          %sign3A_339 = arith.cmpi sgt, %jit3A_329, %sign3A_338 : i32
          %sign3A_340 = arith.extui %sign3A_339 : i1 to i32
          %sign3A_341 = arith.constant 0 : i32
          %sign3A_342 = arith.cmpi slt, %jit3A_329, %sign3A_341 : i32
          %sign3A_343 = arith.extui %sign3A_342 : i1 to i32
          %sign3A_344 = arith.subi %sign3A_340, %sign3A_343 : i32
          %ne3A_345 = arith.cmpi ne, %sign3A_337, %sign3A_344 : i32
          %rem3A_346 = arith.remsi %add3A_328, %jit3A_329 : i32
          %ne3A_347 = arith.constant 0 : i32
          %ne3A_348 = arith.cmpi ne, %rem3A_346, %ne3A_347 : i32
          %and3A_349 = arith.andi %ne3A_345, %ne3A_348 : i1
          %sub3A_350 = arith.constant 1 : i32
          %sub3A_351 = arith.subi %div3A_330, %sub3A_350 : i32
          %select_n3A_352 = arith.select %and3A_349, %sub3A_351, %div3A_330 : i32
          %mul3A_353 = arith.constant 3125 : i32
          %mul3A_354 = arith.muli %select_n3A_352, %mul3A_353 : i32
          %sub3A_355 = arith.subi %add3A_328, %mul3A_354 : i32
          %mul3A_356 = arith.constant 1024 : i32
          %mul3A_357 = arith.muli %sub3A_355, %mul3A_356 : i32
          %dma_start3A_358 = arith.constant 0 : i32
          %dma_start3A_359 = tpu.memref_slice %arg3[%select_n3A_352, %dma_start3A_358, %mul3A_357] : memref<3x2x3200000xi32, #tpu.memory_space<hbm>> -> memref<1x1x1024xi32, #tpu.memory_space<hbm>>
          %dma_start3A_360 = tpu.memref_squeeze %dma_start3A_359 : memref<1x1x1024xi32, #tpu.memory_space<hbm>> -> memref<1024xi32, #tpu.memory_space<hbm>>
          %dma_start3A_361 = tpu.memref_slice %arg3[%select_n3A_352, %dma_start3A_358, %mul3A_357] : memref<3x2x3200000xi32, #tpu.memory_space<hbm>> -> memref<1x1x1024xi32, #tpu.memory_space<hbm>>
          %dma_start3A_362 = tpu.memref_squeeze %dma_start3A_361 : memref<1x1x1024xi32, #tpu.memory_space<hbm>> -> memref<1024xi32, #tpu.memory_space<hbm>>
          tpu.enqueue_dma source(%dma_start3A_362 : memref<1024xi32, #tpu.memory_space<hbm>>) target(%arg16 : memref<1024xi32, #tpu.memory_space<vmem>>) target_semaphore(%arg26 : memref<!tpu.dma_semaphore, #tpu.memory_space<semaphore_mem>>)
          %dma_start3A_363 = arith.constant 1 : i32
          %dma_start3A_364 = tpu.memref_slice %arg3[%select_n3A_352, %dma_start3A_363, %mul3A_357] : memref<3x2x3200000xi32, #tpu.memory_space<hbm>> -> memref<1x1x1024xi32, #tpu.memory_space<hbm>>
          %dma_start3A_365 = tpu.memref_squeeze %dma_start3A_364 : memref<1x1x1024xi32, #tpu.memory_space<hbm>> -> memref<1024xi32, #tpu.memory_space<hbm>>
          %dma_start3A_366 = tpu.memref_slice %arg3[%select_n3A_352, %dma_start3A_363, %mul3A_357] : memref<3x2x3200000xi32, #tpu.memory_space<hbm>> -> memref<1x1x1024xi32, #tpu.memory_space<hbm>>
          %dma_start3A_367 = tpu.memref_squeeze %dma_start3A_366 : memref<1x1x1024xi32, #tpu.memory_space<hbm>> -> memref<1024xi32, #tpu.memory_space<hbm>>
          tpu.enqueue_dma source(%dma_start3A_367 : memref<1024xi32, #tpu.memory_space<hbm>>) target(%arg17 : memref<1024xi32, #tpu.memory_space<vmem>>) target_semaphore(%arg26 : memref<!tpu.dma_semaphore, #tpu.memory_space<semaphore_mem>>)
          %dma_start3A_368 = tpu.memref_slice %arg4[%select_n3A_352, %mul3A_357] : memref<3x3200000xf32, #tpu.memory_space<hbm>> -> memref<1x1024xf32, #tpu.memory_space<hbm>>
          %dma_start3A_369 = tpu.memref_squeeze %dma_start3A_368 : memref<1x1024xf32, #tpu.memory_space<hbm>> -> memref<1024xf32, #tpu.memory_space<hbm>>
          %dma_start3A_370 = tpu.memref_slice %arg4[%select_n3A_352, %mul3A_357] : memref<3x3200000xf32, #tpu.memory_space<hbm>> -> memref<1x1024xf32, #tpu.memory_space<hbm>>
          %dma_start3A_371 = tpu.memref_squeeze %dma_start3A_370 : memref<1x1024xf32, #tpu.memory_space<hbm>> -> memref<1024xf32, #tpu.memory_space<hbm>>
          tpu.enqueue_dma source(%dma_start3A_371 : memref<1024xf32, #tpu.memory_space<hbm>>) target(%arg18 : memref<1024xf32, #tpu.memory_space<vmem>>) target_semaphore(%arg26 : memref<!tpu.dma_semaphore, #tpu.memory_space<semaphore_mem>>)
        } else {
        }
        %dma_wait3A = arith.constant 0 : i32
        %dma_wait3A_225 = arith.constant 0 : i32
        %dma_wait3A_226 = arith.constant 0 : i32
        %dma_wait3A_227 = tpu.memref_slice %arg3[%dma_wait3A, %dma_wait3A_225, %dma_wait3A_226] : memref<3x2x3200000xi32, #tpu.memory_space<hbm>> -> memref<1x1x1024xi32, #tpu.memory_space<hbm>>
        %dma_wait3A_228 = tpu.memref_squeeze %dma_wait3A_227 : memref<1x1x1024xi32, #tpu.memory_space<hbm>> -> memref<1024xi32, #tpu.memory_space<hbm>>
        %dma_wait3A_229 = arith.constant 0 : i32
        %dma_wait3A_230 = tpu.memref_slice %arg3[%dma_wait3A, %dma_wait3A_225, %dma_wait3A_229] : memref<3x2x3200000xi32, #tpu.memory_space<hbm>> -> memref<1x1x1024xi32, #tpu.memory_space<hbm>>
        %dma_wait3A_231 = tpu.memref_squeeze %dma_wait3A_230 : memref<1x1x1024xi32, #tpu.memory_space<hbm>> -> memref<1024xi32, #tpu.memory_space<hbm>>
        tpu.wait_dma2 semaphore(%arg25 : memref<!tpu.dma_semaphore, #tpu.memory_space<semaphore_mem>>) src(%dma_wait3A_231 : memref<1024xi32, #tpu.memory_space<hbm>>) dst(%arg12 : memref<1024xi32, #tpu.memory_space<vmem>>)
        %dma_wait3A_232 = arith.constant 0 : i32
        %dma_wait3A_233 = arith.constant 1 : i32
        %dma_wait3A_234 = arith.constant 0 : i32
        %dma_wait3A_235 = tpu.memref_slice %arg3[%dma_wait3A_232, %dma_wait3A_233, %dma_wait3A_234] : memref<3x2x3200000xi32, #tpu.memory_space<hbm>> -> memref<1x1x1024xi32, #tpu.memory_space<hbm>>
        %dma_wait3A_236 = tpu.memref_squeeze %dma_wait3A_235 : memref<1x1x1024xi32, #tpu.memory_space<hbm>> -> memref<1024xi32, #tpu.memory_space<hbm>>
        %dma_wait3A_237 = arith.constant 0 : i32
        %dma_wait3A_238 = tpu.memref_slice %arg3[%dma_wait3A_232, %dma_wait3A_233, %dma_wait3A_237] : memref<3x2x3200000xi32, #tpu.memory_space<hbm>> -> memref<1x1x1024xi32, #tpu.memory_space<hbm>>
        %dma_wait3A_239 = tpu.memref_squeeze %dma_wait3A_238 : memref<1x1x1024xi32, #tpu.memory_space<hbm>> -> memref<1024xi32, #tpu.memory_space<hbm>>
        tpu.wait_dma2 semaphore(%arg25 : memref<!tpu.dma_semaphore, #tpu.memory_space<semaphore_mem>>) src(%dma_wait3A_239 : memref<1024xi32, #tpu.memory_space<hbm>>) dst(%arg13 : memref<1024xi32, #tpu.memory_space<vmem>>)
        %dma_wait3A_240 = arith.constant 0 : i32
        %dma_wait3A_241 = arith.constant 0 : i32
        %dma_wait3A_242 = tpu.memref_slice %arg4[%dma_wait3A_240, %dma_wait3A_241] : memref<3x3200000xf32, #tpu.memory_space<hbm>> -> memref<1x1024xf32, #tpu.memory_space<hbm>>
        %dma_wait3A_243 = tpu.memref_squeeze %dma_wait3A_242 : memref<1x1024xf32, #tpu.memory_space<hbm>> -> memref<1024xf32, #tpu.memory_space<hbm>>
        %dma_wait3A_244 = arith.constant 0 : i32
        %dma_wait3A_245 = tpu.memref_slice %arg4[%dma_wait3A_240, %dma_wait3A_244] : memref<3x3200000xf32, #tpu.memory_space<hbm>> -> memref<1x1024xf32, #tpu.memory_space<hbm>>
        %dma_wait3A_246 = tpu.memref_squeeze %dma_wait3A_245 : memref<1x1024xf32, #tpu.memory_space<hbm>> -> memref<1024xf32, #tpu.memory_space<hbm>>
        tpu.wait_dma2 semaphore(%arg25 : memref<!tpu.dma_semaphore, #tpu.memory_space<semaphore_mem>>) src(%dma_wait3A_246 : memref<1024xf32, #tpu.memory_space<hbm>>) dst(%arg14 : memref<1024xf32, #tpu.memory_space<vmem>>)
        %add3A_247 = arith.addi %mul3A_16, %add3A_200 : i32
        %jit3A_248 = arith.constant 3125 : i32
        %div3A = arith.divsi %add3A_247, %jit3A_248 : i32
        %sign3A = arith.constant 0 : i32
        %sign3A_249 = arith.cmpi sgt, %add3A_247, %sign3A : i32
        %sign3A_250 = arith.extui %sign3A_249 : i1 to i32
        %sign3A_251 = arith.constant 0 : i32
        %sign3A_252 = arith.cmpi slt, %add3A_247, %sign3A_251 : i32
        %sign3A_253 = arith.extui %sign3A_252 : i1 to i32
        %sign3A_254 = arith.subi %sign3A_250, %sign3A_253 : i32
        %sign3A_255 = arith.constant 0 : i32
        %sign3A_256 = arith.cmpi sgt, %jit3A_248, %sign3A_255 : i32
        %sign3A_257 = arith.extui %sign3A_256 : i1 to i32
        %sign3A_258 = arith.constant 0 : i32
        %sign3A_259 = arith.cmpi slt, %jit3A_248, %sign3A_258 : i32
        %sign3A_260 = arith.extui %sign3A_259 : i1 to i32
        %sign3A_261 = arith.subi %sign3A_257, %sign3A_260 : i32
        %ne3A_262 = arith.cmpi ne, %sign3A_254, %sign3A_261 : i32
        %rem3A_263 = arith.remsi %add3A_247, %jit3A_248 : i32
        %ne3A_264 = arith.constant 0 : i32
        %ne3A_265 = arith.cmpi ne, %rem3A_263, %ne3A_264 : i32
        %and3A_266 = arith.andi %ne3A_262, %ne3A_265 : i1
        %sub3A_267 = arith.constant 1 : i32
        %sub3A_268 = arith.subi %div3A, %sub3A_267 : i32
        %select_n3A_269 = arith.select %and3A_266, %sub3A_268, %div3A : i32
        %get3A = arith.index_cast %select_n3A_269 : i32 to index
        %get3A_270 = arith.constant 0 : index
        %get3A_271 = tpu.vector_load %arg21[%get3A, %get3A_270] {strides = array<i32>} : memref<3x16xf32, #tpu.memory_space<vmem>>, vector<16xf32>,
        %scan3A_272 = arith.constant 0 : i32
        %scan3A_273 = arith.constant 0 : i32
        %scan3A_274 = arith.constant 8 : i32
        %scan3A_275 = arith.addi %scan3A_273, %scan3A_274 : i32
        %scan3A_276 = arith.constant 1 : i32
        %scan3A_277 = scf.for %scan3A_326 = %scan3A_273 to %scan3A_275 step %scan3A_276 iter_args(%scan3A_327 = %scan3A_272) -> (i32)  : i32 {
          %mul3A_328 = arith.constant 128 : i32
          %mul3A_329 = arith.muli %scan3A_326, %mul3A_328 : i32
          %add3A_330 = arith.constant 0 : i32
          %add3A_331 = arith.addi %mul3A_329, %add3A_330 : i32
          %get3A_332 = arith.index_cast %add3A_331 : i32 to index
          %get3A_333 = tpu.vector_load %arg12[%get3A_332] {strides = array<i32>} : memref<1024xi32, #tpu.memory_space<vmem>>, vector<16xi32>,
          %gather3A = tpu.vector_load_idx %arg22[%get3A_333] : memref<100096xf32, #tpu.memory_space<vmem>>[vector<16xi32>], vector<16xf32>,
          %get3A_334 = arith.index_cast %add3A_331 : i32 to index
          %get3A_335 = tpu.vector_load %arg14[%get3A_334] {strides = array<i32>} : memref<1024xf32, #tpu.memory_space<vmem>>, vector<16xf32>,
          %mul3A_336 = arith.mulf %gather3A, %get3A_335 : vector<16xf32>
          %mul3A_337 = arith.mulf %mul3A_336, %get3A_271 : vector<16xf32>
          %swap3A = arith.index_cast %add3A_331 : i32 to index
          %swap3A_338 = tpu.vector_load %arg15[%swap3A] {strides = array<i32>} : memref<1024xf32, #tpu.memory_space<vmem>>, vector<16xf32>,
          tpu.vector_store %arg15[%swap3A], %mul3A_337 {strides = array<i32>} : memref<1024xf32, #tpu.memory_space<vmem>>, vector<16xf32>,
          %mul3A_339 = arith.constant 128 : i32
          %mul3A_340 = arith.muli %scan3A_326, %mul3A_339 : i32
          %add3A_341 = arith.constant 16 : i32
          %add3A_342 = arith.addi %mul3A_340, %add3A_341 : i32
          %get3A_343 = arith.index_cast %add3A_342 : i32 to index
          %get3A_344 = tpu.vector_load %arg12[%get3A_343] {strides = array<i32>} : memref<1024xi32, #tpu.memory_space<vmem>>, vector<16xi32>,
          %gather3A_345 = tpu.vector_load_idx %arg22[%get3A_344] : memref<100096xf32, #tpu.memory_space<vmem>>[vector<16xi32>], vector<16xf32>,
          %get3A_346 = arith.index_cast %add3A_342 : i32 to index
          %get3A_347 = tpu.vector_load %arg14[%get3A_346] {strides = array<i32>} : memref<1024xf32, #tpu.memory_space<vmem>>, vector<16xf32>,
          %mul3A_348 = arith.mulf %gather3A_345, %get3A_347 : vector<16xf32>
          %mul3A_349 = arith.mulf %mul3A_348, %get3A_271 : vector<16xf32>
          %swap3A_350 = arith.index_cast %add3A_342 : i32 to index
          %swap3A_351 = tpu.vector_load %arg15[%swap3A_350] {strides = array<i32>} : memref<1024xf32, #tpu.memory_space<vmem>>, vector<16xf32>,
          tpu.vector_store %arg15[%swap3A_350], %mul3A_349 {strides = array<i32>} : memref<1024xf32, #tpu.memory_space<vmem>>, vector<16xf32>,
          %mul3A_352 = arith.constant 128 : i32
          %mul3A_353 = arith.muli %scan3A_326, %mul3A_352 : i32
          %add3A_354 = arith.constant 32 : i32
          %add3A_355 = arith.addi %mul3A_353, %add3A_354 : i32
          %get3A_356 = arith.index_cast %add3A_355 : i32 to index
          %get3A_357 = tpu.vector_load %arg12[%get3A_356] {strides = array<i32>} : memref<1024xi32, #tpu.memory_space<vmem>>, vector<16xi32>,
          %gather3A_358 = tpu.vector_load_idx %arg22[%get3A_357] : memref<100096xf32, #tpu.memory_space<vmem>>[vector<16xi32>], vector<16xf32>,
          %get3A_359 = arith.index_cast %add3A_355 : i32 to index
          %get3A_360 = tpu.vector_load %arg14[%get3A_359] {strides = array<i32>} : memref<1024xf32, #tpu.memory_space<vmem>>, vector<16xf32>,
          %mul3A_361 = arith.mulf %gather3A_358, %get3A_360 : vector<16xf32>
          %mul3A_362 = arith.mulf %mul3A_361, %get3A_271 : vector<16xf32>
          %swap3A_363 = arith.index_cast %add3A_355 : i32 to index
          %swap3A_364 = tpu.vector_load %arg15[%swap3A_363] {strides = array<i32>} : memref<1024xf32, #tpu.memory_space<vmem>>, vector<16xf32>,
          tpu.vector_store %arg15[%swap3A_363], %mul3A_362 {strides = array<i32>} : memref<1024xf32, #tpu.memory_space<vmem>>, vector<16xf32>,
          %mul3A_365 = arith.constant 128 : i32
          %mul3A_366 = arith.muli %scan3A_326, %mul3A_365 : i32
          %add3A_367 = arith.constant 48 : i32
          %add3A_368 = arith.addi %mul3A_366, %add3A_367 : i32
          %get3A_369 = arith.index_cast %add3A_368 : i32 to index
          %get3A_370 = tpu.vector_load %arg12[%get3A_369] {strides = array<i32>} : memref<1024xi32, #tpu.memory_space<vmem>>, vector<16xi32>,
          %gather3A_371 = tpu.vector_load_idx %arg22[%get3A_370] : memref<100096xf32, #tpu.memory_space<vmem>>[vector<16xi32>], vector<16xf32>,
          %get3A_372 = arith.index_cast %add3A_368 : i32 to index
          %get3A_373 = tpu.vector_load %arg14[%get3A_372] {strides = array<i32>} : memref<1024xf32, #tpu.memory_space<vmem>>, vector<16xf32>,
          %mul3A_374 = arith.mulf %gather3A_371, %get3A_373 : vector<16xf32>
          %mul3A_375 = arith.mulf %mul3A_374, %get3A_271 : vector<16xf32>
          %swap3A_376 = arith.index_cast %add3A_368 : i32 to index
          %swap3A_377 = tpu.vector_load %arg15[%swap3A_376] {strides = array<i32>} : memref<1024xf32, #tpu.memory_space<vmem>>, vector<16xf32>,
          tpu.vector_store %arg15[%swap3A_376], %mul3A_375 {strides = array<i32>} : memref<1024xf32, #tpu.memory_space<vmem>>, vector<16xf32>,
          %mul3A_378 = arith.constant 128 : i32
          %mul3A_379 = arith.muli %scan3A_326, %mul3A_378 : i32
          %add3A_380 = arith.constant 64 : i32
          %add3A_381 = arith.addi %mul3A_379, %add3A_380 : i32
          %get3A_382 = arith.index_cast %add3A_381 : i32 to index
          %get3A_383 = tpu.vector_load %arg12[%get3A_382] {strides = array<i32>} : memref<1024xi32, #tpu.memory_space<vmem>>, vector<16xi32>,
          %gather3A_384 = tpu.vector_load_idx %arg22[%get3A_383] : memref<100096xf32, #tpu.memory_space<vmem>>[vector<16xi32>], vector<16xf32>,
          %get3A_385 = arith.index_cast %add3A_381 : i32 to index
          %get3A_386 = tpu.vector_load %arg14[%get3A_385] {strides = array<i32>} : memref<1024xf32, #tpu.memory_space<vmem>>, vector<16xf32>,
          %mul3A_387 = arith.mulf %gather3A_384, %get3A_386 : vector<16xf32>
          %mul3A_388 = arith.mulf %mul3A_387, %get3A_271 : vector<16xf32>
          %swap3A_389 = arith.index_cast %add3A_381 : i32 to index
          %swap3A_390 = tpu.vector_load %arg15[%swap3A_389] {strides = array<i32>} : memref<1024xf32, #tpu.memory_space<vmem>>, vector<16xf32>,
          tpu.vector_store %arg15[%swap3A_389], %mul3A_388 {strides = array<i32>} : memref<1024xf32, #tpu.memory_space<vmem>>, vector<16xf32>,
          %mul3A_391 = arith.constant 128 : i32
          %mul3A_392 = arith.muli %scan3A_326, %mul3A_391 : i32
          %add3A_393 = arith.constant 80 : i32
          %add3A_394 = arith.addi %mul3A_392, %add3A_393 : i32
          %get3A_395 = arith.index_cast %add3A_394 : i32 to index
          %get3A_396 = tpu.vector_load %arg12[%get3A_395] {strides = array<i32>} : memref<1024xi32, #tpu.memory_space<vmem>>, vector<16xi32>,
          %gather3A_397 = tpu.vector_load_idx %arg22[%get3A_396] : memref<100096xf32, #tpu.memory_space<vmem>>[vector<16xi32>], vector<16xf32>,
          %get3A_398 = arith.index_cast %add3A_394 : i32 to index
          %get3A_399 = tpu.vector_load %arg14[%get3A_398] {strides = array<i32>} : memref<1024xf32, #tpu.memory_space<vmem>>, vector<16xf32>,
          %mul3A_400 = arith.mulf %gather3A_397, %get3A_399 : vector<16xf32>
          %mul3A_401 = arith.mulf %mul3A_400, %get3A_271 : vector<16xf32>
          %swap3A_402 = arith.index_cast %add3A_394 : i32 to index
          %swap3A_403 = tpu.vector_load %arg15[%swap3A_402] {strides = array<i32>} : memref<1024xf32, #tpu.memory_space<vmem>>, vector<16xf32>,
          tpu.vector_store %arg15[%swap3A_402], %mul3A_401 {strides = array<i32>} : memref<1024xf32, #tpu.memory_space<vmem>>, vector<16xf32>,
          %mul3A_404 = arith.constant 128 : i32
          %mul3A_405 = arith.muli %scan3A_326, %mul3A_404 : i32
          %add3A_406 = arith.constant 96 : i32
          %add3A_407 = arith.addi %mul3A_405, %add3A_406 : i32
          %get3A_408 = arith.index_cast %add3A_407 : i32 to index
          %get3A_409 = tpu.vector_load %arg12[%get3A_408] {strides = array<i32>} : memref<1024xi32, #tpu.memory_space<vmem>>, vector<16xi32>,
          %gather3A_410 = tpu.vector_load_idx %arg22[%get3A_409] : memref<100096xf32, #tpu.memory_space<vmem>>[vector<16xi32>], vector<16xf32>,
          %get3A_411 = arith.index_cast %add3A_407 : i32 to index
          %get3A_412 = tpu.vector_load %arg14[%get3A_411] {strides = array<i32>} : memref<1024xf32, #tpu.memory_space<vmem>>, vector<16xf32>,
          %mul3A_413 = arith.mulf %gather3A_410, %get3A_412 : vector<16xf32>
          %mul3A_414 = arith.mulf %mul3A_413, %get3A_271 : vector<16xf32>
          %swap3A_415 = arith.index_cast %add3A_407 : i32 to index
          %swap3A_416 = tpu.vector_load %arg15[%swap3A_415] {strides = array<i32>} : memref<1024xf32, #tpu.memory_space<vmem>>, vector<16xf32>,
          tpu.vector_store %arg15[%swap3A_415], %mul3A_414 {strides = array<i32>} : memref<1024xf32, #tpu.memory_space<vmem>>, vector<16xf32>,
          %mul3A_417 = arith.constant 128 : i32
          %mul3A_418 = arith.muli %scan3A_326, %mul3A_417 : i32
          %add3A_419 = arith.constant 112 : i32
          %add3A_420 = arith.addi %mul3A_418, %add3A_419 : i32
          %get3A_421 = arith.index_cast %add3A_420 : i32 to index
          %get3A_422 = tpu.vector_load %arg12[%get3A_421] {strides = array<i32>} : memref<1024xi32, #tpu.memory_space<vmem>>, vector<16xi32>,
          %gather3A_423 = tpu.vector_load_idx %arg22[%get3A_422] : memref<100096xf32, #tpu.memory_space<vmem>>[vector<16xi32>], vector<16xf32>,
          %get3A_424 = arith.index_cast %add3A_420 : i32 to index
          %get3A_425 = tpu.vector_load %arg14[%get3A_424] {strides = array<i32>} : memref<1024xf32, #tpu.memory_space<vmem>>, vector<16xf32>,
          %mul3A_426 = arith.mulf %gather3A_423, %get3A_425 : vector<16xf32>
          %mul3A_427 = arith.mulf %mul3A_426, %get3A_271 : vector<16xf32>
          %swap3A_428 = arith.index_cast %add3A_420 : i32 to index
          %swap3A_429 = tpu.vector_load %arg15[%swap3A_428] {strides = array<i32>} : memref<1024xf32, #tpu.memory_space<vmem>>, vector<16xf32>,
          tpu.vector_store %arg15[%swap3A_428], %mul3A_427 {strides = array<i32>} : memref<1024xf32, #tpu.memory_space<vmem>>, vector<16xf32>,
          %scan3A_430 = arith.constant 0 : i32
          scf.yield %scan3A_430 : i32
        }
        %scan3A_278 = arith.constant 8 : i32
        %dma_start3A = arith.constant 0 : i32
        %dma_start3A_279 = tpu.memref_slice %arg15[%dma_start3A] : memref<1024xf32, #tpu.memory_space<vmem>> -> memref<128xf32, #tpu.memory_space<vmem>>
        %dma_start3A_280 = arith.constant 0 : i32
        %dma_start3A_281 = tpu.memref_slice %arg13[%dma_start3A_280] : memref<1024xi32, #tpu.memory_space<vmem>> -> memref<128xi32, #tpu.memory_space<vmem>>
        %dma_start3A_282 = arith.constant 0 : i32
        %dma_start3A_283 = tpu.memref_slice %arg23[%dma_start3A_282] : memref<100096xf32, #tpu.memory_space<vmem_shared>> -> memref<100096xf32, #tpu.memory_space<vmem_shared>>
        tpu.enqueue_indirect_dma source(%dma_start3A_279 : memref<128xf32, #tpu.memory_space<vmem>>) target(%dma_start3A_283 : memref<100096xf32, #tpu.memory_space<vmem_shared>>) offsets(%dma_start3A_281 : memref<128xi32, #tpu.memory_space<vmem>>) semaphore(%arg28 : memref<!tpu.dma_semaphore, #tpu.memory_space<semaphore_mem>>) {add = true}
        %dma_start3A_284 = arith.constant 128 : i32
        %dma_start3A_285 = tpu.memref_slice %arg15[%dma_start3A_284] : memref<1024xf32, #tpu.memory_space<vmem>> -> memref<128xf32, #tpu.memory_space<vmem>>
        %dma_start3A_286 = arith.constant 128 : i32
        %dma_start3A_287 = tpu.memref_slice %arg13[%dma_start3A_286] : memref<1024xi32, #tpu.memory_space<vmem>> -> memref<128xi32, #tpu.memory_space<vmem>>
        %dma_start3A_288 = arith.constant 0 : i32
        %dma_start3A_289 = tpu.memref_slice %arg23[%dma_start3A_288] : memref<100096xf32, #tpu.memory_space<vmem_shared>> -> memref<100096xf32, #tpu.memory_space<vmem_shared>>
        tpu.enqueue_indirect_dma source(%dma_start3A_285 : memref<128xf32, #tpu.memory_space<vmem>>) target(%dma_start3A_289 : memref<100096xf32, #tpu.memory_space<vmem_shared>>) offsets(%dma_start3A_287 : memref<128xi32, #tpu.memory_space<vmem>>) semaphore(%arg28 : memref<!tpu.dma_semaphore, #tpu.memory_space<semaphore_mem>>) {add = true}
        %dma_start3A_290 = arith.constant 256 : i32
        %dma_start3A_291 = tpu.memref_slice %arg15[%dma_start3A_290] : memref<1024xf32, #tpu.memory_space<vmem>> -> memref<128xf32, #tpu.memory_space<vmem>>
        %dma_start3A_292 = arith.constant 256 : i32
        %dma_start3A_293 = tpu.memref_slice %arg13[%dma_start3A_292] : memref<1024xi32, #tpu.memory_space<vmem>> -> memref<128xi32, #tpu.memory_space<vmem>>
        %dma_start3A_294 = arith.constant 0 : i32
        %dma_start3A_295 = tpu.memref_slice %arg23[%dma_start3A_294] : memref<100096xf32, #tpu.memory_space<vmem_shared>> -> memref<100096xf32, #tpu.memory_space<vmem_shared>>
        tpu.enqueue_indirect_dma source(%dma_start3A_291 : memref<128xf32, #tpu.memory_space<vmem>>) target(%dma_start3A_295 : memref<100096xf32, #tpu.memory_space<vmem_shared>>) offsets(%dma_start3A_293 : memref<128xi32, #tpu.memory_space<vmem>>) semaphore(%arg28 : memref<!tpu.dma_semaphore, #tpu.memory_space<semaphore_mem>>) {add = true}
        %dma_start3A_296 = arith.constant 384 : i32
        %dma_start3A_297 = tpu.memref_slice %arg15[%dma_start3A_296] : memref<1024xf32, #tpu.memory_space<vmem>> -> memref<128xf32, #tpu.memory_space<vmem>>
        %dma_start3A_298 = arith.constant 384 : i32
        %dma_start3A_299 = tpu.memref_slice %arg13[%dma_start3A_298] : memref<1024xi32, #tpu.memory_space<vmem>> -> memref<128xi32, #tpu.memory_space<vmem>>
        %dma_start3A_300 = arith.constant 0 : i32
        %dma_start3A_301 = tpu.memref_slice %arg23[%dma_start3A_300] : memref<100096xf32, #tpu.memory_space<vmem_shared>> -> memref<100096xf32, #tpu.memory_space<vmem_shared>>
        tpu.enqueue_indirect_dma source(%dma_start3A_297 : memref<128xf32, #tpu.memory_space<vmem>>) target(%dma_start3A_301 : memref<100096xf32, #tpu.memory_space<vmem_shared>>) offsets(%dma_start3A_299 : memref<128xi32, #tpu.memory_space<vmem>>) semaphore(%arg28 : memref<!tpu.dma_semaphore, #tpu.memory_space<semaphore_mem>>) {add = true}
        %dma_start3A_302 = arith.constant 512 : i32
        %dma_start3A_303 = tpu.memref_slice %arg15[%dma_start3A_302] : memref<1024xf32, #tpu.memory_space<vmem>> -> memref<128xf32, #tpu.memory_space<vmem>>
        %dma_start3A_304 = arith.constant 512 : i32
        %dma_start3A_305 = tpu.memref_slice %arg13[%dma_start3A_304] : memref<1024xi32, #tpu.memory_space<vmem>> -> memref<128xi32, #tpu.memory_space<vmem>>
        %dma_start3A_306 = arith.constant 0 : i32
        %dma_start3A_307 = tpu.memref_slice %arg23[%dma_start3A_306] : memref<100096xf32, #tpu.memory_space<vmem_shared>> -> memref<100096xf32, #tpu.memory_space<vmem_shared>>
        tpu.enqueue_indirect_dma source(%dma_start3A_303 : memref<128xf32, #tpu.memory_space<vmem>>) target(%dma_start3A_307 : memref<100096xf32, #tpu.memory_space<vmem_shared>>) offsets(%dma_start3A_305 : memref<128xi32, #tpu.memory_space<vmem>>) semaphore(%arg28 : memref<!tpu.dma_semaphore, #tpu.memory_space<semaphore_mem>>) {add = true}
        %dma_start3A_308 = arith.constant 640 : i32
        %dma_start3A_309 = tpu.memref_slice %arg15[%dma_start3A_308] : memref<1024xf32, #tpu.memory_space<vmem>> -> memref<128xf32, #tpu.memory_space<vmem>>
        %dma_start3A_310 = arith.constant 640 : i32
        %dma_start3A_311 = tpu.memref_slice %arg13[%dma_start3A_310] : memref<1024xi32, #tpu.memory_space<vmem>> -> memref<128xi32, #tpu.memory_space<vmem>>
        %dma_start3A_312 = arith.constant 0 : i32
        %dma_start3A_313 = tpu.memref_slice %arg23[%dma_start3A_312] : memref<100096xf32, #tpu.memory_space<vmem_shared>> -> memref<100096xf32, #tpu.memory_space<vmem_shared>>
        tpu.enqueue_indirect_dma source(%dma_start3A_309 : memref<128xf32, #tpu.memory_space<vmem>>) target(%dma_start3A_313 : memref<100096xf32, #tpu.memory_space<vmem_shared>>) offsets(%dma_start3A_311 : memref<128xi32, #tpu.memory_space<vmem>>) semaphore(%arg28 : memref<!tpu.dma_semaphore, #tpu.memory_space<semaphore_mem>>) {add = true}
        %dma_start3A_314 = arith.constant 768 : i32
        %dma_start3A_315 = tpu.memref_slice %arg15[%dma_start3A_314] : memref<1024xf32, #tpu.memory_space<vmem>> -> memref<128xf32, #tpu.memory_space<vmem>>
        %dma_start3A_316 = arith.constant 768 : i32
        %dma_start3A_317 = tpu.memref_slice %arg13[%dma_start3A_316] : memref<1024xi32, #tpu.memory_space<vmem>> -> memref<128xi32, #tpu.memory_space<vmem>>
        %dma_start3A_318 = arith.constant 0 : i32
        %dma_start3A_319 = tpu.memref_slice %arg23[%dma_start3A_318] : memref<100096xf32, #tpu.memory_space<vmem_shared>> -> memref<100096xf32, #tpu.memory_space<vmem_shared>>
        tpu.enqueue_indirect_dma source(%dma_start3A_315 : memref<128xf32, #tpu.memory_space<vmem>>) target(%dma_start3A_319 : memref<100096xf32, #tpu.memory_space<vmem_shared>>) offsets(%dma_start3A_317 : memref<128xi32, #tpu.memory_space<vmem>>) semaphore(%arg28 : memref<!tpu.dma_semaphore, #tpu.memory_space<semaphore_mem>>) {add = true}
        %dma_start3A_320 = arith.constant 896 : i32
        %dma_start3A_321 = tpu.memref_slice %arg15[%dma_start3A_320] : memref<1024xf32, #tpu.memory_space<vmem>> -> memref<128xf32, #tpu.memory_space<vmem>>
        %dma_start3A_322 = arith.constant 896 : i32
        %dma_start3A_323 = tpu.memref_slice %arg13[%dma_start3A_322] : memref<1024xi32, #tpu.memory_space<vmem>> -> memref<128xi32, #tpu.memory_space<vmem>>
        %dma_start3A_324 = arith.constant 0 : i32
        %dma_start3A_325 = tpu.memref_slice %arg23[%dma_start3A_324] : memref<100096xf32, #tpu.memory_space<vmem_shared>> -> memref<100096xf32, #tpu.memory_space<vmem_shared>>
        tpu.enqueue_indirect_dma source(%dma_start3A_321 : memref<128xf32, #tpu.memory_space<vmem>>) target(%dma_start3A_325 : memref<100096xf32, #tpu.memory_space<vmem_shared>>) offsets(%dma_start3A_323 : memref<128xi32, #tpu.memory_space<vmem>>) semaphore(%arg28 : memref<!tpu.dma_semaphore, #tpu.memory_space<semaphore_mem>>) {add = true}
      } else {
      }
      %mul3A_205 = arith.constant 3 : i32
      %mul3A_206 = arith.muli %scan3A_187, %mul3A_205 : i32
      %add3A_207 = arith.constant 2 : i32
      %add3A_208 = arith.addi %mul3A_206, %add3A_207 : i32
      %lt3A_209 = arith.cmpi slt, %add3A_208, %min3A_18 : i32
      %convert_element_type3A_210 = arith.extui %lt3A_209 : i1 to i32
      %cond3A_211 = arith.constant 0 : i32
      %cond3A_212 = arith.cmpi ne, %convert_element_type3A_210, %cond3A_211 : i32
      scf.if %cond3A_212 {
        %ge3A_214 = arith.constant 2 : i32
        %ge3A_215 = arith.cmpi sge, %add3A_208, %ge3A_214 : i32
        %convert_element_type3A_216 = arith.extui %ge3A_215 : i1 to i32
        %cond3A_217 = arith.constant 0 : i32
        %cond3A_218 = arith.cmpi ne, %convert_element_type3A_216, %cond3A_217 : i32
        scf.if %cond3A_218 {
          %dma_wait3A_326 = arith.constant 0 : i32
          %dma_wait3A_327 = tpu.memref_slice %arg11[%dma_wait3A_326] : memref<1024xf32, #tpu.memory_space<vmem>> -> memref<128xf32, #tpu.memory_space<vmem>>
          %dma_wait3A_328 = arith.constant 0 : i32
          %dma_wait3A_329 = tpu.memref_slice %arg9[%dma_wait3A_328] : memref<1024xi32, #tpu.memory_space<vmem>> -> memref<128xi32, #tpu.memory_space<vmem>>
          %dma_wait3A_330 = arith.constant 0 : i32
          %dma_wait3A_331 = tpu.memref_slice %arg23[%dma_wait3A_330] : memref<100096xf32, #tpu.memory_space<vmem_shared>> -> memref<100096xf32, #tpu.memory_space<vmem_shared>>
          tpu.wait_indirect_dma semaphore(%arg27 : memref<!tpu.dma_semaphore, #tpu.memory_space<semaphore_mem>>) src(%dma_wait3A_327 : memref<128xf32, #tpu.memory_space<vmem>>) dst(%dma_wait3A_331 : memref<100096xf32, #tpu.memory_space<vmem_shared>>)
          %dma_wait3A_332 = arith.constant 128 : i32
          %dma_wait3A_333 = tpu.memref_slice %arg11[%dma_wait3A_332] : memref<1024xf32, #tpu.memory_space<vmem>> -> memref<128xf32, #tpu.memory_space<vmem>>
          %dma_wait3A_334 = arith.constant 128 : i32
          %dma_wait3A_335 = tpu.memref_slice %arg9[%dma_wait3A_334] : memref<1024xi32, #tpu.memory_space<vmem>> -> memref<128xi32, #tpu.memory_space<vmem>>
          %dma_wait3A_336 = arith.constant 0 : i32
          %dma_wait3A_337 = tpu.memref_slice %arg23[%dma_wait3A_336] : memref<100096xf32, #tpu.memory_space<vmem_shared>> -> memref<100096xf32, #tpu.memory_space<vmem_shared>>
          tpu.wait_indirect_dma semaphore(%arg27 : memref<!tpu.dma_semaphore, #tpu.memory_space<semaphore_mem>>) src(%dma_wait3A_333 : memref<128xf32, #tpu.memory_space<vmem>>) dst(%dma_wait3A_337 : memref<100096xf32, #tpu.memory_space<vmem_shared>>)
          %dma_wait3A_338 = arith.constant 256 : i32
          %dma_wait3A_339 = tpu.memref_slice %arg11[%dma_wait3A_338] : memref<1024xf32, #tpu.memory_space<vmem>> -> memref<128xf32, #tpu.memory_space<vmem>>
          %dma_wait3A_340 = arith.constant 256 : i32
          %dma_wait3A_341 = tpu.memref_slice %arg9[%dma_wait3A_340] : memref<1024xi32, #tpu.memory_space<vmem>> -> memref<128xi32, #tpu.memory_space<vmem>>
          %dma_wait3A_342 = arith.constant 0 : i32
          %dma_wait3A_343 = tpu.memref_slice %arg23[%dma_wait3A_342] : memref<100096xf32, #tpu.memory_space<vmem_shared>> -> memref<100096xf32, #tpu.memory_space<vmem_shared>>
          tpu.wait_indirect_dma semaphore(%arg27 : memref<!tpu.dma_semaphore, #tpu.memory_space<semaphore_mem>>) src(%dma_wait3A_339 : memref<128xf32, #tpu.memory_space<vmem>>) dst(%dma_wait3A_343 : memref<100096xf32, #tpu.memory_space<vmem_shared>>)
          %dma_wait3A_344 = arith.constant 384 : i32
          %dma_wait3A_345 = tpu.memref_slice %arg11[%dma_wait3A_344] : memref<1024xf32, #tpu.memory_space<vmem>> -> memref<128xf32, #tpu.memory_space<vmem>>
          %dma_wait3A_346 = arith.constant 384 : i32
          %dma_wait3A_347 = tpu.memref_slice %arg9[%dma_wait3A_346] : memref<1024xi32, #tpu.memory_space<vmem>> -> memref<128xi32, #tpu.memory_space<vmem>>
          %dma_wait3A_348 = arith.constant 0 : i32
          %dma_wait3A_349 = tpu.memref_slice %arg23[%dma_wait3A_348] : memref<100096xf32, #tpu.memory_space<vmem_shared>> -> memref<100096xf32, #tpu.memory_space<vmem_shared>>
          tpu.wait_indirect_dma semaphore(%arg27 : memref<!tpu.dma_semaphore, #tpu.memory_space<semaphore_mem>>) src(%dma_wait3A_345 : memref<128xf32, #tpu.memory_space<vmem>>) dst(%dma_wait3A_349 : memref<100096xf32, #tpu.memory_space<vmem_shared>>)
          %dma_wait3A_350 = arith.constant 512 : i32
          %dma_wait3A_351 = tpu.memref_slice %arg11[%dma_wait3A_350] : memref<1024xf32, #tpu.memory_space<vmem>> -> memref<128xf32, #tpu.memory_space<vmem>>
          %dma_wait3A_352 = arith.constant 512 : i32
          %dma_wait3A_353 = tpu.memref_slice %arg9[%dma_wait3A_352] : memref<1024xi32, #tpu.memory_space<vmem>> -> memref<128xi32, #tpu.memory_space<vmem>>
          %dma_wait3A_354 = arith.constant 0 : i32
          %dma_wait3A_355 = tpu.memref_slice %arg23[%dma_wait3A_354] : memref<100096xf32, #tpu.memory_space<vmem_shared>> -> memref<100096xf32, #tpu.memory_space<vmem_shared>>
          tpu.wait_indirect_dma semaphore(%arg27 : memref<!tpu.dma_semaphore, #tpu.memory_space<semaphore_mem>>) src(%dma_wait3A_351 : memref<128xf32, #tpu.memory_space<vmem>>) dst(%dma_wait3A_355 : memref<100096xf32, #tpu.memory_space<vmem_shared>>)
          %dma_wait3A_356 = arith.constant 640 : i32
          %dma_wait3A_357 = tpu.memref_slice %arg11[%dma_wait3A_356] : memref<1024xf32, #tpu.memory_space<vmem>> -> memref<128xf32, #tpu.memory_space<vmem>>
          %dma_wait3A_358 = arith.constant 640 : i32
          %dma_wait3A_359 = tpu.memref_slice %arg9[%dma_wait3A_358] : memref<1024xi32, #tpu.memory_space<vmem>> -> memref<128xi32, #tpu.memory_space<vmem>>
          %dma_wait3A_360 = arith.constant 0 : i32
          %dma_wait3A_361 = tpu.memref_slice %arg23[%dma_wait3A_360] : memref<100096xf32, #tpu.memory_space<vmem_shared>> -> memref<100096xf32, #tpu.memory_space<vmem_shared>>
          tpu.wait_indirect_dma semaphore(%arg27 : memref<!tpu.dma_semaphore, #tpu.memory_space<semaphore_mem>>) src(%dma_wait3A_357 : memref<128xf32, #tpu.memory_space<vmem>>) dst(%dma_wait3A_361 : memref<100096xf32, #tpu.memory_space<vmem_shared>>)
          %dma_wait3A_362 = arith.constant 768 : i32
          %dma_wait3A_363 = tpu.memref_slice %arg11[%dma_wait3A_362] : memref<1024xf32, #tpu.memory_space<vmem>> -> memref<128xf32, #tpu.memory_space<vmem>>
          %dma_wait3A_364 = arith.constant 768 : i32
          %dma_wait3A_365 = tpu.memref_slice %arg9[%dma_wait3A_364] : memref<1024xi32, #tpu.memory_space<vmem>> -> memref<128xi32, #tpu.memory_space<vmem>>
          %dma_wait3A_366 = arith.constant 0 : i32
          %dma_wait3A_367 = tpu.memref_slice %arg23[%dma_wait3A_366] : memref<100096xf32, #tpu.memory_space<vmem_shared>> -> memref<100096xf32, #tpu.memory_space<vmem_shared>>
          tpu.wait_indirect_dma semaphore(%arg27 : memref<!tpu.dma_semaphore, #tpu.memory_space<semaphore_mem>>) src(%dma_wait3A_363 : memref<128xf32, #tpu.memory_space<vmem>>) dst(%dma_wait3A_367 : memref<100096xf32, #tpu.memory_space<vmem_shared>>)
          %dma_wait3A_368 = arith.constant 896 : i32
          %dma_wait3A_369 = tpu.memref_slice %arg11[%dma_wait3A_368] : memref<1024xf32, #tpu.memory_space<vmem>> -> memref<128xf32, #tpu.memory_space<vmem>>
          %dma_wait3A_370 = arith.constant 896 : i32
          %dma_wait3A_371 = tpu.memref_slice %arg9[%dma_wait3A_370] : memref<1024xi32, #tpu.memory_space<vmem>> -> memref<128xi32, #tpu.memory_space<vmem>>
          %dma_wait3A_372 = arith.constant 0 : i32
          %dma_wait3A_373 = tpu.memref_slice %arg23[%dma_wait3A_372] : memref<100096xf32, #tpu.memory_space<vmem_shared>> -> memref<100096xf32, #tpu.memory_space<vmem_shared>>
          tpu.wait_indirect_dma semaphore(%arg27 : memref<!tpu.dma_semaphore, #tpu.memory_space<semaphore_mem>>) src(%dma_wait3A_369 : memref<128xf32, #tpu.memory_space<vmem>>) dst(%dma_wait3A_373 : memref<100096xf32, #tpu.memory_space<vmem_shared>>)
        } else {
        }
        %add3A_219 = arith.constant 1 : i32
        %add3A_220 = arith.addi %add3A_208, %add3A_219 : i32
        %lt3A_221 = arith.cmpi slt, %add3A_220, %min3A_18 : i32
        %convert_element_type3A_222 = arith.extui %lt3A_221 : i1 to i32
        %cond3A_223 = arith.constant 0 : i32
        %cond3A_224 = arith.cmpi ne, %convert_element_type3A_222, %cond3A_223 : i32
        scf.if %cond3A_224 {
          %add3A_326 = arith.constant 1 : i32
          %add3A_327 = arith.addi %add3A_208, %add3A_326 : i32
          %add3A_328 = arith.addi %mul3A_16, %add3A_327 : i32
          %jit3A_329 = arith.constant 3125 : i32
          %div3A_330 = arith.divsi %add3A_328, %jit3A_329 : i32
          %sign3A_331 = arith.constant 0 : i32
          %sign3A_332 = arith.cmpi sgt, %add3A_328, %sign3A_331 : i32
          %sign3A_333 = arith.extui %sign3A_332 : i1 to i32
          %sign3A_334 = arith.constant 0 : i32
          %sign3A_335 = arith.cmpi slt, %add3A_328, %sign3A_334 : i32
          %sign3A_336 = arith.extui %sign3A_335 : i1 to i32
          %sign3A_337 = arith.subi %sign3A_333, %sign3A_336 : i32
          %sign3A_338 = arith.constant 0 : i32
          %sign3A_339 = arith.cmpi sgt, %jit3A_329, %sign3A_338 : i32
          %sign3A_340 = arith.extui %sign3A_339 : i1 to i32
          %sign3A_341 = arith.constant 0 : i32
          %sign3A_342 = arith.cmpi slt, %jit3A_329, %sign3A_341 : i32
          %sign3A_343 = arith.extui %sign3A_342 : i1 to i32
          %sign3A_344 = arith.subi %sign3A_340, %sign3A_343 : i32
          %ne3A_345 = arith.cmpi ne, %sign3A_337, %sign3A_344 : i32
          %rem3A_346 = arith.remsi %add3A_328, %jit3A_329 : i32
          %ne3A_347 = arith.constant 0 : i32
          %ne3A_348 = arith.cmpi ne, %rem3A_346, %ne3A_347 : i32
          %and3A_349 = arith.andi %ne3A_345, %ne3A_348 : i1
          %sub3A_350 = arith.constant 1 : i32
          %sub3A_351 = arith.subi %div3A_330, %sub3A_350 : i32
          %select_n3A_352 = arith.select %and3A_349, %sub3A_351, %div3A_330 : i32
          %mul3A_353 = arith.constant 3125 : i32
          %mul3A_354 = arith.muli %select_n3A_352, %mul3A_353 : i32
          %sub3A_355 = arith.subi %add3A_328, %mul3A_354 : i32
          %mul3A_356 = arith.constant 1024 : i32
          %mul3A_357 = arith.muli %sub3A_355, %mul3A_356 : i32
          %dma_start3A_358 = arith.constant 0 : i32
          %dma_start3A_359 = tpu.memref_slice %arg3[%select_n3A_352, %dma_start3A_358, %mul3A_357] : memref<3x2x3200000xi32, #tpu.memory_space<hbm>> -> memref<1x1x1024xi32, #tpu.memory_space<hbm>>
          %dma_start3A_360 = tpu.memref_squeeze %dma_start3A_359 : memref<1x1x1024xi32, #tpu.memory_space<hbm>> -> memref<1024xi32, #tpu.memory_space<hbm>>
          %dma_start3A_361 = tpu.memref_slice %arg3[%select_n3A_352, %dma_start3A_358, %mul3A_357] : memref<3x2x3200000xi32, #tpu.memory_space<hbm>> -> memref<1x1x1024xi32, #tpu.memory_space<hbm>>
          %dma_start3A_362 = tpu.memref_squeeze %dma_start3A_361 : memref<1x1x1024xi32, #tpu.memory_space<hbm>> -> memref<1024xi32, #tpu.memory_space<hbm>>
          tpu.enqueue_dma source(%dma_start3A_362 : memref<1024xi32, #tpu.memory_space<hbm>>) target(%arg8 : memref<1024xi32, #tpu.memory_space<vmem>>) target_semaphore(%arg24 : memref<!tpu.dma_semaphore, #tpu.memory_space<semaphore_mem>>)
          %dma_start3A_363 = arith.constant 1 : i32
          %dma_start3A_364 = tpu.memref_slice %arg3[%select_n3A_352, %dma_start3A_363, %mul3A_357] : memref<3x2x3200000xi32, #tpu.memory_space<hbm>> -> memref<1x1x1024xi32, #tpu.memory_space<hbm>>
          %dma_start3A_365 = tpu.memref_squeeze %dma_start3A_364 : memref<1x1x1024xi32, #tpu.memory_space<hbm>> -> memref<1024xi32, #tpu.memory_space<hbm>>
          %dma_start3A_366 = tpu.memref_slice %arg3[%select_n3A_352, %dma_start3A_363, %mul3A_357] : memref<3x2x3200000xi32, #tpu.memory_space<hbm>> -> memref<1x1x1024xi32, #tpu.memory_space<hbm>>
          %dma_start3A_367 = tpu.memref_squeeze %dma_start3A_366 : memref<1x1x1024xi32, #tpu.memory_space<hbm>> -> memref<1024xi32, #tpu.memory_space<hbm>>
          tpu.enqueue_dma source(%dma_start3A_367 : memref<1024xi32, #tpu.memory_space<hbm>>) target(%arg9 : memref<1024xi32, #tpu.memory_space<vmem>>) target_semaphore(%arg24 : memref<!tpu.dma_semaphore, #tpu.memory_space<semaphore_mem>>)
          %dma_start3A_368 = tpu.memref_slice %arg4[%select_n3A_352, %mul3A_357] : memref<3x3200000xf32, #tpu.memory_space<hbm>> -> memref<1x1024xf32, #tpu.memory_space<hbm>>
          %dma_start3A_369 = tpu.memref_squeeze %dma_start3A_368 : memref<1x1024xf32, #tpu.memory_space<hbm>> -> memref<1024xf32, #tpu.memory_space<hbm>>
          %dma_start3A_370 = tpu.memref_slice %arg4[%select_n3A_352, %mul3A_357] : memref<3x3200000xf32, #tpu.memory_space<hbm>> -> memref<1x1024xf32, #tpu.memory_space<hbm>>
          %dma_start3A_371 = tpu.memref_squeeze %dma_start3A_370 : memref<1x1024xf32, #tpu.memory_space<hbm>> -> memref<1024xf32, #tpu.memory_space<hbm>>
          tpu.enqueue_dma source(%dma_start3A_371 : memref<1024xf32, #tpu.memory_space<hbm>>) target(%arg10 : memref<1024xf32, #tpu.memory_space<vmem>>) target_semaphore(%arg24 : memref<!tpu.dma_semaphore, #tpu.memory_space<semaphore_mem>>)
        } else {
        }
        %dma_wait3A = arith.constant 0 : i32
        %dma_wait3A_225 = arith.constant 0 : i32
        %dma_wait3A_226 = arith.constant 0 : i32
        %dma_wait3A_227 = tpu.memref_slice %arg3[%dma_wait3A, %dma_wait3A_225, %dma_wait3A_226] : memref<3x2x3200000xi32, #tpu.memory_space<hbm>> -> memref<1x1x1024xi32, #tpu.memory_space<hbm>>
        %dma_wait3A_228 = tpu.memref_squeeze %dma_wait3A_227 : memref<1x1x1024xi32, #tpu.memory_space<hbm>> -> memref<1024xi32, #tpu.memory_space<hbm>>
        %dma_wait3A_229 = arith.constant 0 : i32
        %dma_wait3A_230 = tpu.memref_slice %arg3[%dma_wait3A, %dma_wait3A_225, %dma_wait3A_229] : memref<3x2x3200000xi32, #tpu.memory_space<hbm>> -> memref<1x1x1024xi32, #tpu.memory_space<hbm>>
        %dma_wait3A_231 = tpu.memref_squeeze %dma_wait3A_230 : memref<1x1x1024xi32, #tpu.memory_space<hbm>> -> memref<1024xi32, #tpu.memory_space<hbm>>
        tpu.wait_dma2 semaphore(%arg26 : memref<!tpu.dma_semaphore, #tpu.memory_space<semaphore_mem>>) src(%dma_wait3A_231 : memref<1024xi32, #tpu.memory_space<hbm>>) dst(%arg16 : memref<1024xi32, #tpu.memory_space<vmem>>)
        %dma_wait3A_232 = arith.constant 0 : i32
        %dma_wait3A_233 = arith.constant 1 : i32
        %dma_wait3A_234 = arith.constant 0 : i32
        %dma_wait3A_235 = tpu.memref_slice %arg3[%dma_wait3A_232, %dma_wait3A_233, %dma_wait3A_234] : memref<3x2x3200000xi32, #tpu.memory_space<hbm>> -> memref<1x1x1024xi32, #tpu.memory_space<hbm>>
        %dma_wait3A_236 = tpu.memref_squeeze %dma_wait3A_235 : memref<1x1x1024xi32, #tpu.memory_space<hbm>> -> memref<1024xi32, #tpu.memory_space<hbm>>
        %dma_wait3A_237 = arith.constant 0 : i32
        %dma_wait3A_238 = tpu.memref_slice %arg3[%dma_wait3A_232, %dma_wait3A_233, %dma_wait3A_237] : memref<3x2x3200000xi32, #tpu.memory_space<hbm>> -> memref<1x1x1024xi32, #tpu.memory_space<hbm>>
        %dma_wait3A_239 = tpu.memref_squeeze %dma_wait3A_238 : memref<1x1x1024xi32, #tpu.memory_space<hbm>> -> memref<1024xi32, #tpu.memory_space<hbm>>
        tpu.wait_dma2 semaphore(%arg26 : memref<!tpu.dma_semaphore, #tpu.memory_space<semaphore_mem>>) src(%dma_wait3A_239 : memref<1024xi32, #tpu.memory_space<hbm>>) dst(%arg17 : memref<1024xi32, #tpu.memory_space<vmem>>)
        %dma_wait3A_240 = arith.constant 0 : i32
        %dma_wait3A_241 = arith.constant 0 : i32
        %dma_wait3A_242 = tpu.memref_slice %arg4[%dma_wait3A_240, %dma_wait3A_241] : memref<3x3200000xf32, #tpu.memory_space<hbm>> -> memref<1x1024xf32, #tpu.memory_space<hbm>>
        %dma_wait3A_243 = tpu.memref_squeeze %dma_wait3A_242 : memref<1x1024xf32, #tpu.memory_space<hbm>> -> memref<1024xf32, #tpu.memory_space<hbm>>
        %dma_wait3A_244 = arith.constant 0 : i32
        %dma_wait3A_245 = tpu.memref_slice %arg4[%dma_wait3A_240, %dma_wait3A_244] : memref<3x3200000xf32, #tpu.memory_space<hbm>> -> memref<1x1024xf32, #tpu.memory_space<hbm>>
        %dma_wait3A_246 = tpu.memref_squeeze %dma_wait3A_245 : memref<1x1024xf32, #tpu.memory_space<hbm>> -> memref<1024xf32, #tpu.memory_space<hbm>>
        tpu.wait_dma2 semaphore(%arg26 : memref<!tpu.dma_semaphore, #tpu.memory_space<semaphore_mem>>) src(%dma_wait3A_246 : memref<1024xf32, #tpu.memory_space<hbm>>) dst(%arg18 : memref<1024xf32, #tpu.memory_space<vmem>>)
        %add3A_247 = arith.addi %mul3A_16, %add3A_208 : i32
        %jit3A_248 = arith.constant 3125 : i32
        %div3A = arith.divsi %add3A_247, %jit3A_248 : i32
        %sign3A = arith.constant 0 : i32
        %sign3A_249 = arith.cmpi sgt, %add3A_247, %sign3A : i32
        %sign3A_250 = arith.extui %sign3A_249 : i1 to i32
        %sign3A_251 = arith.constant 0 : i32
        %sign3A_252 = arith.cmpi slt, %add3A_247, %sign3A_251 : i32
        %sign3A_253 = arith.extui %sign3A_252 : i1 to i32
        %sign3A_254 = arith.subi %sign3A_250, %sign3A_253 : i32
        %sign3A_255 = arith.constant 0 : i32
        %sign3A_256 = arith.cmpi sgt, %jit3A_248, %sign3A_255 : i32
        %sign3A_257 = arith.extui %sign3A_256 : i1 to i32
        %sign3A_258 = arith.constant 0 : i32
        %sign3A_259 = arith.cmpi slt, %jit3A_248, %sign3A_258 : i32
        %sign3A_260 = arith.extui %sign3A_259 : i1 to i32
        %sign3A_261 = arith.subi %sign3A_257, %sign3A_260 : i32
        %ne3A_262 = arith.cmpi ne, %sign3A_254, %sign3A_261 : i32
        %rem3A_263 = arith.remsi %add3A_247, %jit3A_248 : i32
        %ne3A_264 = arith.constant 0 : i32
        %ne3A_265 = arith.cmpi ne, %rem3A_263, %ne3A_264 : i32
        %and3A_266 = arith.andi %ne3A_262, %ne3A_265 : i1
        %sub3A_267 = arith.constant 1 : i32
        %sub3A_268 = arith.subi %div3A, %sub3A_267 : i32
        %select_n3A_269 = arith.select %and3A_266, %sub3A_268, %div3A : i32
        %get3A = arith.index_cast %select_n3A_269 : i32 to index
        %get3A_270 = arith.constant 0 : index
        %get3A_271 = tpu.vector_load %arg21[%get3A, %get3A_270] {strides = array<i32>} : memref<3x16xf32, #tpu.memory_space<vmem>>, vector<16xf32>,
        %scan3A_272 = arith.constant 0 : i32
        %scan3A_273 = arith.constant 0 : i32
        %scan3A_274 = arith.constant 8 : i32
        %scan3A_275 = arith.addi %scan3A_273, %scan3A_274 : i32
        %scan3A_276 = arith.constant 1 : i32
        %scan3A_277 = scf.for %scan3A_326 = %scan3A_273 to %scan3A_275 step %scan3A_276 iter_args(%scan3A_327 = %scan3A_272) -> (i32)  : i32 {
          %mul3A_328 = arith.constant 128 : i32
          %mul3A_329 = arith.muli %scan3A_326, %mul3A_328 : i32
          %add3A_330 = arith.constant 0 : i32
          %add3A_331 = arith.addi %mul3A_329, %add3A_330 : i32
          %get3A_332 = arith.index_cast %add3A_331 : i32 to index
          %get3A_333 = tpu.vector_load %arg16[%get3A_332] {strides = array<i32>} : memref<1024xi32, #tpu.memory_space<vmem>>, vector<16xi32>,
          %gather3A = tpu.vector_load_idx %arg22[%get3A_333] : memref<100096xf32, #tpu.memory_space<vmem>>[vector<16xi32>], vector<16xf32>,
          %get3A_334 = arith.index_cast %add3A_331 : i32 to index
          %get3A_335 = tpu.vector_load %arg18[%get3A_334] {strides = array<i32>} : memref<1024xf32, #tpu.memory_space<vmem>>, vector<16xf32>,
          %mul3A_336 = arith.mulf %gather3A, %get3A_335 : vector<16xf32>
          %mul3A_337 = arith.mulf %mul3A_336, %get3A_271 : vector<16xf32>
          %swap3A = arith.index_cast %add3A_331 : i32 to index
          %swap3A_338 = tpu.vector_load %arg19[%swap3A] {strides = array<i32>} : memref<1024xf32, #tpu.memory_space<vmem>>, vector<16xf32>,
          tpu.vector_store %arg19[%swap3A], %mul3A_337 {strides = array<i32>} : memref<1024xf32, #tpu.memory_space<vmem>>, vector<16xf32>,
          %mul3A_339 = arith.constant 128 : i32
          %mul3A_340 = arith.muli %scan3A_326, %mul3A_339 : i32
          %add3A_341 = arith.constant 16 : i32
          %add3A_342 = arith.addi %mul3A_340, %add3A_341 : i32
          %get3A_343 = arith.index_cast %add3A_342 : i32 to index
          %get3A_344 = tpu.vector_load %arg16[%get3A_343] {strides = array<i32>} : memref<1024xi32, #tpu.memory_space<vmem>>, vector<16xi32>,
          %gather3A_345 = tpu.vector_load_idx %arg22[%get3A_344] : memref<100096xf32, #tpu.memory_space<vmem>>[vector<16xi32>], vector<16xf32>,
          %get3A_346 = arith.index_cast %add3A_342 : i32 to index
          %get3A_347 = tpu.vector_load %arg18[%get3A_346] {strides = array<i32>} : memref<1024xf32, #tpu.memory_space<vmem>>, vector<16xf32>,
          %mul3A_348 = arith.mulf %gather3A_345, %get3A_347 : vector<16xf32>
          %mul3A_349 = arith.mulf %mul3A_348, %get3A_271 : vector<16xf32>
          %swap3A_350 = arith.index_cast %add3A_342 : i32 to index
          %swap3A_351 = tpu.vector_load %arg19[%swap3A_350] {strides = array<i32>} : memref<1024xf32, #tpu.memory_space<vmem>>, vector<16xf32>,
          tpu.vector_store %arg19[%swap3A_350], %mul3A_349 {strides = array<i32>} : memref<1024xf32, #tpu.memory_space<vmem>>, vector<16xf32>,
          %mul3A_352 = arith.constant 128 : i32
          %mul3A_353 = arith.muli %scan3A_326, %mul3A_352 : i32
          %add3A_354 = arith.constant 32 : i32
          %add3A_355 = arith.addi %mul3A_353, %add3A_354 : i32
          %get3A_356 = arith.index_cast %add3A_355 : i32 to index
          %get3A_357 = tpu.vector_load %arg16[%get3A_356] {strides = array<i32>} : memref<1024xi32, #tpu.memory_space<vmem>>, vector<16xi32>,
          %gather3A_358 = tpu.vector_load_idx %arg22[%get3A_357] : memref<100096xf32, #tpu.memory_space<vmem>>[vector<16xi32>], vector<16xf32>,
          %get3A_359 = arith.index_cast %add3A_355 : i32 to index
          %get3A_360 = tpu.vector_load %arg18[%get3A_359] {strides = array<i32>} : memref<1024xf32, #tpu.memory_space<vmem>>, vector<16xf32>,
          %mul3A_361 = arith.mulf %gather3A_358, %get3A_360 : vector<16xf32>
          %mul3A_362 = arith.mulf %mul3A_361, %get3A_271 : vector<16xf32>
          %swap3A_363 = arith.index_cast %add3A_355 : i32 to index
          %swap3A_364 = tpu.vector_load %arg19[%swap3A_363] {strides = array<i32>} : memref<1024xf32, #tpu.memory_space<vmem>>, vector<16xf32>,
          tpu.vector_store %arg19[%swap3A_363], %mul3A_362 {strides = array<i32>} : memref<1024xf32, #tpu.memory_space<vmem>>, vector<16xf32>,
          %mul3A_365 = arith.constant 128 : i32
          %mul3A_366 = arith.muli %scan3A_326, %mul3A_365 : i32
          %add3A_367 = arith.constant 48 : i32
          %add3A_368 = arith.addi %mul3A_366, %add3A_367 : i32
          %get3A_369 = arith.index_cast %add3A_368 : i32 to index
          %get3A_370 = tpu.vector_load %arg16[%get3A_369] {strides = array<i32>} : memref<1024xi32, #tpu.memory_space<vmem>>, vector<16xi32>,
          %gather3A_371 = tpu.vector_load_idx %arg22[%get3A_370] : memref<100096xf32, #tpu.memory_space<vmem>>[vector<16xi32>], vector<16xf32>,
          %get3A_372 = arith.index_cast %add3A_368 : i32 to index
          %get3A_373 = tpu.vector_load %arg18[%get3A_372] {strides = array<i32>} : memref<1024xf32, #tpu.memory_space<vmem>>, vector<16xf32>,
          %mul3A_374 = arith.mulf %gather3A_371, %get3A_373 : vector<16xf32>
          %mul3A_375 = arith.mulf %mul3A_374, %get3A_271 : vector<16xf32>
          %swap3A_376 = arith.index_cast %add3A_368 : i32 to index
          %swap3A_377 = tpu.vector_load %arg19[%swap3A_376] {strides = array<i32>} : memref<1024xf32, #tpu.memory_space<vmem>>, vector<16xf32>,
          tpu.vector_store %arg19[%swap3A_376], %mul3A_375 {strides = array<i32>} : memref<1024xf32, #tpu.memory_space<vmem>>, vector<16xf32>,
          %mul3A_378 = arith.constant 128 : i32
          %mul3A_379 = arith.muli %scan3A_326, %mul3A_378 : i32
          %add3A_380 = arith.constant 64 : i32
          %add3A_381 = arith.addi %mul3A_379, %add3A_380 : i32
          %get3A_382 = arith.index_cast %add3A_381 : i32 to index
          %get3A_383 = tpu.vector_load %arg16[%get3A_382] {strides = array<i32>} : memref<1024xi32, #tpu.memory_space<vmem>>, vector<16xi32>,
          %gather3A_384 = tpu.vector_load_idx %arg22[%get3A_383] : memref<100096xf32, #tpu.memory_space<vmem>>[vector<16xi32>], vector<16xf32>,
          %get3A_385 = arith.index_cast %add3A_381 : i32 to index
          %get3A_386 = tpu.vector_load %arg18[%get3A_385] {strides = array<i32>} : memref<1024xf32, #tpu.memory_space<vmem>>, vector<16xf32>,
          %mul3A_387 = arith.mulf %gather3A_384, %get3A_386 : vector<16xf32>
          %mul3A_388 = arith.mulf %mul3A_387, %get3A_271 : vector<16xf32>
          %swap3A_389 = arith.index_cast %add3A_381 : i32 to index
          %swap3A_390 = tpu.vector_load %arg19[%swap3A_389] {strides = array<i32>} : memref<1024xf32, #tpu.memory_space<vmem>>, vector<16xf32>,
          tpu.vector_store %arg19[%swap3A_389], %mul3A_388 {strides = array<i32>} : memref<1024xf32, #tpu.memory_space<vmem>>, vector<16xf32>,
          %mul3A_391 = arith.constant 128 : i32
          %mul3A_392 = arith.muli %scan3A_326, %mul3A_391 : i32
          %add3A_393 = arith.constant 80 : i32
          %add3A_394 = arith.addi %mul3A_392, %add3A_393 : i32
          %get3A_395 = arith.index_cast %add3A_394 : i32 to index
          %get3A_396 = tpu.vector_load %arg16[%get3A_395] {strides = array<i32>} : memref<1024xi32, #tpu.memory_space<vmem>>, vector<16xi32>,
          %gather3A_397 = tpu.vector_load_idx %arg22[%get3A_396] : memref<100096xf32, #tpu.memory_space<vmem>>[vector<16xi32>], vector<16xf32>,
          %get3A_398 = arith.index_cast %add3A_394 : i32 to index
          %get3A_399 = tpu.vector_load %arg18[%get3A_398] {strides = array<i32>} : memref<1024xf32, #tpu.memory_space<vmem>>, vector<16xf32>,
          %mul3A_400 = arith.mulf %gather3A_397, %get3A_399 : vector<16xf32>
          %mul3A_401 = arith.mulf %mul3A_400, %get3A_271 : vector<16xf32>
          %swap3A_402 = arith.index_cast %add3A_394 : i32 to index
          %swap3A_403 = tpu.vector_load %arg19[%swap3A_402] {strides = array<i32>} : memref<1024xf32, #tpu.memory_space<vmem>>, vector<16xf32>,
          tpu.vector_store %arg19[%swap3A_402], %mul3A_401 {strides = array<i32>} : memref<1024xf32, #tpu.memory_space<vmem>>, vector<16xf32>,
          %mul3A_404 = arith.constant 128 : i32
          %mul3A_405 = arith.muli %scan3A_326, %mul3A_404 : i32
          %add3A_406 = arith.constant 96 : i32
          %add3A_407 = arith.addi %mul3A_405, %add3A_406 : i32
          %get3A_408 = arith.index_cast %add3A_407 : i32 to index
          %get3A_409 = tpu.vector_load %arg16[%get3A_408] {strides = array<i32>} : memref<1024xi32, #tpu.memory_space<vmem>>, vector<16xi32>,
          %gather3A_410 = tpu.vector_load_idx %arg22[%get3A_409] : memref<100096xf32, #tpu.memory_space<vmem>>[vector<16xi32>], vector<16xf32>,
          %get3A_411 = arith.index_cast %add3A_407 : i32 to index
          %get3A_412 = tpu.vector_load %arg18[%get3A_411] {strides = array<i32>} : memref<1024xf32, #tpu.memory_space<vmem>>, vector<16xf32>,
          %mul3A_413 = arith.mulf %gather3A_410, %get3A_412 : vector<16xf32>
          %mul3A_414 = arith.mulf %mul3A_413, %get3A_271 : vector<16xf32>
          %swap3A_415 = arith.index_cast %add3A_407 : i32 to index
          %swap3A_416 = tpu.vector_load %arg19[%swap3A_415] {strides = array<i32>} : memref<1024xf32, #tpu.memory_space<vmem>>, vector<16xf32>,
          tpu.vector_store %arg19[%swap3A_415], %mul3A_414 {strides = array<i32>} : memref<1024xf32, #tpu.memory_space<vmem>>, vector<16xf32>,
          %mul3A_417 = arith.constant 128 : i32
          %mul3A_418 = arith.muli %scan3A_326, %mul3A_417 : i32
          %add3A_419 = arith.constant 112 : i32
          %add3A_420 = arith.addi %mul3A_418, %add3A_419 : i32
          %get3A_421 = arith.index_cast %add3A_420 : i32 to index
          %get3A_422 = tpu.vector_load %arg16[%get3A_421] {strides = array<i32>} : memref<1024xi32, #tpu.memory_space<vmem>>, vector<16xi32>,
          %gather3A_423 = tpu.vector_load_idx %arg22[%get3A_422] : memref<100096xf32, #tpu.memory_space<vmem>>[vector<16xi32>], vector<16xf32>,
          %get3A_424 = arith.index_cast %add3A_420 : i32 to index
          %get3A_425 = tpu.vector_load %arg18[%get3A_424] {strides = array<i32>} : memref<1024xf32, #tpu.memory_space<vmem>>, vector<16xf32>,
          %mul3A_426 = arith.mulf %gather3A_423, %get3A_425 : vector<16xf32>
          %mul3A_427 = arith.mulf %mul3A_426, %get3A_271 : vector<16xf32>
          %swap3A_428 = arith.index_cast %add3A_420 : i32 to index
          %swap3A_429 = tpu.vector_load %arg19[%swap3A_428] {strides = array<i32>} : memref<1024xf32, #tpu.memory_space<vmem>>, vector<16xf32>,
          tpu.vector_store %arg19[%swap3A_428], %mul3A_427 {strides = array<i32>} : memref<1024xf32, #tpu.memory_space<vmem>>, vector<16xf32>,
          %scan3A_430 = arith.constant 0 : i32
          scf.yield %scan3A_430 : i32
        }
        %scan3A_278 = arith.constant 8 : i32
        %dma_start3A = arith.constant 0 : i32
        %dma_start3A_279 = tpu.memref_slice %arg19[%dma_start3A] : memref<1024xf32, #tpu.memory_space<vmem>> -> memref<128xf32, #tpu.memory_space<vmem>>
        %dma_start3A_280 = arith.constant 0 : i32
        %dma_start3A_281 = tpu.memref_slice %arg17[%dma_start3A_280] : memref<1024xi32, #tpu.memory_space<vmem>> -> memref<128xi32, #tpu.memory_space<vmem>>
        %dma_start3A_282 = arith.constant 0 : i32
        %dma_start3A_283 = tpu.memref_slice %arg23[%dma_start3A_282] : memref<100096xf32, #tpu.memory_space<vmem_shared>> -> memref<100096xf32, #tpu.memory_space<vmem_shared>>
        tpu.enqueue_indirect_dma source(%dma_start3A_279 : memref<128xf32, #tpu.memory_space<vmem>>) target(%dma_start3A_283 : memref<100096xf32, #tpu.memory_space<vmem_shared>>) offsets(%dma_start3A_281 : memref<128xi32, #tpu.memory_space<vmem>>) semaphore(%arg29 : memref<!tpu.dma_semaphore, #tpu.memory_space<semaphore_mem>>) {add = true}
        %dma_start3A_284 = arith.constant 128 : i32
        %dma_start3A_285 = tpu.memref_slice %arg19[%dma_start3A_284] : memref<1024xf32, #tpu.memory_space<vmem>> -> memref<128xf32, #tpu.memory_space<vmem>>
        %dma_start3A_286 = arith.constant 128 : i32
        %dma_start3A_287 = tpu.memref_slice %arg17[%dma_start3A_286] : memref<1024xi32, #tpu.memory_space<vmem>> -> memref<128xi32, #tpu.memory_space<vmem>>
        %dma_start3A_288 = arith.constant 0 : i32
        %dma_start3A_289 = tpu.memref_slice %arg23[%dma_start3A_288] : memref<100096xf32, #tpu.memory_space<vmem_shared>> -> memref<100096xf32, #tpu.memory_space<vmem_shared>>
        tpu.enqueue_indirect_dma source(%dma_start3A_285 : memref<128xf32, #tpu.memory_space<vmem>>) target(%dma_start3A_289 : memref<100096xf32, #tpu.memory_space<vmem_shared>>) offsets(%dma_start3A_287 : memref<128xi32, #tpu.memory_space<vmem>>) semaphore(%arg29 : memref<!tpu.dma_semaphore, #tpu.memory_space<semaphore_mem>>) {add = true}
        %dma_start3A_290 = arith.constant 256 : i32
        %dma_start3A_291 = tpu.memref_slice %arg19[%dma_start3A_290] : memref<1024xf32, #tpu.memory_space<vmem>> -> memref<128xf32, #tpu.memory_space<vmem>>
        %dma_start3A_292 = arith.constant 256 : i32
        %dma_start3A_293 = tpu.memref_slice %arg17[%dma_start3A_292] : memref<1024xi32, #tpu.memory_space<vmem>> -> memref<128xi32, #tpu.memory_space<vmem>>
        %dma_start3A_294 = arith.constant 0 : i32
        %dma_start3A_295 = tpu.memref_slice %arg23[%dma_start3A_294] : memref<100096xf32, #tpu.memory_space<vmem_shared>> -> memref<100096xf32, #tpu.memory_space<vmem_shared>>
        tpu.enqueue_indirect_dma source(%dma_start3A_291 : memref<128xf32, #tpu.memory_space<vmem>>) target(%dma_start3A_295 : memref<100096xf32, #tpu.memory_space<vmem_shared>>) offsets(%dma_start3A_293 : memref<128xi32, #tpu.memory_space<vmem>>) semaphore(%arg29 : memref<!tpu.dma_semaphore, #tpu.memory_space<semaphore_mem>>) {add = true}
        %dma_start3A_296 = arith.constant 384 : i32
        %dma_start3A_297 = tpu.memref_slice %arg19[%dma_start3A_296] : memref<1024xf32, #tpu.memory_space<vmem>> -> memref<128xf32, #tpu.memory_space<vmem>>
        %dma_start3A_298 = arith.constant 384 : i32
        %dma_start3A_299 = tpu.memref_slice %arg17[%dma_start3A_298] : memref<1024xi32, #tpu.memory_space<vmem>> -> memref<128xi32, #tpu.memory_space<vmem>>
        %dma_start3A_300 = arith.constant 0 : i32
        %dma_start3A_301 = tpu.memref_slice %arg23[%dma_start3A_300] : memref<100096xf32, #tpu.memory_space<vmem_shared>> -> memref<100096xf32, #tpu.memory_space<vmem_shared>>
        tpu.enqueue_indirect_dma source(%dma_start3A_297 : memref<128xf32, #tpu.memory_space<vmem>>) target(%dma_start3A_301 : memref<100096xf32, #tpu.memory_space<vmem_shared>>) offsets(%dma_start3A_299 : memref<128xi32, #tpu.memory_space<vmem>>) semaphore(%arg29 : memref<!tpu.dma_semaphore, #tpu.memory_space<semaphore_mem>>) {add = true}
        %dma_start3A_302 = arith.constant 512 : i32
        %dma_start3A_303 = tpu.memref_slice %arg19[%dma_start3A_302] : memref<1024xf32, #tpu.memory_space<vmem>> -> memref<128xf32, #tpu.memory_space<vmem>>
        %dma_start3A_304 = arith.constant 512 : i32
        %dma_start3A_305 = tpu.memref_slice %arg17[%dma_start3A_304] : memref<1024xi32, #tpu.memory_space<vmem>> -> memref<128xi32, #tpu.memory_space<vmem>>
        %dma_start3A_306 = arith.constant 0 : i32
        %dma_start3A_307 = tpu.memref_slice %arg23[%dma_start3A_306] : memref<100096xf32, #tpu.memory_space<vmem_shared>> -> memref<100096xf32, #tpu.memory_space<vmem_shared>>
        tpu.enqueue_indirect_dma source(%dma_start3A_303 : memref<128xf32, #tpu.memory_space<vmem>>) target(%dma_start3A_307 : memref<100096xf32, #tpu.memory_space<vmem_shared>>) offsets(%dma_start3A_305 : memref<128xi32, #tpu.memory_space<vmem>>) semaphore(%arg29 : memref<!tpu.dma_semaphore, #tpu.memory_space<semaphore_mem>>) {add = true}
        %dma_start3A_308 = arith.constant 640 : i32
        %dma_start3A_309 = tpu.memref_slice %arg19[%dma_start3A_308] : memref<1024xf32, #tpu.memory_space<vmem>> -> memref<128xf32, #tpu.memory_space<vmem>>
        %dma_start3A_310 = arith.constant 640 : i32
        %dma_start3A_311 = tpu.memref_slice %arg17[%dma_start3A_310] : memref<1024xi32, #tpu.memory_space<vmem>> -> memref<128xi32, #tpu.memory_space<vmem>>
        %dma_start3A_312 = arith.constant 0 : i32
        %dma_start3A_313 = tpu.memref_slice %arg23[%dma_start3A_312] : memref<100096xf32, #tpu.memory_space<vmem_shared>> -> memref<100096xf32, #tpu.memory_space<vmem_shared>>
        tpu.enqueue_indirect_dma source(%dma_start3A_309 : memref<128xf32, #tpu.memory_space<vmem>>) target(%dma_start3A_313 : memref<100096xf32, #tpu.memory_space<vmem_shared>>) offsets(%dma_start3A_311 : memref<128xi32, #tpu.memory_space<vmem>>) semaphore(%arg29 : memref<!tpu.dma_semaphore, #tpu.memory_space<semaphore_mem>>) {add = true}
        %dma_start3A_314 = arith.constant 768 : i32
        %dma_start3A_315 = tpu.memref_slice %arg19[%dma_start3A_314] : memref<1024xf32, #tpu.memory_space<vmem>> -> memref<128xf32, #tpu.memory_space<vmem>>
        %dma_start3A_316 = arith.constant 768 : i32
        %dma_start3A_317 = tpu.memref_slice %arg17[%dma_start3A_316] : memref<1024xi32, #tpu.memory_space<vmem>> -> memref<128xi32, #tpu.memory_space<vmem>>
        %dma_start3A_318 = arith.constant 0 : i32
        %dma_start3A_319 = tpu.memref_slice %arg23[%dma_start3A_318] : memref<100096xf32, #tpu.memory_space<vmem_shared>> -> memref<100096xf32, #tpu.memory_space<vmem_shared>>
        tpu.enqueue_indirect_dma source(%dma_start3A_315 : memref<128xf32, #tpu.memory_space<vmem>>) target(%dma_start3A_319 : memref<100096xf32, #tpu.memory_space<vmem_shared>>) offsets(%dma_start3A_317 : memref<128xi32, #tpu.memory_space<vmem>>) semaphore(%arg29 : memref<!tpu.dma_semaphore, #tpu.memory_space<semaphore_mem>>) {add = true}
        %dma_start3A_320 = arith.constant 896 : i32
        %dma_start3A_321 = tpu.memref_slice %arg19[%dma_start3A_320] : memref<1024xf32, #tpu.memory_space<vmem>> -> memref<128xf32, #tpu.memory_space<vmem>>
        %dma_start3A_322 = arith.constant 896 : i32
        %dma_start3A_323 = tpu.memref_slice %arg17[%dma_start3A_322] : memref<1024xi32, #tpu.memory_space<vmem>> -> memref<128xi32, #tpu.memory_space<vmem>>
        %dma_start3A_324 = arith.constant 0 : i32
        %dma_start3A_325 = tpu.memref_slice %arg23[%dma_start3A_324] : memref<100096xf32, #tpu.memory_space<vmem_shared>> -> memref<100096xf32, #tpu.memory_space<vmem_shared>>
        tpu.enqueue_indirect_dma source(%dma_start3A_321 : memref<128xf32, #tpu.memory_space<vmem>>) target(%dma_start3A_325 : memref<100096xf32, #tpu.memory_space<vmem_shared>>) offsets(%dma_start3A_323 : memref<128xi32, #tpu.memory_space<vmem>>) semaphore(%arg29 : memref<!tpu.dma_semaphore, #tpu.memory_space<semaphore_mem>>) {add = true}
      } else {
      }
      %scan3A_213 = arith.constant 0 : i32
      scf.yield %scan3A_213 : i32
    }
    %scan3A_27 = arith.constant 98 : i32
    %ge3A = arith.constant 1 : i32
    %ge3A_28 = arith.cmpi sge, %min3A_18, %ge3A : i32
    %sub3A_29 = arith.constant 1 : i32
    %sub3A_30 = arith.subi %min3A_18, %sub3A_29 : i32
    %jit3A = arith.constant 3 : i32
    %eq3A = arith.constant 0 : i32
    %eq3A_31 = arith.cmpi eq, %jit3A, %eq3A : i32
    %jit3A_32 = arith.constant 1 : i32
    %select_n3A = arith.select %eq3A_31, %jit3A_32, %jit3A : i32
    %rem3A = arith.remsi %sub3A_30, %select_n3A : i32
    %ne3A = arith.constant 0 : i32
    %ne3A_33 = arith.cmpi ne, %rem3A, %ne3A : i32
    %lt3A = arith.constant 0 : i32
    %lt3A_34 = arith.cmpi slt, %rem3A, %lt3A : i32
    %lt3A_35 = arith.constant 0 : i32
    %lt3A_36 = arith.cmpi slt, %select_n3A, %lt3A_35 : i32
    %ne3A_37 = arith.xori %lt3A_34, %lt3A_36 : i1
    %and3A = arith.andi %ne3A_37, %ne3A_33 : i1
    %add3A_38 = arith.addi %rem3A, %select_n3A : i32
    %select_n3A_39 = arith.select %and3A, %add3A_38, %rem3A : i32
    %eq3A_40 = arith.constant 0 : i32
    %eq3A_41 = arith.cmpi eq, %select_n3A_39, %eq3A_40 : i32
    %and3A_42 = arith.andi %ge3A_28, %eq3A_41 : i1
    %convert_element_type3A_43 = arith.extui %and3A_42 : i1 to i32
    %cond3A_44 = arith.constant 0 : i32
    %cond3A_45 = arith.cmpi ne, %convert_element_type3A_43, %cond3A_44 : i32
    scf.if %cond3A_45 {
      %dma_wait3A = arith.constant 0 : i32
      %dma_wait3A_187 = tpu.memref_slice %arg11[%dma_wait3A] : memref<1024xf32, #tpu.memory_space<vmem>> -> memref<128xf32, #tpu.memory_space<vmem>>
      %dma_wait3A_188 = arith.constant 0 : i32
      %dma_wait3A_189 = tpu.memref_slice %arg9[%dma_wait3A_188] : memref<1024xi32, #tpu.memory_space<vmem>> -> memref<128xi32, #tpu.memory_space<vmem>>
      %dma_wait3A_190 = arith.constant 0 : i32
      %dma_wait3A_191 = tpu.memref_slice %arg23[%dma_wait3A_190] : memref<100096xf32, #tpu.memory_space<vmem_shared>> -> memref<100096xf32, #tpu.memory_space<vmem_shared>>
      tpu.wait_indirect_dma semaphore(%arg27 : memref<!tpu.dma_semaphore, #tpu.memory_space<semaphore_mem>>) src(%dma_wait3A_187 : memref<128xf32, #tpu.memory_space<vmem>>) dst(%dma_wait3A_191 : memref<100096xf32, #tpu.memory_space<vmem_shared>>)
      %dma_wait3A_192 = arith.constant 128 : i32
      %dma_wait3A_193 = tpu.memref_slice %arg11[%dma_wait3A_192] : memref<1024xf32, #tpu.memory_space<vmem>> -> memref<128xf32, #tpu.memory_space<vmem>>
      %dma_wait3A_194 = arith.constant 128 : i32
      %dma_wait3A_195 = tpu.memref_slice %arg9[%dma_wait3A_194] : memref<1024xi32, #tpu.memory_space<vmem>> -> memref<128xi32, #tpu.memory_space<vmem>>
      %dma_wait3A_196 = arith.constant 0 : i32
      %dma_wait3A_197 = tpu.memref_slice %arg23[%dma_wait3A_196] : memref<100096xf32, #tpu.memory_space<vmem_shared>> -> memref<100096xf32, #tpu.memory_space<vmem_shared>>
      tpu.wait_indirect_dma semaphore(%arg27 : memref<!tpu.dma_semaphore, #tpu.memory_space<semaphore_mem>>) src(%dma_wait3A_193 : memref<128xf32, #tpu.memory_space<vmem>>) dst(%dma_wait3A_197 : memref<100096xf32, #tpu.memory_space<vmem_shared>>)
      %dma_wait3A_198 = arith.constant 256 : i32
      %dma_wait3A_199 = tpu.memref_slice %arg11[%dma_wait3A_198] : memref<1024xf32, #tpu.memory_space<vmem>> -> memref<128xf32, #tpu.memory_space<vmem>>
      %dma_wait3A_200 = arith.constant 256 : i32
      %dma_wait3A_201 = tpu.memref_slice %arg9[%dma_wait3A_200] : memref<1024xi32, #tpu.memory_space<vmem>> -> memref<128xi32, #tpu.memory_space<vmem>>
      %dma_wait3A_202 = arith.constant 0 : i32
      %dma_wait3A_203 = tpu.memref_slice %arg23[%dma_wait3A_202] : memref<100096xf32, #tpu.memory_space<vmem_shared>> -> memref<100096xf32, #tpu.memory_space<vmem_shared>>
      tpu.wait_indirect_dma semaphore(%arg27 : memref<!tpu.dma_semaphore, #tpu.memory_space<semaphore_mem>>) src(%dma_wait3A_199 : memref<128xf32, #tpu.memory_space<vmem>>) dst(%dma_wait3A_203 : memref<100096xf32, #tpu.memory_space<vmem_shared>>)
      %dma_wait3A_204 = arith.constant 384 : i32
      %dma_wait3A_205 = tpu.memref_slice %arg11[%dma_wait3A_204] : memref<1024xf32, #tpu.memory_space<vmem>> -> memref<128xf32, #tpu.memory_space<vmem>>
      %dma_wait3A_206 = arith.constant 384 : i32
      %dma_wait3A_207 = tpu.memref_slice %arg9[%dma_wait3A_206] : memref<1024xi32, #tpu.memory_space<vmem>> -> memref<128xi32, #tpu.memory_space<vmem>>
      %dma_wait3A_208 = arith.constant 0 : i32
      %dma_wait3A_209 = tpu.memref_slice %arg23[%dma_wait3A_208] : memref<100096xf32, #tpu.memory_space<vmem_shared>> -> memref<100096xf32, #tpu.memory_space<vmem_shared>>
      tpu.wait_indirect_dma semaphore(%arg27 : memref<!tpu.dma_semaphore, #tpu.memory_space<semaphore_mem>>) src(%dma_wait3A_205 : memref<128xf32, #tpu.memory_space<vmem>>) dst(%dma_wait3A_209 : memref<100096xf32, #tpu.memory_space<vmem_shared>>)
      %dma_wait3A_210 = arith.constant 512 : i32
      %dma_wait3A_211 = tpu.memref_slice %arg11[%dma_wait3A_210] : memref<1024xf32, #tpu.memory_space<vmem>> -> memref<128xf32, #tpu.memory_space<vmem>>
      %dma_wait3A_212 = arith.constant 512 : i32
      %dma_wait3A_213 = tpu.memref_slice %arg9[%dma_wait3A_212] : memref<1024xi32, #tpu.memory_space<vmem>> -> memref<128xi32, #tpu.memory_space<vmem>>
      %dma_wait3A_214 = arith.constant 0 : i32
      %dma_wait3A_215 = tpu.memref_slice %arg23[%dma_wait3A_214] : memref<100096xf32, #tpu.memory_space<vmem_shared>> -> memref<100096xf32, #tpu.memory_space<vmem_shared>>
      tpu.wait_indirect_dma semaphore(%arg27 : memref<!tpu.dma_semaphore, #tpu.memory_space<semaphore_mem>>) src(%dma_wait3A_211 : memref<128xf32, #tpu.memory_space<vmem>>) dst(%dma_wait3A_215 : memref<100096xf32, #tpu.memory_space<vmem_shared>>)
      %dma_wait3A_216 = arith.constant 640 : i32
      %dma_wait3A_217 = tpu.memref_slice %arg11[%dma_wait3A_216] : memref<1024xf32, #tpu.memory_space<vmem>> -> memref<128xf32, #tpu.memory_space<vmem>>
      %dma_wait3A_218 = arith.constant 640 : i32
      %dma_wait3A_219 = tpu.memref_slice %arg9[%dma_wait3A_218] : memref<1024xi32, #tpu.memory_space<vmem>> -> memref<128xi32, #tpu.memory_space<vmem>>
      %dma_wait3A_220 = arith.constant 0 : i32
      %dma_wait3A_221 = tpu.memref_slice %arg23[%dma_wait3A_220] : memref<100096xf32, #tpu.memory_space<vmem_shared>> -> memref<100096xf32, #tpu.memory_space<vmem_shared>>
      tpu.wait_indirect_dma semaphore(%arg27 : memref<!tpu.dma_semaphore, #tpu.memory_space<semaphore_mem>>) src(%dma_wait3A_217 : memref<128xf32, #tpu.memory_space<vmem>>) dst(%dma_wait3A_221 : memref<100096xf32, #tpu.memory_space<vmem_shared>>)
      %dma_wait3A_222 = arith.constant 768 : i32
      %dma_wait3A_223 = tpu.memref_slice %arg11[%dma_wait3A_222] : memref<1024xf32, #tpu.memory_space<vmem>> -> memref<128xf32, #tpu.memory_space<vmem>>
      %dma_wait3A_224 = arith.constant 768 : i32
      %dma_wait3A_225 = tpu.memref_slice %arg9[%dma_wait3A_224] : memref<1024xi32, #tpu.memory_space<vmem>> -> memref<128xi32, #tpu.memory_space<vmem>>
      %dma_wait3A_226 = arith.constant 0 : i32
      %dma_wait3A_227 = tpu.memref_slice %arg23[%dma_wait3A_226] : memref<100096xf32, #tpu.memory_space<vmem_shared>> -> memref<100096xf32, #tpu.memory_space<vmem_shared>>
      tpu.wait_indirect_dma semaphore(%arg27 : memref<!tpu.dma_semaphore, #tpu.memory_space<semaphore_mem>>) src(%dma_wait3A_223 : memref<128xf32, #tpu.memory_space<vmem>>) dst(%dma_wait3A_227 : memref<100096xf32, #tpu.memory_space<vmem_shared>>)
      %dma_wait3A_228 = arith.constant 896 : i32
      %dma_wait3A_229 = tpu.memref_slice %arg11[%dma_wait3A_228] : memref<1024xf32, #tpu.memory_space<vmem>> -> memref<128xf32, #tpu.memory_space<vmem>>
      %dma_wait3A_230 = arith.constant 896 : i32
      %dma_wait3A_231 = tpu.memref_slice %arg9[%dma_wait3A_230] : memref<1024xi32, #tpu.memory_space<vmem>> -> memref<128xi32, #tpu.memory_space<vmem>>
      %dma_wait3A_232 = arith.constant 0 : i32
      %dma_wait3A_233 = tpu.memref_slice %arg23[%dma_wait3A_232] : memref<100096xf32, #tpu.memory_space<vmem_shared>> -> memref<100096xf32, #tpu.memory_space<vmem_shared>>
      tpu.wait_indirect_dma semaphore(%arg27 : memref<!tpu.dma_semaphore, #tpu.memory_space<semaphore_mem>>) src(%dma_wait3A_229 : memref<128xf32, #tpu.memory_space<vmem>>) dst(%dma_wait3A_233 : memref<100096xf32, #tpu.memory_space<vmem_shared>>)
    } else {
    }
    %ge3A_46 = arith.constant 2 : i32
    %ge3A_47 = arith.cmpi sge, %min3A_18, %ge3A_46 : i32
    %sub3A_48 = arith.constant 2 : i32
    %sub3A_49 = arith.subi %min3A_18, %sub3A_48 : i32
    %jit3A_50 = arith.constant 3 : i32
    %eq3A_51 = arith.constant 0 : i32
    %eq3A_52 = arith.cmpi eq, %jit3A_50, %eq3A_51 : i32
    %jit3A_53 = arith.constant 1 : i32
    %select_n3A_54 = arith.select %eq3A_52, %jit3A_53, %jit3A_50 : i32
    %rem3A_55 = arith.remsi %sub3A_49, %select_n3A_54 : i32
    %ne3A_56 = arith.constant 0 : i32
    %ne3A_57 = arith.cmpi ne, %rem3A_55, %ne3A_56 : i32
    %lt3A_58 = arith.constant 0 : i32
    %lt3A_59 = arith.cmpi slt, %rem3A_55, %lt3A_58 : i32
    %lt3A_60 = arith.constant 0 : i32
    %lt3A_61 = arith.cmpi slt, %select_n3A_54, %lt3A_60 : i32
    %ne3A_62 = arith.xori %lt3A_59, %lt3A_61 : i1
    %and3A_63 = arith.andi %ne3A_62, %ne3A_57 : i1
    %add3A_64 = arith.addi %rem3A_55, %select_n3A_54 : i32
    %select_n3A_65 = arith.select %and3A_63, %add3A_64, %rem3A_55 : i32
    %eq3A_66 = arith.constant 0 : i32
    %eq3A_67 = arith.cmpi eq, %select_n3A_65, %eq3A_66 : i32
    %and3A_68 = arith.andi %ge3A_47, %eq3A_67 : i1
    %convert_element_type3A_69 = arith.extui %and3A_68 : i1 to i32
    %cond3A_70 = arith.constant 0 : i32
    %cond3A_71 = arith.cmpi ne, %convert_element_type3A_69, %cond3A_70 : i32
    scf.if %cond3A_71 {
      %dma_wait3A = arith.constant 0 : i32
      %dma_wait3A_187 = tpu.memref_slice %arg11[%dma_wait3A] : memref<1024xf32, #tpu.memory_space<vmem>> -> memref<128xf32, #tpu.memory_space<vmem>>
      %dma_wait3A_188 = arith.constant 0 : i32
      %dma_wait3A_189 = tpu.memref_slice %arg9[%dma_wait3A_188] : memref<1024xi32, #tpu.memory_space<vmem>> -> memref<128xi32, #tpu.memory_space<vmem>>
      %dma_wait3A_190 = arith.constant 0 : i32
      %dma_wait3A_191 = tpu.memref_slice %arg23[%dma_wait3A_190] : memref<100096xf32, #tpu.memory_space<vmem_shared>> -> memref<100096xf32, #tpu.memory_space<vmem_shared>>
      tpu.wait_indirect_dma semaphore(%arg27 : memref<!tpu.dma_semaphore, #tpu.memory_space<semaphore_mem>>) src(%dma_wait3A_187 : memref<128xf32, #tpu.memory_space<vmem>>) dst(%dma_wait3A_191 : memref<100096xf32, #tpu.memory_space<vmem_shared>>)
      %dma_wait3A_192 = arith.constant 128 : i32
      %dma_wait3A_193 = tpu.memref_slice %arg11[%dma_wait3A_192] : memref<1024xf32, #tpu.memory_space<vmem>> -> memref<128xf32, #tpu.memory_space<vmem>>
      %dma_wait3A_194 = arith.constant 128 : i32
      %dma_wait3A_195 = tpu.memref_slice %arg9[%dma_wait3A_194] : memref<1024xi32, #tpu.memory_space<vmem>> -> memref<128xi32, #tpu.memory_space<vmem>>
      %dma_wait3A_196 = arith.constant 0 : i32
      %dma_wait3A_197 = tpu.memref_slice %arg23[%dma_wait3A_196] : memref<100096xf32, #tpu.memory_space<vmem_shared>> -> memref<100096xf32, #tpu.memory_space<vmem_shared>>
      tpu.wait_indirect_dma semaphore(%arg27 : memref<!tpu.dma_semaphore, #tpu.memory_space<semaphore_mem>>) src(%dma_wait3A_193 : memref<128xf32, #tpu.memory_space<vmem>>) dst(%dma_wait3A_197 : memref<100096xf32, #tpu.memory_space<vmem_shared>>)
      %dma_wait3A_198 = arith.constant 256 : i32
      %dma_wait3A_199 = tpu.memref_slice %arg11[%dma_wait3A_198] : memref<1024xf32, #tpu.memory_space<vmem>> -> memref<128xf32, #tpu.memory_space<vmem>>
      %dma_wait3A_200 = arith.constant 256 : i32
      %dma_wait3A_201 = tpu.memref_slice %arg9[%dma_wait3A_200] : memref<1024xi32, #tpu.memory_space<vmem>> -> memref<128xi32, #tpu.memory_space<vmem>>
      %dma_wait3A_202 = arith.constant 0 : i32
      %dma_wait3A_203 = tpu.memref_slice %arg23[%dma_wait3A_202] : memref<100096xf32, #tpu.memory_space<vmem_shared>> -> memref<100096xf32, #tpu.memory_space<vmem_shared>>
      tpu.wait_indirect_dma semaphore(%arg27 : memref<!tpu.dma_semaphore, #tpu.memory_space<semaphore_mem>>) src(%dma_wait3A_199 : memref<128xf32, #tpu.memory_space<vmem>>) dst(%dma_wait3A_203 : memref<100096xf32, #tpu.memory_space<vmem_shared>>)
      %dma_wait3A_204 = arith.constant 384 : i32
      %dma_wait3A_205 = tpu.memref_slice %arg11[%dma_wait3A_204] : memref<1024xf32, #tpu.memory_space<vmem>> -> memref<128xf32, #tpu.memory_space<vmem>>
      %dma_wait3A_206 = arith.constant 384 : i32
      %dma_wait3A_207 = tpu.memref_slice %arg9[%dma_wait3A_206] : memref<1024xi32, #tpu.memory_space<vmem>> -> memref<128xi32, #tpu.memory_space<vmem>>
      %dma_wait3A_208 = arith.constant 0 : i32
      %dma_wait3A_209 = tpu.memref_slice %arg23[%dma_wait3A_208] : memref<100096xf32, #tpu.memory_space<vmem_shared>> -> memref<100096xf32, #tpu.memory_space<vmem_shared>>
      tpu.wait_indirect_dma semaphore(%arg27 : memref<!tpu.dma_semaphore, #tpu.memory_space<semaphore_mem>>) src(%dma_wait3A_205 : memref<128xf32, #tpu.memory_space<vmem>>) dst(%dma_wait3A_209 : memref<100096xf32, #tpu.memory_space<vmem_shared>>)
      %dma_wait3A_210 = arith.constant 512 : i32
      %dma_wait3A_211 = tpu.memref_slice %arg11[%dma_wait3A_210] : memref<1024xf32, #tpu.memory_space<vmem>> -> memref<128xf32, #tpu.memory_space<vmem>>
      %dma_wait3A_212 = arith.constant 512 : i32
      %dma_wait3A_213 = tpu.memref_slice %arg9[%dma_wait3A_212] : memref<1024xi32, #tpu.memory_space<vmem>> -> memref<128xi32, #tpu.memory_space<vmem>>
      %dma_wait3A_214 = arith.constant 0 : i32
      %dma_wait3A_215 = tpu.memref_slice %arg23[%dma_wait3A_214] : memref<100096xf32, #tpu.memory_space<vmem_shared>> -> memref<100096xf32, #tpu.memory_space<vmem_shared>>
      tpu.wait_indirect_dma semaphore(%arg27 : memref<!tpu.dma_semaphore, #tpu.memory_space<semaphore_mem>>) src(%dma_wait3A_211 : memref<128xf32, #tpu.memory_space<vmem>>) dst(%dma_wait3A_215 : memref<100096xf32, #tpu.memory_space<vmem_shared>>)
      %dma_wait3A_216 = arith.constant 640 : i32
      %dma_wait3A_217 = tpu.memref_slice %arg11[%dma_wait3A_216] : memref<1024xf32, #tpu.memory_space<vmem>> -> memref<128xf32, #tpu.memory_space<vmem>>
      %dma_wait3A_218 = arith.constant 640 : i32
      %dma_wait3A_219 = tpu.memref_slice %arg9[%dma_wait3A_218] : memref<1024xi32, #tpu.memory_space<vmem>> -> memref<128xi32, #tpu.memory_space<vmem>>
      %dma_wait3A_220 = arith.constant 0 : i32
      %dma_wait3A_221 = tpu.memref_slice %arg23[%dma_wait3A_220] : memref<100096xf32, #tpu.memory_space<vmem_shared>> -> memref<100096xf32, #tpu.memory_space<vmem_shared>>
      tpu.wait_indirect_dma semaphore(%arg27 : memref<!tpu.dma_semaphore, #tpu.memory_space<semaphore_mem>>) src(%dma_wait3A_217 : memref<128xf32, #tpu.memory_space<vmem>>) dst(%dma_wait3A_221 : memref<100096xf32, #tpu.memory_space<vmem_shared>>)
      %dma_wait3A_222 = arith.constant 768 : i32
      %dma_wait3A_223 = tpu.memref_slice %arg11[%dma_wait3A_222] : memref<1024xf32, #tpu.memory_space<vmem>> -> memref<128xf32, #tpu.memory_space<vmem>>
      %dma_wait3A_224 = arith.constant 768 : i32
      %dma_wait3A_225 = tpu.memref_slice %arg9[%dma_wait3A_224] : memref<1024xi32, #tpu.memory_space<vmem>> -> memref<128xi32, #tpu.memory_space<vmem>>
      %dma_wait3A_226 = arith.constant 0 : i32
      %dma_wait3A_227 = tpu.memref_slice %arg23[%dma_wait3A_226] : memref<100096xf32, #tpu.memory_space<vmem_shared>> -> memref<100096xf32, #tpu.memory_space<vmem_shared>>
      tpu.wait_indirect_dma semaphore(%arg27 : memref<!tpu.dma_semaphore, #tpu.memory_space<semaphore_mem>>) src(%dma_wait3A_223 : memref<128xf32, #tpu.memory_space<vmem>>) dst(%dma_wait3A_227 : memref<100096xf32, #tpu.memory_space<vmem_shared>>)
      %dma_wait3A_228 = arith.constant 896 : i32
      %dma_wait3A_229 = tpu.memref_slice %arg11[%dma_wait3A_228] : memref<1024xf32, #tpu.memory_space<vmem>> -> memref<128xf32, #tpu.memory_space<vmem>>
      %dma_wait3A_230 = arith.constant 896 : i32
      %dma_wait3A_231 = tpu.memref_slice %arg9[%dma_wait3A_230] : memref<1024xi32, #tpu.memory_space<vmem>> -> memref<128xi32, #tpu.memory_space<vmem>>
      %dma_wait3A_232 = arith.constant 0 : i32
      %dma_wait3A_233 = tpu.memref_slice %arg23[%dma_wait3A_232] : memref<100096xf32, #tpu.memory_space<vmem_shared>> -> memref<100096xf32, #tpu.memory_space<vmem_shared>>
      tpu.wait_indirect_dma semaphore(%arg27 : memref<!tpu.dma_semaphore, #tpu.memory_space<semaphore_mem>>) src(%dma_wait3A_229 : memref<128xf32, #tpu.memory_space<vmem>>) dst(%dma_wait3A_233 : memref<100096xf32, #tpu.memory_space<vmem_shared>>)
    } else {
    }
    %ge3A_72 = arith.constant 1 : i32
    %ge3A_73 = arith.cmpi sge, %min3A_18, %ge3A_72 : i32
    %sub3A_74 = arith.constant 1 : i32
    %sub3A_75 = arith.subi %min3A_18, %sub3A_74 : i32
    %jit3A_76 = arith.constant 3 : i32
    %eq3A_77 = arith.constant 0 : i32
    %eq3A_78 = arith.cmpi eq, %jit3A_76, %eq3A_77 : i32
    %jit3A_79 = arith.constant 1 : i32
    %select_n3A_80 = arith.select %eq3A_78, %jit3A_79, %jit3A_76 : i32
    %rem3A_81 = arith.remsi %sub3A_75, %select_n3A_80 : i32
    %ne3A_82 = arith.constant 0 : i32
    %ne3A_83 = arith.cmpi ne, %rem3A_81, %ne3A_82 : i32
    %lt3A_84 = arith.constant 0 : i32
    %lt3A_85 = arith.cmpi slt, %rem3A_81, %lt3A_84 : i32
    %lt3A_86 = arith.constant 0 : i32
    %lt3A_87 = arith.cmpi slt, %select_n3A_80, %lt3A_86 : i32
    %ne3A_88 = arith.xori %lt3A_85, %lt3A_87 : i1
    %and3A_89 = arith.andi %ne3A_88, %ne3A_83 : i1
    %add3A_90 = arith.addi %rem3A_81, %select_n3A_80 : i32
    %select_n3A_91 = arith.select %and3A_89, %add3A_90, %rem3A_81 : i32
    %eq3A_92 = arith.constant 1 : i32
    %eq3A_93 = arith.cmpi eq, %select_n3A_91, %eq3A_92 : i32
    %and3A_94 = arith.andi %ge3A_73, %eq3A_93 : i1
    %convert_element_type3A_95 = arith.extui %and3A_94 : i1 to i32
    %cond3A_96 = arith.constant 0 : i32
    %cond3A_97 = arith.cmpi ne, %convert_element_type3A_95, %cond3A_96 : i32
    scf.if %cond3A_97 {
      %dma_wait3A = arith.constant 0 : i32
      %dma_wait3A_187 = tpu.memref_slice %arg15[%dma_wait3A] : memref<1024xf32, #tpu.memory_space<vmem>> -> memref<128xf32, #tpu.memory_space<vmem>>
      %dma_wait3A_188 = arith.constant 0 : i32
      %dma_wait3A_189 = tpu.memref_slice %arg13[%dma_wait3A_188] : memref<1024xi32, #tpu.memory_space<vmem>> -> memref<128xi32, #tpu.memory_space<vmem>>
      %dma_wait3A_190 = arith.constant 0 : i32
      %dma_wait3A_191 = tpu.memref_slice %arg23[%dma_wait3A_190] : memref<100096xf32, #tpu.memory_space<vmem_shared>> -> memref<100096xf32, #tpu.memory_space<vmem_shared>>
      tpu.wait_indirect_dma semaphore(%arg28 : memref<!tpu.dma_semaphore, #tpu.memory_space<semaphore_mem>>) src(%dma_wait3A_187 : memref<128xf32, #tpu.memory_space<vmem>>) dst(%dma_wait3A_191 : memref<100096xf32, #tpu.memory_space<vmem_shared>>)
      %dma_wait3A_192 = arith.constant 128 : i32
      %dma_wait3A_193 = tpu.memref_slice %arg15[%dma_wait3A_192] : memref<1024xf32, #tpu.memory_space<vmem>> -> memref<128xf32, #tpu.memory_space<vmem>>
      %dma_wait3A_194 = arith.constant 128 : i32
      %dma_wait3A_195 = tpu.memref_slice %arg13[%dma_wait3A_194] : memref<1024xi32, #tpu.memory_space<vmem>> -> memref<128xi32, #tpu.memory_space<vmem>>
      %dma_wait3A_196 = arith.constant 0 : i32
      %dma_wait3A_197 = tpu.memref_slice %arg23[%dma_wait3A_196] : memref<100096xf32, #tpu.memory_space<vmem_shared>> -> memref<100096xf32, #tpu.memory_space<vmem_shared>>
      tpu.wait_indirect_dma semaphore(%arg28 : memref<!tpu.dma_semaphore, #tpu.memory_space<semaphore_mem>>) src(%dma_wait3A_193 : memref<128xf32, #tpu.memory_space<vmem>>) dst(%dma_wait3A_197 : memref<100096xf32, #tpu.memory_space<vmem_shared>>)
      %dma_wait3A_198 = arith.constant 256 : i32
      %dma_wait3A_199 = tpu.memref_slice %arg15[%dma_wait3A_198] : memref<1024xf32, #tpu.memory_space<vmem>> -> memref<128xf32, #tpu.memory_space<vmem>>
      %dma_wait3A_200 = arith.constant 256 : i32
      %dma_wait3A_201 = tpu.memref_slice %arg13[%dma_wait3A_200] : memref<1024xi32, #tpu.memory_space<vmem>> -> memref<128xi32, #tpu.memory_space<vmem>>
      %dma_wait3A_202 = arith.constant 0 : i32
      %dma_wait3A_203 = tpu.memref_slice %arg23[%dma_wait3A_202] : memref<100096xf32, #tpu.memory_space<vmem_shared>> -> memref<100096xf32, #tpu.memory_space<vmem_shared>>
      tpu.wait_indirect_dma semaphore(%arg28 : memref<!tpu.dma_semaphore, #tpu.memory_space<semaphore_mem>>) src(%dma_wait3A_199 : memref<128xf32, #tpu.memory_space<vmem>>) dst(%dma_wait3A_203 : memref<100096xf32, #tpu.memory_space<vmem_shared>>)
      %dma_wait3A_204 = arith.constant 384 : i32
      %dma_wait3A_205 = tpu.memref_slice %arg15[%dma_wait3A_204] : memref<1024xf32, #tpu.memory_space<vmem>> -> memref<128xf32, #tpu.memory_space<vmem>>
      %dma_wait3A_206 = arith.constant 384 : i32
      %dma_wait3A_207 = tpu.memref_slice %arg13[%dma_wait3A_206] : memref<1024xi32, #tpu.memory_space<vmem>> -> memref<128xi32, #tpu.memory_space<vmem>>
      %dma_wait3A_208 = arith.constant 0 : i32
      %dma_wait3A_209 = tpu.memref_slice %arg23[%dma_wait3A_208] : memref<100096xf32, #tpu.memory_space<vmem_shared>> -> memref<100096xf32, #tpu.memory_space<vmem_shared>>
      tpu.wait_indirect_dma semaphore(%arg28 : memref<!tpu.dma_semaphore, #tpu.memory_space<semaphore_mem>>) src(%dma_wait3A_205 : memref<128xf32, #tpu.memory_space<vmem>>) dst(%dma_wait3A_209 : memref<100096xf32, #tpu.memory_space<vmem_shared>>)
      %dma_wait3A_210 = arith.constant 512 : i32
      %dma_wait3A_211 = tpu.memref_slice %arg15[%dma_wait3A_210] : memref<1024xf32, #tpu.memory_space<vmem>> -> memref<128xf32, #tpu.memory_space<vmem>>
      %dma_wait3A_212 = arith.constant 512 : i32
      %dma_wait3A_213 = tpu.memref_slice %arg13[%dma_wait3A_212] : memref<1024xi32, #tpu.memory_space<vmem>> -> memref<128xi32, #tpu.memory_space<vmem>>
      %dma_wait3A_214 = arith.constant 0 : i32
      %dma_wait3A_215 = tpu.memref_slice %arg23[%dma_wait3A_214] : memref<100096xf32, #tpu.memory_space<vmem_shared>> -> memref<100096xf32, #tpu.memory_space<vmem_shared>>
      tpu.wait_indirect_dma semaphore(%arg28 : memref<!tpu.dma_semaphore, #tpu.memory_space<semaphore_mem>>) src(%dma_wait3A_211 : memref<128xf32, #tpu.memory_space<vmem>>) dst(%dma_wait3A_215 : memref<100096xf32, #tpu.memory_space<vmem_shared>>)
      %dma_wait3A_216 = arith.constant 640 : i32
      %dma_wait3A_217 = tpu.memref_slice %arg15[%dma_wait3A_216] : memref<1024xf32, #tpu.memory_space<vmem>> -> memref<128xf32, #tpu.memory_space<vmem>>
      %dma_wait3A_218 = arith.constant 640 : i32
      %dma_wait3A_219 = tpu.memref_slice %arg13[%dma_wait3A_218] : memref<1024xi32, #tpu.memory_space<vmem>> -> memref<128xi32, #tpu.memory_space<vmem>>
      %dma_wait3A_220 = arith.constant 0 : i32
      %dma_wait3A_221 = tpu.memref_slice %arg23[%dma_wait3A_220] : memref<100096xf32, #tpu.memory_space<vmem_shared>> -> memref<100096xf32, #tpu.memory_space<vmem_shared>>
      tpu.wait_indirect_dma semaphore(%arg28 : memref<!tpu.dma_semaphore, #tpu.memory_space<semaphore_mem>>) src(%dma_wait3A_217 : memref<128xf32, #tpu.memory_space<vmem>>) dst(%dma_wait3A_221 : memref<100096xf32, #tpu.memory_space<vmem_shared>>)
      %dma_wait3A_222 = arith.constant 768 : i32
      %dma_wait3A_223 = tpu.memref_slice %arg15[%dma_wait3A_222] : memref<1024xf32, #tpu.memory_space<vmem>> -> memref<128xf32, #tpu.memory_space<vmem>>
      %dma_wait3A_224 = arith.constant 768 : i32
      %dma_wait3A_225 = tpu.memref_slice %arg13[%dma_wait3A_224] : memref<1024xi32, #tpu.memory_space<vmem>> -> memref<128xi32, #tpu.memory_space<vmem>>
      %dma_wait3A_226 = arith.constant 0 : i32
      %dma_wait3A_227 = tpu.memref_slice %arg23[%dma_wait3A_226] : memref<100096xf32, #tpu.memory_space<vmem_shared>> -> memref<100096xf32, #tpu.memory_space<vmem_shared>>
      tpu.wait_indirect_dma semaphore(%arg28 : memref<!tpu.dma_semaphore, #tpu.memory_space<semaphore_mem>>) src(%dma_wait3A_223 : memref<128xf32, #tpu.memory_space<vmem>>) dst(%dma_wait3A_227 : memref<100096xf32, #tpu.memory_space<vmem_shared>>)
      %dma_wait3A_228 = arith.constant 896 : i32
      %dma_wait3A_229 = tpu.memref_slice %arg15[%dma_wait3A_228] : memref<1024xf32, #tpu.memory_space<vmem>> -> memref<128xf32, #tpu.memory_space<vmem>>
      %dma_wait3A_230 = arith.constant 896 : i32
      %dma_wait3A_231 = tpu.memref_slice %arg13[%dma_wait3A_230] : memref<1024xi32, #tpu.memory_space<vmem>> -> memref<128xi32, #tpu.memory_space<vmem>>
      %dma_wait3A_232 = arith.constant 0 : i32
      %dma_wait3A_233 = tpu.memref_slice %arg23[%dma_wait3A_232] : memref<100096xf32, #tpu.memory_space<vmem_shared>> -> memref<100096xf32, #tpu.memory_space<vmem_shared>>
      tpu.wait_indirect_dma semaphore(%arg28 : memref<!tpu.dma_semaphore, #tpu.memory_space<semaphore_mem>>) src(%dma_wait3A_229 : memref<128xf32, #tpu.memory_space<vmem>>) dst(%dma_wait3A_233 : memref<100096xf32, #tpu.memory_space<vmem_shared>>)
    } else {
    }
    %ge3A_98 = arith.constant 2 : i32
    %ge3A_99 = arith.cmpi sge, %min3A_18, %ge3A_98 : i32
    %sub3A_100 = arith.constant 2 : i32
    %sub3A_101 = arith.subi %min3A_18, %sub3A_100 : i32
    %jit3A_102 = arith.constant 3 : i32
    %eq3A_103 = arith.constant 0 : i32
    %eq3A_104 = arith.cmpi eq, %jit3A_102, %eq3A_103 : i32
    %jit3A_105 = arith.constant 1 : i32
    %select_n3A_106 = arith.select %eq3A_104, %jit3A_105, %jit3A_102 : i32
    %rem3A_107 = arith.remsi %sub3A_101, %select_n3A_106 : i32
    %ne3A_108 = arith.constant 0 : i32
    %ne3A_109 = arith.cmpi ne, %rem3A_107, %ne3A_108 : i32
    %lt3A_110 = arith.constant 0 : i32
    %lt3A_111 = arith.cmpi slt, %rem3A_107, %lt3A_110 : i32
    %lt3A_112 = arith.constant 0 : i32
    %lt3A_113 = arith.cmpi slt, %select_n3A_106, %lt3A_112 : i32
    %ne3A_114 = arith.xori %lt3A_111, %lt3A_113 : i1
    %and3A_115 = arith.andi %ne3A_114, %ne3A_109 : i1
    %add3A_116 = arith.addi %rem3A_107, %select_n3A_106 : i32
    %select_n3A_117 = arith.select %and3A_115, %add3A_116, %rem3A_107 : i32
    %eq3A_118 = arith.constant 1 : i32
    %eq3A_119 = arith.cmpi eq, %select_n3A_117, %eq3A_118 : i32
    %and3A_120 = arith.andi %ge3A_99, %eq3A_119 : i1
    %convert_element_type3A_121 = arith.extui %and3A_120 : i1 to i32
    %cond3A_122 = arith.constant 0 : i32
    %cond3A_123 = arith.cmpi ne, %convert_element_type3A_121, %cond3A_122 : i32
    scf.if %cond3A_123 {
      %dma_wait3A = arith.constant 0 : i32
      %dma_wait3A_187 = tpu.memref_slice %arg15[%dma_wait3A] : memref<1024xf32, #tpu.memory_space<vmem>> -> memref<128xf32, #tpu.memory_space<vmem>>
      %dma_wait3A_188 = arith.constant 0 : i32
      %dma_wait3A_189 = tpu.memref_slice %arg13[%dma_wait3A_188] : memref<1024xi32, #tpu.memory_space<vmem>> -> memref<128xi32, #tpu.memory_space<vmem>>
      %dma_wait3A_190 = arith.constant 0 : i32
      %dma_wait3A_191 = tpu.memref_slice %arg23[%dma_wait3A_190] : memref<100096xf32, #tpu.memory_space<vmem_shared>> -> memref<100096xf32, #tpu.memory_space<vmem_shared>>
      tpu.wait_indirect_dma semaphore(%arg28 : memref<!tpu.dma_semaphore, #tpu.memory_space<semaphore_mem>>) src(%dma_wait3A_187 : memref<128xf32, #tpu.memory_space<vmem>>) dst(%dma_wait3A_191 : memref<100096xf32, #tpu.memory_space<vmem_shared>>)
      %dma_wait3A_192 = arith.constant 128 : i32
      %dma_wait3A_193 = tpu.memref_slice %arg15[%dma_wait3A_192] : memref<1024xf32, #tpu.memory_space<vmem>> -> memref<128xf32, #tpu.memory_space<vmem>>
      %dma_wait3A_194 = arith.constant 128 : i32
      %dma_wait3A_195 = tpu.memref_slice %arg13[%dma_wait3A_194] : memref<1024xi32, #tpu.memory_space<vmem>> -> memref<128xi32, #tpu.memory_space<vmem>>
      %dma_wait3A_196 = arith.constant 0 : i32
      %dma_wait3A_197 = tpu.memref_slice %arg23[%dma_wait3A_196] : memref<100096xf32, #tpu.memory_space<vmem_shared>> -> memref<100096xf32, #tpu.memory_space<vmem_shared>>
      tpu.wait_indirect_dma semaphore(%arg28 : memref<!tpu.dma_semaphore, #tpu.memory_space<semaphore_mem>>) src(%dma_wait3A_193 : memref<128xf32, #tpu.memory_space<vmem>>) dst(%dma_wait3A_197 : memref<100096xf32, #tpu.memory_space<vmem_shared>>)
      %dma_wait3A_198 = arith.constant 256 : i32
      %dma_wait3A_199 = tpu.memref_slice %arg15[%dma_wait3A_198] : memref<1024xf32, #tpu.memory_space<vmem>> -> memref<128xf32, #tpu.memory_space<vmem>>
      %dma_wait3A_200 = arith.constant 256 : i32
      %dma_wait3A_201 = tpu.memref_slice %arg13[%dma_wait3A_200] : memref<1024xi32, #tpu.memory_space<vmem>> -> memref<128xi32, #tpu.memory_space<vmem>>
      %dma_wait3A_202 = arith.constant 0 : i32
      %dma_wait3A_203 = tpu.memref_slice %arg23[%dma_wait3A_202] : memref<100096xf32, #tpu.memory_space<vmem_shared>> -> memref<100096xf32, #tpu.memory_space<vmem_shared>>
      tpu.wait_indirect_dma semaphore(%arg28 : memref<!tpu.dma_semaphore, #tpu.memory_space<semaphore_mem>>) src(%dma_wait3A_199 : memref<128xf32, #tpu.memory_space<vmem>>) dst(%dma_wait3A_203 : memref<100096xf32, #tpu.memory_space<vmem_shared>>)
      %dma_wait3A_204 = arith.constant 384 : i32
      %dma_wait3A_205 = tpu.memref_slice %arg15[%dma_wait3A_204] : memref<1024xf32, #tpu.memory_space<vmem>> -> memref<128xf32, #tpu.memory_space<vmem>>
      %dma_wait3A_206 = arith.constant 384 : i32
      %dma_wait3A_207 = tpu.memref_slice %arg13[%dma_wait3A_206] : memref<1024xi32, #tpu.memory_space<vmem>> -> memref<128xi32, #tpu.memory_space<vmem>>
      %dma_wait3A_208 = arith.constant 0 : i32
      %dma_wait3A_209 = tpu.memref_slice %arg23[%dma_wait3A_208] : memref<100096xf32, #tpu.memory_space<vmem_shared>> -> memref<100096xf32, #tpu.memory_space<vmem_shared>>
      tpu.wait_indirect_dma semaphore(%arg28 : memref<!tpu.dma_semaphore, #tpu.memory_space<semaphore_mem>>) src(%dma_wait3A_205 : memref<128xf32, #tpu.memory_space<vmem>>) dst(%dma_wait3A_209 : memref<100096xf32, #tpu.memory_space<vmem_shared>>)
      %dma_wait3A_210 = arith.constant 512 : i32
      %dma_wait3A_211 = tpu.memref_slice %arg15[%dma_wait3A_210] : memref<1024xf32, #tpu.memory_space<vmem>> -> memref<128xf32, #tpu.memory_space<vmem>>
      %dma_wait3A_212 = arith.constant 512 : i32
      %dma_wait3A_213 = tpu.memref_slice %arg13[%dma_wait3A_212] : memref<1024xi32, #tpu.memory_space<vmem>> -> memref<128xi32, #tpu.memory_space<vmem>>
      %dma_wait3A_214 = arith.constant 0 : i32
      %dma_wait3A_215 = tpu.memref_slice %arg23[%dma_wait3A_214] : memref<100096xf32, #tpu.memory_space<vmem_shared>> -> memref<100096xf32, #tpu.memory_space<vmem_shared>>
      tpu.wait_indirect_dma semaphore(%arg28 : memref<!tpu.dma_semaphore, #tpu.memory_space<semaphore_mem>>) src(%dma_wait3A_211 : memref<128xf32, #tpu.memory_space<vmem>>) dst(%dma_wait3A_215 : memref<100096xf32, #tpu.memory_space<vmem_shared>>)
      %dma_wait3A_216 = arith.constant 640 : i32
      %dma_wait3A_217 = tpu.memref_slice %arg15[%dma_wait3A_216] : memref<1024xf32, #tpu.memory_space<vmem>> -> memref<128xf32, #tpu.memory_space<vmem>>
      %dma_wait3A_218 = arith.constant 640 : i32
      %dma_wait3A_219 = tpu.memref_slice %arg13[%dma_wait3A_218] : memref<1024xi32, #tpu.memory_space<vmem>> -> memref<128xi32, #tpu.memory_space<vmem>>
      %dma_wait3A_220 = arith.constant 0 : i32
      %dma_wait3A_221 = tpu.memref_slice %arg23[%dma_wait3A_220] : memref<100096xf32, #tpu.memory_space<vmem_shared>> -> memref<100096xf32, #tpu.memory_space<vmem_shared>>
      tpu.wait_indirect_dma semaphore(%arg28 : memref<!tpu.dma_semaphore, #tpu.memory_space<semaphore_mem>>) src(%dma_wait3A_217 : memref<128xf32, #tpu.memory_space<vmem>>) dst(%dma_wait3A_221 : memref<100096xf32, #tpu.memory_space<vmem_shared>>)
      %dma_wait3A_222 = arith.constant 768 : i32
      %dma_wait3A_223 = tpu.memref_slice %arg15[%dma_wait3A_222] : memref<1024xf32, #tpu.memory_space<vmem>> -> memref<128xf32, #tpu.memory_space<vmem>>
      %dma_wait3A_224 = arith.constant 768 : i32
      %dma_wait3A_225 = tpu.memref_slice %arg13[%dma_wait3A_224] : memref<1024xi32, #tpu.memory_space<vmem>> -> memref<128xi32, #tpu.memory_space<vmem>>
      %dma_wait3A_226 = arith.constant 0 : i32
      %dma_wait3A_227 = tpu.memref_slice %arg23[%dma_wait3A_226] : memref<100096xf32, #tpu.memory_space<vmem_shared>> -> memref<100096xf32, #tpu.memory_space<vmem_shared>>
      tpu.wait_indirect_dma semaphore(%arg28 : memref<!tpu.dma_semaphore, #tpu.memory_space<semaphore_mem>>) src(%dma_wait3A_223 : memref<128xf32, #tpu.memory_space<vmem>>) dst(%dma_wait3A_227 : memref<100096xf32, #tpu.memory_space<vmem_shared>>)
      %dma_wait3A_228 = arith.constant 896 : i32
      %dma_wait3A_229 = tpu.memref_slice %arg15[%dma_wait3A_228] : memref<1024xf32, #tpu.memory_space<vmem>> -> memref<128xf32, #tpu.memory_space<vmem>>
      %dma_wait3A_230 = arith.constant 896 : i32
      %dma_wait3A_231 = tpu.memref_slice %arg13[%dma_wait3A_230] : memref<1024xi32, #tpu.memory_space<vmem>> -> memref<128xi32, #tpu.memory_space<vmem>>
      %dma_wait3A_232 = arith.constant 0 : i32
      %dma_wait3A_233 = tpu.memref_slice %arg23[%dma_wait3A_232] : memref<100096xf32, #tpu.memory_space<vmem_shared>> -> memref<100096xf32, #tpu.memory_space<vmem_shared>>
      tpu.wait_indirect_dma semaphore(%arg28 : memref<!tpu.dma_semaphore, #tpu.memory_space<semaphore_mem>>) src(%dma_wait3A_229 : memref<128xf32, #tpu.memory_space<vmem>>) dst(%dma_wait3A_233 : memref<100096xf32, #tpu.memory_space<vmem_shared>>)
    } else {
    }
    %ge3A_124 = arith.constant 1 : i32
    %ge3A_125 = arith.cmpi sge, %min3A_18, %ge3A_124 : i32
    %sub3A_126 = arith.constant 1 : i32
    %sub3A_127 = arith.subi %min3A_18, %sub3A_126 : i32
    %jit3A_128 = arith.constant 3 : i32
    %eq3A_129 = arith.constant 0 : i32
    %eq3A_130 = arith.cmpi eq, %jit3A_128, %eq3A_129 : i32
    %jit3A_131 = arith.constant 1 : i32
    %select_n3A_132 = arith.select %eq3A_130, %jit3A_131, %jit3A_128 : i32
    %rem3A_133 = arith.remsi %sub3A_127, %select_n3A_132 : i32
    %ne3A_134 = arith.constant 0 : i32
    %ne3A_135 = arith.cmpi ne, %rem3A_133, %ne3A_134 : i32
    %lt3A_136 = arith.constant 0 : i32
    %lt3A_137 = arith.cmpi slt, %rem3A_133, %lt3A_136 : i32
    %lt3A_138 = arith.constant 0 : i32
    %lt3A_139 = arith.cmpi slt, %select_n3A_132, %lt3A_138 : i32
    %ne3A_140 = arith.xori %lt3A_137, %lt3A_139 : i1
    %and3A_141 = arith.andi %ne3A_140, %ne3A_135 : i1
    %add3A_142 = arith.addi %rem3A_133, %select_n3A_132 : i32
    %select_n3A_143 = arith.select %and3A_141, %add3A_142, %rem3A_133 : i32
    %eq3A_144 = arith.constant 2 : i32
    %eq3A_145 = arith.cmpi eq, %select_n3A_143, %eq3A_144 : i32
    %and3A_146 = arith.andi %ge3A_125, %eq3A_145 : i1
    %convert_element_type3A_147 = arith.extui %and3A_146 : i1 to i32
    %cond3A_148 = arith.constant 0 : i32
    %cond3A_149 = arith.cmpi ne, %convert_element_type3A_147, %cond3A_148 : i32
    scf.if %cond3A_149 {
      %dma_wait3A = arith.constant 0 : i32
      %dma_wait3A_187 = tpu.memref_slice %arg19[%dma_wait3A] : memref<1024xf32, #tpu.memory_space<vmem>> -> memref<128xf32, #tpu.memory_space<vmem>>
      %dma_wait3A_188 = arith.constant 0 : i32
      %dma_wait3A_189 = tpu.memref_slice %arg17[%dma_wait3A_188] : memref<1024xi32, #tpu.memory_space<vmem>> -> memref<128xi32, #tpu.memory_space<vmem>>
      %dma_wait3A_190 = arith.constant 0 : i32
      %dma_wait3A_191 = tpu.memref_slice %arg23[%dma_wait3A_190] : memref<100096xf32, #tpu.memory_space<vmem_shared>> -> memref<100096xf32, #tpu.memory_space<vmem_shared>>
      tpu.wait_indirect_dma semaphore(%arg29 : memref<!tpu.dma_semaphore, #tpu.memory_space<semaphore_mem>>) src(%dma_wait3A_187 : memref<128xf32, #tpu.memory_space<vmem>>) dst(%dma_wait3A_191 : memref<100096xf32, #tpu.memory_space<vmem_shared>>)
      %dma_wait3A_192 = arith.constant 128 : i32
      %dma_wait3A_193 = tpu.memref_slice %arg19[%dma_wait3A_192] : memref<1024xf32, #tpu.memory_space<vmem>> -> memref<128xf32, #tpu.memory_space<vmem>>
      %dma_wait3A_194 = arith.constant 128 : i32
      %dma_wait3A_195 = tpu.memref_slice %arg17[%dma_wait3A_194] : memref<1024xi32, #tpu.memory_space<vmem>> -> memref<128xi32, #tpu.memory_space<vmem>>
      %dma_wait3A_196 = arith.constant 0 : i32
      %dma_wait3A_197 = tpu.memref_slice %arg23[%dma_wait3A_196] : memref<100096xf32, #tpu.memory_space<vmem_shared>> -> memref<100096xf32, #tpu.memory_space<vmem_shared>>
      tpu.wait_indirect_dma semaphore(%arg29 : memref<!tpu.dma_semaphore, #tpu.memory_space<semaphore_mem>>) src(%dma_wait3A_193 : memref<128xf32, #tpu.memory_space<vmem>>) dst(%dma_wait3A_197 : memref<100096xf32, #tpu.memory_space<vmem_shared>>)
      %dma_wait3A_198 = arith.constant 256 : i32
      %dma_wait3A_199 = tpu.memref_slice %arg19[%dma_wait3A_198] : memref<1024xf32, #tpu.memory_space<vmem>> -> memref<128xf32, #tpu.memory_space<vmem>>
      %dma_wait3A_200 = arith.constant 256 : i32
      %dma_wait3A_201 = tpu.memref_slice %arg17[%dma_wait3A_200] : memref<1024xi32, #tpu.memory_space<vmem>> -> memref<128xi32, #tpu.memory_space<vmem>>
      %dma_wait3A_202 = arith.constant 0 : i32
      %dma_wait3A_203 = tpu.memref_slice %arg23[%dma_wait3A_202] : memref<100096xf32, #tpu.memory_space<vmem_shared>> -> memref<100096xf32, #tpu.memory_space<vmem_shared>>
      tpu.wait_indirect_dma semaphore(%arg29 : memref<!tpu.dma_semaphore, #tpu.memory_space<semaphore_mem>>) src(%dma_wait3A_199 : memref<128xf32, #tpu.memory_space<vmem>>) dst(%dma_wait3A_203 : memref<100096xf32, #tpu.memory_space<vmem_shared>>)
      %dma_wait3A_204 = arith.constant 384 : i32
      %dma_wait3A_205 = tpu.memref_slice %arg19[%dma_wait3A_204] : memref<1024xf32, #tpu.memory_space<vmem>> -> memref<128xf32, #tpu.memory_space<vmem>>
      %dma_wait3A_206 = arith.constant 384 : i32
      %dma_wait3A_207 = tpu.memref_slice %arg17[%dma_wait3A_206] : memref<1024xi32, #tpu.memory_space<vmem>> -> memref<128xi32, #tpu.memory_space<vmem>>
      %dma_wait3A_208 = arith.constant 0 : i32
      %dma_wait3A_209 = tpu.memref_slice %arg23[%dma_wait3A_208] : memref<100096xf32, #tpu.memory_space<vmem_shared>> -> memref<100096xf32, #tpu.memory_space<vmem_shared>>
      tpu.wait_indirect_dma semaphore(%arg29 : memref<!tpu.dma_semaphore, #tpu.memory_space<semaphore_mem>>) src(%dma_wait3A_205 : memref<128xf32, #tpu.memory_space<vmem>>) dst(%dma_wait3A_209 : memref<100096xf32, #tpu.memory_space<vmem_shared>>)
      %dma_wait3A_210 = arith.constant 512 : i32
      %dma_wait3A_211 = tpu.memref_slice %arg19[%dma_wait3A_210] : memref<1024xf32, #tpu.memory_space<vmem>> -> memref<128xf32, #tpu.memory_space<vmem>>
      %dma_wait3A_212 = arith.constant 512 : i32
      %dma_wait3A_213 = tpu.memref_slice %arg17[%dma_wait3A_212] : memref<1024xi32, #tpu.memory_space<vmem>> -> memref<128xi32, #tpu.memory_space<vmem>>
      %dma_wait3A_214 = arith.constant 0 : i32
      %dma_wait3A_215 = tpu.memref_slice %arg23[%dma_wait3A_214] : memref<100096xf32, #tpu.memory_space<vmem_shared>> -> memref<100096xf32, #tpu.memory_space<vmem_shared>>
      tpu.wait_indirect_dma semaphore(%arg29 : memref<!tpu.dma_semaphore, #tpu.memory_space<semaphore_mem>>) src(%dma_wait3A_211 : memref<128xf32, #tpu.memory_space<vmem>>) dst(%dma_wait3A_215 : memref<100096xf32, #tpu.memory_space<vmem_shared>>)
      %dma_wait3A_216 = arith.constant 640 : i32
      %dma_wait3A_217 = tpu.memref_slice %arg19[%dma_wait3A_216] : memref<1024xf32, #tpu.memory_space<vmem>> -> memref<128xf32, #tpu.memory_space<vmem>>
      %dma_wait3A_218 = arith.constant 640 : i32
      %dma_wait3A_219 = tpu.memref_slice %arg17[%dma_wait3A_218] : memref<1024xi32, #tpu.memory_space<vmem>> -> memref<128xi32, #tpu.memory_space<vmem>>
      %dma_wait3A_220 = arith.constant 0 : i32
      %dma_wait3A_221 = tpu.memref_slice %arg23[%dma_wait3A_220] : memref<100096xf32, #tpu.memory_space<vmem_shared>> -> memref<100096xf32, #tpu.memory_space<vmem_shared>>
      tpu.wait_indirect_dma semaphore(%arg29 : memref<!tpu.dma_semaphore, #tpu.memory_space<semaphore_mem>>) src(%dma_wait3A_217 : memref<128xf32, #tpu.memory_space<vmem>>) dst(%dma_wait3A_221 : memref<100096xf32, #tpu.memory_space<vmem_shared>>)
      %dma_wait3A_222 = arith.constant 768 : i32
      %dma_wait3A_223 = tpu.memref_slice %arg19[%dma_wait3A_222] : memref<1024xf32, #tpu.memory_space<vmem>> -> memref<128xf32, #tpu.memory_space<vmem>>
      %dma_wait3A_224 = arith.constant 768 : i32
      %dma_wait3A_225 = tpu.memref_slice %arg17[%dma_wait3A_224] : memref<1024xi32, #tpu.memory_space<vmem>> -> memref<128xi32, #tpu.memory_space<vmem>>
      %dma_wait3A_226 = arith.constant 0 : i32
      %dma_wait3A_227 = tpu.memref_slice %arg23[%dma_wait3A_226] : memref<100096xf32, #tpu.memory_space<vmem_shared>> -> memref<100096xf32, #tpu.memory_space<vmem_shared>>
      tpu.wait_indirect_dma semaphore(%arg29 : memref<!tpu.dma_semaphore, #tpu.memory_space<semaphore_mem>>) src(%dma_wait3A_223 : memref<128xf32, #tpu.memory_space<vmem>>) dst(%dma_wait3A_227 : memref<100096xf32, #tpu.memory_space<vmem_shared>>)
      %dma_wait3A_228 = arith.constant 896 : i32
      %dma_wait3A_229 = tpu.memref_slice %arg19[%dma_wait3A_228] : memref<1024xf32, #tpu.memory_space<vmem>> -> memref<128xf32, #tpu.memory_space<vmem>>
      %dma_wait3A_230 = arith.constant 896 : i32
      %dma_wait3A_231 = tpu.memref_slice %arg17[%dma_wait3A_230] : memref<1024xi32, #tpu.memory_space<vmem>> -> memref<128xi32, #tpu.memory_space<vmem>>
      %dma_wait3A_232 = arith.constant 0 : i32
      %dma_wait3A_233 = tpu.memref_slice %arg23[%dma_wait3A_232] : memref<100096xf32, #tpu.memory_space<vmem_shared>> -> memref<100096xf32, #tpu.memory_space<vmem_shared>>
      tpu.wait_indirect_dma semaphore(%arg29 : memref<!tpu.dma_semaphore, #tpu.memory_space<semaphore_mem>>) src(%dma_wait3A_229 : memref<128xf32, #tpu.memory_space<vmem>>) dst(%dma_wait3A_233 : memref<100096xf32, #tpu.memory_space<vmem_shared>>)
    } else {
    }
    %ge3A_150 = arith.constant 2 : i32
    %ge3A_151 = arith.cmpi sge, %min3A_18, %ge3A_150 : i32
    %sub3A_152 = arith.constant 2 : i32
    %sub3A_153 = arith.subi %min3A_18, %sub3A_152 : i32
    %jit3A_154 = arith.constant 3 : i32
    %eq3A_155 = arith.constant 0 : i32
    %eq3A_156 = arith.cmpi eq, %jit3A_154, %eq3A_155 : i32
    %jit3A_157 = arith.constant 1 : i32
    %select_n3A_158 = arith.select %eq3A_156, %jit3A_157, %jit3A_154 : i32
    %rem3A_159 = arith.remsi %sub3A_153, %select_n3A_158 : i32
    %ne3A_160 = arith.constant 0 : i32
    %ne3A_161 = arith.cmpi ne, %rem3A_159, %ne3A_160 : i32
    %lt3A_162 = arith.constant 0 : i32
    %lt3A_163 = arith.cmpi slt, %rem3A_159, %lt3A_162 : i32
    %lt3A_164 = arith.constant 0 : i32
    %lt3A_165 = arith.cmpi slt, %select_n3A_158, %lt3A_164 : i32
    %ne3A_166 = arith.xori %lt3A_163, %lt3A_165 : i1
    %and3A_167 = arith.andi %ne3A_166, %ne3A_161 : i1
    %add3A_168 = arith.addi %rem3A_159, %select_n3A_158 : i32
    %select_n3A_169 = arith.select %and3A_167, %add3A_168, %rem3A_159 : i32
    %eq3A_170 = arith.constant 2 : i32
    %eq3A_171 = arith.cmpi eq, %select_n3A_169, %eq3A_170 : i32
    %and3A_172 = arith.andi %ge3A_151, %eq3A_171 : i1
    %convert_element_type3A_173 = arith.extui %and3A_172 : i1 to i32
    %cond3A_174 = arith.constant 0 : i32
    %cond3A_175 = arith.cmpi ne, %convert_element_type3A_173, %cond3A_174 : i32
    scf.if %cond3A_175 {
      %dma_wait3A = arith.constant 0 : i32
      %dma_wait3A_187 = tpu.memref_slice %arg19[%dma_wait3A] : memref<1024xf32, #tpu.memory_space<vmem>> -> memref<128xf32, #tpu.memory_space<vmem>>
      %dma_wait3A_188 = arith.constant 0 : i32
      %dma_wait3A_189 = tpu.memref_slice %arg17[%dma_wait3A_188] : memref<1024xi32, #tpu.memory_space<vmem>> -> memref<128xi32, #tpu.memory_space<vmem>>
      %dma_wait3A_190 = arith.constant 0 : i32
      %dma_wait3A_191 = tpu.memref_slice %arg23[%dma_wait3A_190] : memref<100096xf32, #tpu.memory_space<vmem_shared>> -> memref<100096xf32, #tpu.memory_space<vmem_shared>>
      tpu.wait_indirect_dma semaphore(%arg29 : memref<!tpu.dma_semaphore, #tpu.memory_space<semaphore_mem>>) src(%dma_wait3A_187 : memref<128xf32, #tpu.memory_space<vmem>>) dst(%dma_wait3A_191 : memref<100096xf32, #tpu.memory_space<vmem_shared>>)
      %dma_wait3A_192 = arith.constant 128 : i32
      %dma_wait3A_193 = tpu.memref_slice %arg19[%dma_wait3A_192] : memref<1024xf32, #tpu.memory_space<vmem>> -> memref<128xf32, #tpu.memory_space<vmem>>
      %dma_wait3A_194 = arith.constant 128 : i32
      %dma_wait3A_195 = tpu.memref_slice %arg17[%dma_wait3A_194] : memref<1024xi32, #tpu.memory_space<vmem>> -> memref<128xi32, #tpu.memory_space<vmem>>
      %dma_wait3A_196 = arith.constant 0 : i32
      %dma_wait3A_197 = tpu.memref_slice %arg23[%dma_wait3A_196] : memref<100096xf32, #tpu.memory_space<vmem_shared>> -> memref<100096xf32, #tpu.memory_space<vmem_shared>>
      tpu.wait_indirect_dma semaphore(%arg29 : memref<!tpu.dma_semaphore, #tpu.memory_space<semaphore_mem>>) src(%dma_wait3A_193 : memref<128xf32, #tpu.memory_space<vmem>>) dst(%dma_wait3A_197 : memref<100096xf32, #tpu.memory_space<vmem_shared>>)
      %dma_wait3A_198 = arith.constant 256 : i32
      %dma_wait3A_199 = tpu.memref_slice %arg19[%dma_wait3A_198] : memref<1024xf32, #tpu.memory_space<vmem>> -> memref<128xf32, #tpu.memory_space<vmem>>
      %dma_wait3A_200 = arith.constant 256 : i32
      %dma_wait3A_201 = tpu.memref_slice %arg17[%dma_wait3A_200] : memref<1024xi32, #tpu.memory_space<vmem>> -> memref<128xi32, #tpu.memory_space<vmem>>
      %dma_wait3A_202 = arith.constant 0 : i32
      %dma_wait3A_203 = tpu.memref_slice %arg23[%dma_wait3A_202] : memref<100096xf32, #tpu.memory_space<vmem_shared>> -> memref<100096xf32, #tpu.memory_space<vmem_shared>>
      tpu.wait_indirect_dma semaphore(%arg29 : memref<!tpu.dma_semaphore, #tpu.memory_space<semaphore_mem>>) src(%dma_wait3A_199 : memref<128xf32, #tpu.memory_space<vmem>>) dst(%dma_wait3A_203 : memref<100096xf32, #tpu.memory_space<vmem_shared>>)
      %dma_wait3A_204 = arith.constant 384 : i32
      %dma_wait3A_205 = tpu.memref_slice %arg19[%dma_wait3A_204] : memref<1024xf32, #tpu.memory_space<vmem>> -> memref<128xf32, #tpu.memory_space<vmem>>
      %dma_wait3A_206 = arith.constant 384 : i32
      %dma_wait3A_207 = tpu.memref_slice %arg17[%dma_wait3A_206] : memref<1024xi32, #tpu.memory_space<vmem>> -> memref<128xi32, #tpu.memory_space<vmem>>
      %dma_wait3A_208 = arith.constant 0 : i32
      %dma_wait3A_209 = tpu.memref_slice %arg23[%dma_wait3A_208] : memref<100096xf32, #tpu.memory_space<vmem_shared>> -> memref<100096xf32, #tpu.memory_space<vmem_shared>>
      tpu.wait_indirect_dma semaphore(%arg29 : memref<!tpu.dma_semaphore, #tpu.memory_space<semaphore_mem>>) src(%dma_wait3A_205 : memref<128xf32, #tpu.memory_space<vmem>>) dst(%dma_wait3A_209 : memref<100096xf32, #tpu.memory_space<vmem_shared>>)
      %dma_wait3A_210 = arith.constant 512 : i32
      %dma_wait3A_211 = tpu.memref_slice %arg19[%dma_wait3A_210] : memref<1024xf32, #tpu.memory_space<vmem>> -> memref<128xf32, #tpu.memory_space<vmem>>
      %dma_wait3A_212 = arith.constant 512 : i32
      %dma_wait3A_213 = tpu.memref_slice %arg17[%dma_wait3A_212] : memref<1024xi32, #tpu.memory_space<vmem>> -> memref<128xi32, #tpu.memory_space<vmem>>
      %dma_wait3A_214 = arith.constant 0 : i32
      %dma_wait3A_215 = tpu.memref_slice %arg23[%dma_wait3A_214] : memref<100096xf32, #tpu.memory_space<vmem_shared>> -> memref<100096xf32, #tpu.memory_space<vmem_shared>>
      tpu.wait_indirect_dma semaphore(%arg29 : memref<!tpu.dma_semaphore, #tpu.memory_space<semaphore_mem>>) src(%dma_wait3A_211 : memref<128xf32, #tpu.memory_space<vmem>>) dst(%dma_wait3A_215 : memref<100096xf32, #tpu.memory_space<vmem_shared>>)
      %dma_wait3A_216 = arith.constant 640 : i32
      %dma_wait3A_217 = tpu.memref_slice %arg19[%dma_wait3A_216] : memref<1024xf32, #tpu.memory_space<vmem>> -> memref<128xf32, #tpu.memory_space<vmem>>
      %dma_wait3A_218 = arith.constant 640 : i32
      %dma_wait3A_219 = tpu.memref_slice %arg17[%dma_wait3A_218] : memref<1024xi32, #tpu.memory_space<vmem>> -> memref<128xi32, #tpu.memory_space<vmem>>
      %dma_wait3A_220 = arith.constant 0 : i32
      %dma_wait3A_221 = tpu.memref_slice %arg23[%dma_wait3A_220] : memref<100096xf32, #tpu.memory_space<vmem_shared>> -> memref<100096xf32, #tpu.memory_space<vmem_shared>>
      tpu.wait_indirect_dma semaphore(%arg29 : memref<!tpu.dma_semaphore, #tpu.memory_space<semaphore_mem>>) src(%dma_wait3A_217 : memref<128xf32, #tpu.memory_space<vmem>>) dst(%dma_wait3A_221 : memref<100096xf32, #tpu.memory_space<vmem_shared>>)
      %dma_wait3A_222 = arith.constant 768 : i32
      %dma_wait3A_223 = tpu.memref_slice %arg19[%dma_wait3A_222] : memref<1024xf32, #tpu.memory_space<vmem>> -> memref<128xf32, #tpu.memory_space<vmem>>
      %dma_wait3A_224 = arith.constant 768 : i32
      %dma_wait3A_225 = tpu.memref_slice %arg17[%dma_wait3A_224] : memref<1024xi32, #tpu.memory_space<vmem>> -> memref<128xi32, #tpu.memory_space<vmem>>
      %dma_wait3A_226 = arith.constant 0 : i32
      %dma_wait3A_227 = tpu.memref_slice %arg23[%dma_wait3A_226] : memref<100096xf32, #tpu.memory_space<vmem_shared>> -> memref<100096xf32, #tpu.memory_space<vmem_shared>>
      tpu.wait_indirect_dma semaphore(%arg29 : memref<!tpu.dma_semaphore, #tpu.memory_space<semaphore_mem>>) src(%dma_wait3A_223 : memref<128xf32, #tpu.memory_space<vmem>>) dst(%dma_wait3A_227 : memref<100096xf32, #tpu.memory_space<vmem_shared>>)
      %dma_wait3A_228 = arith.constant 896 : i32
      %dma_wait3A_229 = tpu.memref_slice %arg19[%dma_wait3A_228] : memref<1024xf32, #tpu.memory_space<vmem>> -> memref<128xf32, #tpu.memory_space<vmem>>
      %dma_wait3A_230 = arith.constant 896 : i32
      %dma_wait3A_231 = tpu.memref_slice %arg17[%dma_wait3A_230] : memref<1024xi32, #tpu.memory_space<vmem>> -> memref<128xi32, #tpu.memory_space<vmem>>
      %dma_wait3A_232 = arith.constant 0 : i32
      %dma_wait3A_233 = tpu.memref_slice %arg23[%dma_wait3A_232] : memref<100096xf32, #tpu.memory_space<vmem_shared>> -> memref<100096xf32, #tpu.memory_space<vmem_shared>>
      tpu.wait_indirect_dma semaphore(%arg29 : memref<!tpu.dma_semaphore, #tpu.memory_space<semaphore_mem>>) src(%dma_wait3A_229 : memref<128xf32, #tpu.memory_space<vmem>>) dst(%dma_wait3A_233 : memref<100096xf32, #tpu.memory_space<vmem_shared>>)
    } else {
    }
    %barrier3A_176 = arith.constant 0 : index
    tpu.barrier barrier_id(%barrier3A_176)
    "tpu.region"() ({
      %run_scoped3A = tpu.sem_alloc : memref<!tpu.dma_semaphore, #tpu.memory_space<semaphore_mem>>
      %dma_start3A = arith.constant 0 : i32
      %dma_start3A_187 = tpu.memref_slice %arg22[%dma_start3A] : memref<100096xf32, #tpu.memory_space<vmem>> -> memref<6256xf32, #tpu.memory_space<vmem>>
      %dma_start3A_188 = tpu.memref_slice %arg23[%mul3A_2] : memref<100096xf32, #tpu.memory_space<vmem_shared>> -> memref<6256xf32, #tpu.memory_space<vmem_shared>>
      %dma_start3A_189 = arith.constant 0 : i32
      %dma_start3A_190 = tpu.memref_slice %arg22[%dma_start3A_189] : memref<100096xf32, #tpu.memory_space<vmem>> -> memref<6256xf32, #tpu.memory_space<vmem>>
      %dma_start3A_191 = tpu.memref_slice %arg23[%mul3A_2] : memref<100096xf32, #tpu.memory_space<vmem_shared>> -> memref<6256xf32, #tpu.memory_space<vmem_shared>>
      tpu.enqueue_dma source(%dma_start3A_191 : memref<6256xf32, #tpu.memory_space<vmem_shared>>) target(%dma_start3A_190 : memref<6256xf32, #tpu.memory_space<vmem>>) target_semaphore(%run_scoped3A : memref<!tpu.dma_semaphore, #tpu.memory_space<semaphore_mem>>)
      %dma_wait3A = arith.constant 0 : i32
      %dma_wait3A_192 = tpu.memref_slice %arg22[%dma_wait3A] : memref<100096xf32, #tpu.memory_space<vmem>> -> memref<6256xf32, #tpu.memory_space<vmem>>
      %dma_wait3A_193 = tpu.memref_slice %arg23[%mul3A_2] : memref<100096xf32, #tpu.memory_space<vmem_shared>> -> memref<6256xf32, #tpu.memory_space<vmem_shared>>
      %dma_wait3A_194 = arith.constant 0 : i32
      %dma_wait3A_195 = tpu.memref_slice %arg22[%dma_wait3A_194] : memref<100096xf32, #tpu.memory_space<vmem>> -> memref<6256xf32, #tpu.memory_space<vmem>>
      %dma_wait3A_196 = tpu.memref_slice %arg23[%mul3A_2] : memref<100096xf32, #tpu.memory_space<vmem_shared>> -> memref<6256xf32, #tpu.memory_space<vmem_shared>>
      tpu.wait_dma2 semaphore(%run_scoped3A : memref<!tpu.dma_semaphore, #tpu.memory_space<semaphore_mem>>) src(%dma_wait3A_196 : memref<6256xf32, #tpu.memory_space<vmem_shared>>) dst(%dma_wait3A_195 : memref<6256xf32, #tpu.memory_space<vmem>>)
      tpu.yield
    }) : () -> ()
    %eq3A_177 = arith.constant 0 : i32
    %eq3A_178 = arith.cmpi eq, %arg0, %eq3A_177 : i32
    %convert_element_type3A_179 = arith.extui %eq3A_178 : i1 to i32
    %cond3A_180 = arith.constant 0 : i32
    %cond3A_181 = arith.cmpi ne, %convert_element_type3A_179, %cond3A_180 : i32
    scf.if %cond3A_181 {
      "tpu.region"() ({
        %run_scoped3A = tpu.sem_alloc : memref<!tpu.dma_semaphore, #tpu.memory_space<semaphore_mem>>
        %dma_start3A = arith.constant 0 : i32
        %dma_start3A_187 = tpu.memref_slice %arg22[%dma_start3A] : memref<100096xf32, #tpu.memory_space<vmem>> -> memref<6256xf32, #tpu.memory_space<vmem>>
        %dma_start3A_188 = tpu.memref_slice %arg6[%mul3A_2] : memref<100096xf32, #tpu.memory_space<hbm>> -> memref<6256xf32, #tpu.memory_space<hbm>>
        %dma_start3A_189 = tpu.memref_slice %arg6[%mul3A_2] : memref<100096xf32, #tpu.memory_space<hbm>> -> memref<6256xf32, #tpu.memory_space<hbm>>
        %dma_start3A_190 = arith.constant 0 : i32
        %dma_start3A_191 = tpu.memref_slice %arg22[%dma_start3A_190] : memref<100096xf32, #tpu.memory_space<vmem>> -> memref<6256xf32, #tpu.memory_space<vmem>>
        tpu.enqueue_dma source(%dma_start3A_191 : memref<6256xf32, #tpu.memory_space<vmem>>) target(%dma_start3A_189 : memref<6256xf32, #tpu.memory_space<hbm>>) target_semaphore(%run_scoped3A : memref<!tpu.dma_semaphore, #tpu.memory_space<semaphore_mem>>)
        %dma_wait3A = arith.constant 0 : i32
        %dma_wait3A_192 = tpu.memref_slice %arg22[%dma_wait3A] : memref<100096xf32, #tpu.memory_space<vmem>> -> memref<6256xf32, #tpu.memory_space<vmem>>
        %dma_wait3A_193 = tpu.memref_slice %arg6[%mul3A_2] : memref<100096xf32, #tpu.memory_space<hbm>> -> memref<6256xf32, #tpu.memory_space<hbm>>
        %dma_wait3A_194 = tpu.memref_slice %arg6[%mul3A_2] : memref<100096xf32, #tpu.memory_space<hbm>> -> memref<6256xf32, #tpu.memory_space<hbm>>
        %dma_wait3A_195 = arith.constant 0 : i32
        %dma_wait3A_196 = tpu.memref_slice %arg22[%dma_wait3A_195] : memref<100096xf32, #tpu.memory_space<vmem>> -> memref<6256xf32, #tpu.memory_space<vmem>>
        tpu.wait_dma2 semaphore(%run_scoped3A : memref<!tpu.dma_semaphore, #tpu.memory_space<semaphore_mem>>) src(%dma_wait3A_196 : memref<6256xf32, #tpu.memory_space<vmem>>) dst(%dma_wait3A_194 : memref<6256xf32, #tpu.memory_space<hbm>>)
        tpu.yield
      }) : () -> ()
    } else {
    }
    %eq3A_182 = arith.constant 1 : i32
    %eq3A_183 = arith.cmpi eq, %arg0, %eq3A_182 : i32
    %convert_element_type3A_184 = arith.extui %eq3A_183 : i1 to i32
    %cond3A_185 = arith.constant 0 : i32
    %cond3A_186 = arith.cmpi ne, %convert_element_type3A_184, %cond3A_185 : i32
    scf.if %cond3A_186 {
      "tpu.region"() ({
        %run_scoped3A = tpu.sem_alloc : memref<!tpu.dma_semaphore, #tpu.memory_space<semaphore_mem>>
        %dma_start3A = arith.constant 0 : i32
        %dma_start3A_187 = tpu.memref_slice %arg22[%dma_start3A] : memref<100096xf32, #tpu.memory_space<vmem>> -> memref<6256xf32, #tpu.memory_space<vmem>>
        %dma_start3A_188 = tpu.memref_slice %arg7[%mul3A_2] : memref<100096xf32, #tpu.memory_space<hbm>> -> memref<6256xf32, #tpu.memory_space<hbm>>
        %dma_start3A_189 = tpu.memref_slice %arg7[%mul3A_2] : memref<100096xf32, #tpu.memory_space<hbm>> -> memref<6256xf32, #tpu.memory_space<hbm>>
        %dma_start3A_190 = arith.constant 0 : i32
        %dma_start3A_191 = tpu.memref_slice %arg22[%dma_start3A_190] : memref<100096xf32, #tpu.memory_space<vmem>> -> memref<6256xf32, #tpu.memory_space<vmem>>
        tpu.enqueue_dma source(%dma_start3A_191 : memref<6256xf32, #tpu.memory_space<vmem>>) target(%dma_start3A_189 : memref<6256xf32, #tpu.memory_space<hbm>>) target_semaphore(%run_scoped3A : memref<!tpu.dma_semaphore, #tpu.memory_space<semaphore_mem>>)
        %dma_wait3A = arith.constant 0 : i32
        %dma_wait3A_192 = tpu.memref_slice %arg22[%dma_wait3A] : memref<100096xf32, #tpu.memory_space<vmem>> -> memref<6256xf32, #tpu.memory_space<vmem>>
        %dma_wait3A_193 = tpu.memref_slice %arg7[%mul3A_2] : memref<100096xf32, #tpu.memory_space<hbm>> -> memref<6256xf32, #tpu.memory_space<hbm>>
        %dma_wait3A_194 = tpu.memref_slice %arg7[%mul3A_2] : memref<100096xf32, #tpu.memory_space<hbm>> -> memref<6256xf32, #tpu.memory_space<hbm>>
        %dma_wait3A_195 = arith.constant 0 : i32
        %dma_wait3A_196 = tpu.memref_slice %arg22[%dma_wait3A_195] : memref<100096xf32, #tpu.memory_space<vmem>> -> memref<6256xf32, #tpu.memory_space<vmem>>
        tpu.wait_dma2 semaphore(%run_scoped3A : memref<!tpu.dma_semaphore, #tpu.memory_space<semaphore_mem>>) src(%dma_wait3A_196 : memref<6256xf32, #tpu.memory_space<vmem>>) dst(%dma_wait3A_194 : memref<6256xf32, #tpu.memory_space<hbm>>)
        tpu.yield
      }) : () -> ()
    } else {
    }
    return
  }
}

module attributes {stable_mosaic.version = 14 : i64} {
  func.func @_mlp_body(%arg0: i32, %arg1: memref<58x5888xf32, #tpu.memory_space<vmem>>, %arg2: memref<58x1xf32, #tpu.memory_space<vmem>>, %arg3: memref<58x64xf32, #tpu.memory_space<vmem>>, %arg4: memref<64x1xf32, #tpu.memory_space<vmem>>, %arg5: memref<64x1xf32, #tpu.memory_space<vmem>>, %arg6: memref<1x1xf32, #tpu.memory_space<vmem>>, %arg7: memref<1x5888xf32, #tpu.memory_space<vmem>>) attributes {dimension_semantics = [#tpu.dimension_semantics<arbitrary>], iteration_bounds = array<i64: 17>, scalar_prefetch = 0 : i64, scratch_operands = 0 : i64, tpu.core_type = #tpu.core_type<tc>, window_params = [{transform_indices = @transform_0, window_bounds = array<i64: 58, 5888>}, {pipeline_mode = #tpu.pipeline_mode<synchronous>, transform_indices = @transform_1, window_bounds = array<i64: 58, 1>}, {pipeline_mode = #tpu.pipeline_mode<synchronous>, transform_indices = @transform_2, window_bounds = array<i64: 58, 64>}, {pipeline_mode = #tpu.pipeline_mode<synchronous>, transform_indices = @transform_3, window_bounds = array<i64: 64, 1>}, {pipeline_mode = #tpu.pipeline_mode<synchronous>, transform_indices = @transform_4, window_bounds = array<i64: 64, 1>}, {pipeline_mode = #tpu.pipeline_mode<synchronous>, transform_indices = @transform_5, window_bounds = array<i64: 1, 1>}, {transform_indices = @transform_6, window_bounds = array<i64: 1, 5888>}]} {
    %get3A = arith.constant 0 : index
    %get3A_0 = arith.constant 0 : index
    %get3A_1 = vector.load %arg1[%get3A, %get3A_0] : memref<58x5888xf32, #tpu.memory_space<vmem>>, vector<58x5888xf32>
    %get3A_2 = arith.constant 0 : index
    %get3A_3 = arith.constant 0 : index
    %get3A_4 = vector.load %arg2[%get3A_2, %get3A_3] : memref<58x1xf32, #tpu.memory_space<vmem>>, vector<58x1xf32>
    %mul3A = vector.broadcast %get3A_4 : vector<58x1xf32> to vector<58x5888xf32>
    %mul3A_5 = arith.mulf %get3A_1, %mul3A : vector<58x5888xf32>
    %get3A_6 = arith.constant 0 : index
    %get3A_7 = arith.constant 0 : index
    %get3A_8 = vector.load %arg3[%get3A_6, %get3A_7] : memref<58x64xf32, #tpu.memory_space<vmem>>, vector<58x64xf32>
    %dot_general3A = arith.constant dense<0.000000e+00> : vector<64x5888xf32>
    %dot_general3A_9 = tpu.matmul %get3A_8, %mul3A_5, %dot_general3A {dimension_numbers = #tpu.dot_dimension_numbers<[0], [0], [1], [1], [0, 1, 1, 1], [], []>, transpose_lhs_hint = false} : vector<58x64xf32>, vector<58x5888xf32>, vector<64x5888xf32> -> vector<64x5888xf32>
    %get3A_10 = arith.constant 0 : index
    %get3A_11 = arith.constant 0 : index
    %get3A_12 = vector.load %arg4[%get3A_10, %get3A_11] : memref<64x1xf32, #tpu.memory_space<vmem>>, vector<64x1xf32>
    %add3A = vector.broadcast %get3A_12 : vector<64x1xf32> to vector<64x5888xf32>
    %add3A_13 = arith.addf %dot_general3A_9, %add3A : vector<64x5888xf32>
    %max3A = arith.constant 0.000000e+00 : f32
    %max3A_14 = vector.broadcast %max3A : f32 to vector<64x5888xf32>
    %max3A_15 = arith.maximumf %add3A_13, %max3A_14 : vector<64x5888xf32>
    %get3A_16 = arith.constant 0 : index
    %get3A_17 = arith.constant 0 : index
    %get3A_18 = vector.load %arg5[%get3A_16, %get3A_17] : memref<64x1xf32, #tpu.memory_space<vmem>>, vector<64x1xf32>
    %dot_general3A_19 = arith.constant dense<0.000000e+00> : vector<1x5888xf32>
    %dot_general3A_20 = tpu.matmul %get3A_18, %max3A_15, %dot_general3A_19 {dimension_numbers = #tpu.dot_dimension_numbers<[0], [0], [1], [1], [0, 1, 1, 1], [], []>, transpose_lhs_hint = false} : vector<64x1xf32>, vector<64x5888xf32>, vector<1x5888xf32> -> vector<1x5888xf32>
    %get3A_21 = arith.constant 0 : index
    %get3A_22 = arith.constant 0 : index
    %get3A_23 = vector.load %arg6[%get3A_21, %get3A_22] : memref<1x1xf32, #tpu.memory_space<vmem>>, vector<1x1xf32>
    %add3A_24 = vector.broadcast %get3A_23 : vector<1x1xf32> to vector<1x5888xf32>
    %add3A_25 = arith.addf %dot_general3A_20, %add3A_24 : vector<1x5888xf32>
    %swap3A = arith.constant 0 : index
    %swap3A_26 = arith.constant 0 : index
    %swap3A_27 = vector.load %arg7[%swap3A, %swap3A_26] : memref<1x5888xf32, #tpu.memory_space<vmem>>, vector<1x5888xf32>
    tpu.vector_store %arg7[%swap3A, %swap3A_26], %add3A_25 {strides = array<i32>} : memref<1x5888xf32, #tpu.memory_space<vmem>>, vector<1x5888xf32>,
    return
  }
  func.func @transform_0(%arg0: i32) -> (i32, i32) {
    %c0_i32 = arith.constant 0 : i32
    %c0_i32_0 = arith.constant 0 : i32
    return %c0_i32, %arg0 : i32, i32
  }
  func.func @transform_1(%arg0: i32) -> (i32, i32) {
    %c0_i32 = arith.constant 0 : i32
    %c0_i32_0 = arith.constant 0 : i32
    %c0_i32_1 = arith.constant 0 : i32
    return %c0_i32, %c0_i32_0 : i32, i32
  }
  func.func @transform_2(%arg0: i32) -> (i32, i32) {
    %c0_i32 = arith.constant 0 : i32
    %c0_i32_0 = arith.constant 0 : i32
    %c0_i32_1 = arith.constant 0 : i32
    return %c0_i32, %c0_i32_0 : i32, i32
  }
  func.func @transform_3(%arg0: i32) -> (i32, i32) {
    %c0_i32 = arith.constant 0 : i32
    %c0_i32_0 = arith.constant 0 : i32
    %c0_i32_1 = arith.constant 0 : i32
    return %c0_i32, %c0_i32_0 : i32, i32
  }
  func.func @transform_4(%arg0: i32) -> (i32, i32) {
    %c0_i32 = arith.constant 0 : i32
    %c0_i32_0 = arith.constant 0 : i32
    %c0_i32_1 = arith.constant 0 : i32
    return %c0_i32, %c0_i32_0 : i32, i32
  }
  func.func @transform_5(%arg0: i32) -> (i32, i32) {
    %c0_i32 = arith.constant 0 : i32
    %c0_i32_0 = arith.constant 0 : i32
    %c0_i32_1 = arith.constant 0 : i32
    return %c0_i32, %c0_i32_0 : i32, i32
  }
  func.func @transform_6(%arg0: i32) -> (i32, i32) {
    %c0_i32 = arith.constant 0 : i32
    %c0_i32_0 = arith.constant 0 : i32
    return %c0_i32, %arg0 : i32, i32
  }
}

module attributes {stable_mosaic.version = 14 : i64} {
  func.func @_combine_body(%arg0: memref<782x128xf32, #tpu.memory_space<vmem>>, %arg1: memref<782x128xf32, #tpu.memory_space<vmem>>, %arg2: memref<782x128xf32, #tpu.memory_space<vmem>>, %arg3: memref<782x128xf32, #tpu.memory_space<vmem>>) attributes {dimension_semantics = [], scalar_prefetch = 0 : i64, scratch_operands = 0 : i64, tpu.core_type = #tpu.core_type<tc>} {
    %get3A = arith.constant 0 : index
    %get3A_0 = arith.constant 0 : index
    %get3A_1 = vector.load %arg0[%get3A, %get3A_0] : memref<782x128xf32, #tpu.memory_space<vmem>>, vector<782x128xf32>
    %get3A_2 = arith.constant 0 : index
    %get3A_3 = arith.constant 0 : index
    %get3A_4 = vector.load %arg1[%get3A_2, %get3A_3] : memref<782x128xf32, #tpu.memory_space<vmem>>, vector<782x128xf32>
    %add3A = arith.addf %get3A_1, %get3A_4 : vector<782x128xf32>
    %get3A_5 = arith.constant 0 : index
    %get3A_6 = arith.constant 0 : index
    %get3A_7 = vector.load %arg2[%get3A_5, %get3A_6] : memref<782x128xf32, #tpu.memory_space<vmem>>, vector<782x128xf32>
    %add3A_8 = arith.addf %add3A, %get3A_7 : vector<782x128xf32>
    %swap3A = arith.constant 0 : index
    %swap3A_9 = arith.constant 0 : index
    %swap3A_10 = vector.load %arg3[%swap3A, %swap3A_9] : memref<782x128xf32, #tpu.memory_space<vmem>>, vector<782x128xf32>
    tpu.vector_store %arg3[%swap3A, %swap3A_9], %add3A_8 {strides = array<i32>} : memref<782x128xf32, #tpu.memory_space<vmem>>, vector<782x128xf32>,
    return
  }
}

</mosaic_0001>

<sc_bundles>
// kernel: kernel.5.cloned.1.call-start
scs
__scs_entry_jumppad:
0x0: {  	(pc) =	sbr.rel $0x88, $3  }
0x1: {  	(tag) =	ssettag $0x0;
	lr =	simm.s32 $0x1  }
0x2: {  	[smem:$0x3F98] =	sst lr;
	_ =	strace $0xD0000000  }
0x3: {  	_ = 	snop  }
0x4: {  	_ = 	snop  }
0x5: {  	_ = 	snop  }
0x6: {  	_ = 	snop  }
0x7: {  	_ = 	snop  }
__scs_overlays_trampoline_lowered:
0x8: {  	[smem:$0x3FA7] =	sst s0  }
0x9: {  	[smem:$0x3FA8] =	sst s1  }
0xa: {  	[smem:$0x3FA9] =	sst s2  }
0xb: {  	[smem:$0x3FAA] =	sst s3  }
0xc: {  	[smem:$0x3FAB] =	sst s4  }
0xd: {  	[smem:$0x3FAC] =	sst s5  }
0xe: {  	[smem:$0x3FAD] =	sst s6  }
0xf: {  	[smem:$0x3FAE] =	sst s7  }
0x10: {  	[smem:$0x3FAF] =	sst s8  }
0x11: {  	[smem:$0x3FB0] =	sst s9;
	s0 =	simm.s32 @!p0 $0x0  }
0x12: {  	s1 =	sld [smem:$0x3F96];
	s0 =	simm.s32 @p0 $0x1  }
0x13: {  	[smem:$0x3FB1] =	sst s0;
	s0 =	simm.s32 @!p1 $0x0  }
0x14: {  	s2 =	sld [smem:$0x3F95];
	s0 =	simm.s32 @p1 $0x1  }
0x15: {  	[smem:$0x3FB2] =	sst s0;
	s0 =	simm.s32 @!p2 $0x0  }
0x16: {  	s3 =	sld [smem:$0x3FDB];
	s0 =	simm.s32 @p2 $0x1  }
0x17: {  	s4 =	simm.s32 $0x1BF5;
	[smem:$0x3FB4] =	sst s0  }
0x18: {  	s0 =	sld [smem:$0x3F97];
	_ =	swait.ge [sflag:s4], $0x0  }
0x19: {  	s7 =	sld [smem:$0x3F98]  }
0x1a: {  	s8 =	sadd.s32 $0xFFFFE003, lr  }
0x1b: {  	s9 =	sadd.s32 $0xFFFFFEF7, lr;
	s5 =	simm.s32 $0xFFFFFFFF;
	p2 =	slt.u32 s8, $0xFFFFF086  }
0x1c: {  	p1 =	slt.u32 s9, $0xF7A;
	s5 =	simm.s32 @!p2 $0x0  }
0x1d: {  	s5 =	simm.s32 @p1 $0x1;
	p0 =	seq.s32 s7, s2  }
0x1e: {  	s7 =	smul.u32 @!p0 $0xF7A, s2;
	p2 =	seq.s32 @!p0 s5, $0x0  }
0x1f: {  	s9 =	smul.u32 $0xF7A, s1;
	s8 =	simm.s32 @!p0 $0x1BF5;
	p2 =	por !p2, p0  }
0x20: {  	[sflag:s8] =	ssyncset.s32 @!p0 $0xFFFFF086;
	s6 =	sadd.s32 @!p0 s3, s7;
	s7 =	simm.s32 @!p0 $0x108  }
0x21: {  	s3 =	sadd.s32 s3, s9;
	s6 =	sadd.s32 @!p0 $0x88, s6;
	s7 =	simm.s32 @p2 $0x1082  }
0x22: {  	[simem:s7], [sflag:s8] =	dma.local @!p0 [hbm:s6], $0xF7A  }
0x23: {  	s9 =	sor.u32 $0xD0000000, s2;
	s6 =	simm.s32 $0x108;
	_ =	swait.ge @!p0 [sflag:s8], $0x0  }
0x24: {  	s3 =	sadd.s32 $0x88, s3;
	s6 =	simm.s32 @!p1 $0x1082;
	[sflag:s4] =	ssyncset.s32 $0xFFFFF086  }
0x25: {  	[simem:s6], [sflag:s4] =	dma.local [hbm:s3], $0xF7A  }
0x26: {  	[smem:$0x3F98] =	sst s1;
	(tag) =	ssettag s2;
	_ =	strace s9  }
0x27: {  	s1 =	sld [smem:$0x3FA8]  }
0x28: {  	s2 =	sld [smem:$0x3FA9]  }
0x29: {  	s4 =	sld [smem:$0x3FAB]  }
0x2a: {  	p0 =	seq.s32 s5, $0x0;
	s5 =	sld [smem:$0x3FAC]  }
0x2b: {  	s6 =	sld [smem:$0x3FAD]  }
0x2c: {  	s7 =	sld [smem:$0x3FAE]  }
0x2d: {  	s3 =	simm.s32 $0x108;
	s8 =	sld [smem:$0x3FAF]  }
0x2e: {  	s3 =	simm.s32 @!p0 $0x1082;
	s9 =	sld [smem:$0x3FB0]  }
0x2f: {  	lr =	sadd.s32 s0, s3;
	s0 =	sld [smem:$0x3FA7]  }
0x30: {  	s3 =	sld [smem:$0x3FAA]  }
0x31: {  	[smem:$0x3FB3] =	sst s10  }
0x32: {  	s10 =	sld [smem:$0x3FB1];
	_ =	sdelay $0x3  }
0x33: {  	p0 =	seq.s32 s10, $0x1;
	s10 =	sld [smem:$0x3FB3];
	_ =	sdelay $0x3  }
0x34: {  	[smem:$0x3FB3] =	sst s10  }
0x35: {  	s10 =	sld [smem:$0x3FB2];
	_ =	sdelay $0x3  }
0x36: {  	p1 =	seq.s32 s10, $0x1;
	s10 =	sld [smem:$0x3FB3];
	_ =	sdelay $0x3  }
0x37: {  	[smem:$0x3FB3] =	sst s10  }
0x38: {  	s10 =	sld [smem:$0x3FB4]  }
0x39: {  	_ = 	snop;
	(pc) =	sbr.ind lr, $3  }
0x3a: {  	_ = 	snop  }
0x3b: {  	_ = 	snop  }
0x3c: {  	p2 =	seq.s32 s10, $0x1;
	s10 =	sld [smem:$0x3FB3]  }
0x3d: {  	_ =	shalt  }
0x3e: {  	_ =	shalt  }
0x3f: {  	_ =	shalt  }
0x40: {  	_ =	shalt  }
0x41: {  	_ =	shalt  }
0x42: {  	_ =	shalt  }
0x43: {  	_ =	shalt  }
0x44: {  	_ =	shalt  }
0x45: {  	_ =	shalt  }
0x46: {  	_ =	shalt  }
0x47: {  	_ =	shalt  }
0x48: {  	_ =	shalt  }
0x49: {  	_ =	shalt  }
0x4a: {  	_ =	shalt  }
0x4b: {  	_ =	shalt  }
0x4c: {  	_ =	shalt  }
0x4d: {  	_ =	shalt  }
0x4e: {  	_ =	shalt  }
0x4f: {  	_ =	shalt  }
0x50: {  	_ =	shalt  }
0x51: {  	_ =	shalt  }
0x52: {  	_ =	shalt  }
0x53: {  	_ =	shalt  }
0x54: {  	_ =	shalt  }
0x55: {  	_ =	shalt  }
0x56: {  	_ =	shalt  }
0x57: {  	_ =	shalt  }
0x58: {  	_ =	shalt  }
0x59: {  	_ =	shalt  }
0x5a: {  	_ =	shalt  }
0x5b: {  	_ =	shalt  }
0x5c: {  	_ =	shalt  }
0x5d: {  	_ =	shalt  }
0x5e: {  	_ =	shalt  }
0x5f: {  	_ =	shalt  }
0x60: {  	_ =	shalt  }
0x61: {  	_ =	shalt  }
0x62: {  	_ =	shalt  }
0x63: {  	_ =	shalt  }
0x64: {  	_ =	shalt  }
0x65: {  	_ =	shalt  }
0x66: {  	_ =	shalt  }
0x67: {  	_ =	shalt  }
0x68: {  	_ =	shalt  }
0x69: {  	_ =	shalt  }
0x6a: {  	_ =	shalt  }
0x6b: {  	_ =	shalt  }
0x6c: {  	_ =	shalt  }
0x6d: {  	_ =	shalt  }
0x6e: {  	_ =	shalt  }
0x6f: {  	_ =	shalt  }
0x70: {  	_ =	shalt  }
0x71: {  	_ =	shalt  }
0x72: {  	_ =	shalt  }
0x73: {  	_ =	shalt  }
0x74: {  	_ =	shalt  }
0x75: {  	_ =	shalt  }
0x76: {  	_ =	shalt  }
0x77: {  	_ =	shalt  }
0x78: {  	_ =	shalt  }
0x79: {  	_ =	shalt  }
0x7a: {  	_ =	shalt  }
0x7b: {  	_ =	shalt  }
0x7c: {  	_ =	shalt  }
0x7d: {  	_ =	shalt  }
0x7e: {  	_ =	shalt  }
0x7f: {  	_ =	shalt  }
0x80: {  	_ =	shalt  }
0x81: {  	_ =	shalt  }
0x82: {  	_ =	shalt  }
0x83: {  	_ =	shalt  }
0x84: {  	_ =	shalt  }
0x85: {  	_ =	shalt  }
0x86: {  	_ =	shalt  }
0x87: {  	_ =	shalt  }
.Lfunc_end0:
.L_simem_size_0:
called_computation_lowered:
.L_overlay_start_0:
0x88: {  	s2 =	sld [smem:$0x3FD9]  }
0x89: {  	s3 =	sld [smem:$0x3FFE];
	_ =	sdelay $0x1  }
0x8a: {  	s1 =	srdreg.scid  }
0x8b: {  	s0 =	sand.u32 $0x1, s1  }
0x8c: {  	s17 =	sshll.u32 s0, $0xA;
	s2 =	sadd.s32 s3, s2  }
0x8d: {  	s2 =	sadd.s32 s2, s17  }
0x8e: {  	[smem:$0x3FBF] =	sst s2  }
0x8f: {  	_ = 	snop  }
0x90: {  	s2 =	sld [smem:$0x3FC8]  }
0x91: {  	s18 =	sld [smem:$0x3FC7]  }
0x92: {  	s4 =	sld [smem:$0x3FD0];
	(tm) =	ssettm $0x1  }
0x93: {  	s5 =	sld [smem:$0x3FFB];
	_ =	sdelay $0x3  }
0x94: {  	_ =	strace s5  }
0x95: {  	s5 =	sld [smem:$0x3FFC];
	_ =	sdelay $0x3  }
0x96: {  	_ =	strace s5  }
0x97: {  	s5 =	sld [smem:$0x3FFD];
	_ =	sdelay $0x3  }
0x98: {  	_ =	strace s5  }
0x99: {  	_ =	strace $0x8FFFFFFF  }
0x9a: {  	s19 =	sld [smem:$0x3FDB];
	_ =	sdelay $0x1  }
0x9b: {  	s6 =	simm.s32 $_scs_section_size  }
0x9c: {  	s7 =	simm.s32 $_size__tile_overlayer_lowered;
	s8 =	simm.s32 $_tile_overlayer_lowered  }
0x9d: {  	s22 =	simm.s32 $0x1BFF;
	s21 =	sshll.u32 s8, $0x1;
	s5 =	sadd.s32 s6, s19  }
0x9e: {  	s9 =	simm.s32 $0x0;
	s20 =	sshll.u32 s7, $0x1;
	s7 =	sadd.s32 s21, s5  }
0x9f: {  	[timem:s9], [sflag:s22] =	dma.local [hbm:s7], s20  }
0xa0: {  	_ =	swait.ge [sflag:s22], s20  }
0xa1: {  	s6 =	ssub.s32 $0x0, s20;
	[sflag:s22] =	ssyncset.done $0x0  }
0xa2: {  	[sflag:s22] =	ssyncadd.s32 s6;
	_ =	sdelay $0x1  }
0xa3: {  	s23 =	simm.s32 $0x1B8B  }
0xa4: {  	_ =	swait.ge [sflag:s23], $0x1  }
0xa5: {  	[sflag:s23] =	ssyncset.done $0x0  }
0xa6: {  	s25 =	simm.s32 $0x1B8E;
	s24 =	sld [smem:$0x3FFE];
	[sflag:s23] =	ssyncadd.s32 $0xFFFFFFFF  }
0xa7: {  	s26 =	simm.s32 $execute0_lowered;
	[smem:$0x3FD2] =	sst s25  }
0xa8: {  	s7 =	sshll.u32 s26, $0x1;
	_ =	strace $0x80000046;
	[dreg:$0x1] =	wrdreg $0xFFFFFFFF  }
0xa9: {  	s28 =	simm.s32 $_size_execute0_lowered;
	s5 =	sadd.s32 s5, s7;
	[dreg:$0x0] =	wrdreg $0x0  }
0xaa: {  	s7 =	sshll.u32 s28, $0x1;
	[dreg:$0x2] =	wrdreg s5  }
0xab: {  	[dreg:$0x3] =	wrdreg s7  }
0xac: {  	[dreg:$0x4] =	wrdreg $0xC0  }
0xad: {  	_ =	task [dreg:s9], $0x5FFFF  }
0xae: {  	[dreg:$0x1] =	wrdreg $0xFFFFFFFF  }
0xaf: {  	[dreg:$0x0] =	wrdreg $0x60  }
0xb0: {  	[dreg:$0x2] =	wrdreg s24  }
0xb1: {  	[dreg:$0x3] =	wrdreg s2  }
0xb2: {  	[dreg:$0x4] =	wrdreg s18  }
0xb3: {  	[dreg:$0x5] =	wrdreg s4  }
0xb4: {  	[dreg:$0x6] =	wrdreg $0x1C1000  }
0xb5: {  	[dreg:$0x7] =	wrdreg $0x9  }
0xb6: {  	_ =	task.clear_ibuf [dreg:s9], $0x8FFFF;
	_ =	strace $0x90000046  }
0xb7: {  	s29 =	simm.s32 $0x9;
	_ =	strace $0x80000048  }
0xb8: {  	_ =	swait.ge [sflag:s29], $0x1  }
0xb9: {  	[sflag:s29] =	ssyncadd.s32 $0xFFFFFFFF  }
0xba: {  	_ =	strace $0x90000048  }
0xbb: {  	_ =	sfence  }
0xbc: {  	s30 =	sld [smem:$0x0];
	_ =	sdelay $0x2  }
0xbd: {  	s31 =	sshll.u32 s1, $0xD;
	s1 =	sshrl.u32 s1, $0x2  }
0xbe: {  	s3 =	sand.u32 $0x4000, s31;
	s1 =	sadd.s32 s1, s30  }
0xbf: {  	s0 =	sor.u32 s3, s0;
	s1 =	sshll.u32 s1, $0x11  }
0xc0: {  	s0 =	sor.u32 s1, s0  }
0xc1: {  	s0 =	sadd.s32 $0x8F2B, s0  }
0xc2: {  	[sflag:s0] =	ssyncadd.remote.s32 $0x1  }
0xc3: {  	_ =	sfence.sel $0xFFFF  }
0xc4: {  	[dreg:$0x0] =	wrdreg $0xFFFFFFFF;
	(pc) =	sbr.abs _section_cstart, $3  }
0xc5: {  	[dreg:$0x1] =	wrdreg $0xFFFFFFFF  }
0xc6: {  	_ =	task.clear_ibuf [dreg:s9], $0x2FFFF;
	_ =	strace $0x9FFFFFFF  }
0xc7: {  	(tm) =	ssettm $0x7FFFFFFF  }
tec
execute0_lowered:
.L_overlay_start_1:
0x0: {  	(tag) =	ssettag $0x1  }
0x1: {  	s1 =	rddreg [dreg:$0x0]  }
0x2: {  	s0 =	rddreg [dreg:$0x1];
	s3 =	srdreg.scid  }
0x3: {  	s2 =	rddreg [dreg:$0x2];
	s7 =	stileid.u32  }
0x4: {  	s5 =	rddreg [dreg:$0x4];
	s23 =	simm.s32 $0x0;
	s29 =	simm.s32 $0x400  }
0x5: {  	s28 =	simm.s32 $0xF00;
	s3 =	sand.u32 $0x1, s3;
	[smem:$0x7FF] =	sst s23  }
0x6: {  	s8 =	smul.u32 $0x1870, s7;
	s12 =	sadd.s32 $0xE00, s1;
	s4 =	sshll.u32 s3, $0x4  }
0x7: {  	s9 =	ssub.s32 $0x2, s3;
	_ =	strace $0x80000047;
	[dreg:$0x6] =	wrdreg s12  }
0x8: {  	p0 =	seq.s32 s3, $0x1;
	s3 =	simm.s32 $0x7200;
	s4 =	sor.u32 s7, s4  }
0x9: {  	s10 =	sshrl.u32 s9, $0x1;
	s24 =	sadd.s32 s8, s5;
	s6 =	smul.u32 $0x1800FD, s4  }
0xa: {  	s3 =	simm.s32 @!p0 $0x4000;
	s30 =	sshrl.u32 s8, $0x3;
	s7 =	smul.u32 $0x125, s4  }
0xb: {  	s9 =	ssub.s32 s9, s10;
	s15 =	sadd.s32 $0x800, s24;
	[dreg:$0x7] =	wrdreg s24  }
0xc: {  	s17 =	sadd.s32 $0x1000, s24;
	s13 =	sadd.s32 $0x1800, s24;
	[dreg:$0x8] =	wrdreg s15  }
0xd: {  	s1 =	sadd.s32 s3, s1;
	s3 =	simm.s32 $0x1;
	[dreg:$0x9] =	wrdreg s17  }
0xe: {  	[dreg:$0xa] =	wrdreg s13;
	s31 =	smax.u32 s9, $0x1;
	s1 =	sadd.s32 s1, s30  }
0xf: {  	s17 =	simm.s32 $0x780;
	s14 =	sshrl.u32 s6, $0x18;
	s18 =	ssub.s32 $0x249F, s7  }
0x10: {  	s6 =	sshrl.u32 s6, $0x11;
	[dreg:$0x10] =	wrdreg s31;
	s11 =	smul.u32 $0x3FF3CB, s14  }
0x11: {  	[dreg:$0x11] =	wrdreg s1;
	s4 =	smul.u32 $0x61A800, s14;
	s13 =	smin.u32 s18, $0x125  }
0x12: {  	s6 =	sand.u32 $0x180, s6;
	s14 =	sadd.s32 $0x10, s0;
	s18 =	simm.s32 $0xF80  }
0x13: {  	s15 =	sadd.s32 $0xFFFFFFFE, s13;
	s16 =	sadd.s32 s7, s11;
	s11 =	sadd.s32 $0xFFFFFFFF, s13  }
0x14: {  	s19 =	sshll.u32 s16, $0xB;
	s10 =	sshll.u32 s16, $0xC;
	s20 =	sand.u32 $0xFFFF, s11  }
0x15: {  	s16 =	sand.u32 $0xFFFF, s15;
	s4 =	sadd.s32 s4, s19;
	s12 =	smul.u32 $0xAAAB, s20  }
0x16: {  	s6 =	sor.u32 s6, s10;
	s21 =	smul.u32 $0xAAAB, s16;
	s16 =	simm.s32 $0x700  }
0x17: {  	s19 =	simm.s32 $0x2;
	s4 =	sshrl.u32 s4, $0x3;
	s6 =	sshrl.u32 s6, $0x3  }
0x18: {  	s22 =	sadd.s32 s0, s4;
	s4 =	sadd.s32 s4, s14;
	s25 =	sshrl.u32 s12, $0x11  }
0x19: {  	s10 =	sshrl.u32 s21, $0x11;
	[dreg:$0xc] =	wrdreg s4;
	s4 =	smul.u32 $0x3, s25  }
0x1a: {  	s20 =	simm.s32 $0x4;
	s6 =	sadd.s32 s2, s6;
	s10 =	smul.u32 $0x3, s10  }
.Ltmp0:
0x1b: {  	s12 =	simm.s32 $0x680;
	[dreg:$0xb] =	wrdreg s22;
	(pc) =	sbr.rel .LBB2_1-.Ltmp0, $4  }
0x1c: {  	s21 =	simm.s32 $0x3;
	[dreg:$0xd] =	wrdreg s6;
	s22 =	simm.s32 $0x3A00  }
0x1d: {  	s6 =	simm.s32 $0x7;
	s4 =	ssub.s32 s11, s4;
	s26 =	ssub.s32 s15, s10  }
0x1e: {  	s11 =	simm.s32 $0xE00;
	s15 =	simm.s32 $0xE80;
	[dreg:$0xe] =	wrdreg s4  }
0x1f: {  	v0 =	vimm.f32 $0.0e+00;
	[dreg:$0xf] =	wrdreg s26;
	s26 =	simm.s32 $0x80;
	s4 =	simm.s32 $0x0  }
.LBB2_16:
0x20: {  	s1 =	rddreg [dreg:$0xe]  }
0x21: {  	s4 =	sand.u32 $0xFFFF, s1  }
0x22: {  	p0 =	sne.s32 s4, $0x0  }
0x23: {  	s6 =	simm.s32 @!p0 $0x4  }
0x24: {  	_ =	swait.ge @!p0 [sflag:s6], $0x80  }
0x25: {  	[sflag:s6] =	ssyncset.done @!p0 $0x0  }
0x26: {  	[sflag:s6] =	ssyncadd.s32 @!p0 $0xFFFFFF80  }
0x27: {  	_ =	swait.ge @!p0 [sflag:s6], $0x80  }
0x28: {  	[sflag:s6] =	ssyncset.done @!p0 $0x0  }
0x29: {  	[sflag:s6] =	ssyncadd.s32 @!p0 $0xFFFFFF80  }
0x2a: {  	_ =	swait.ge @!p0 [sflag:s6], $0x80  }
0x2b: {  	[sflag:s6] =	ssyncset.done @!p0 $0x0  }
0x2c: {  	[sflag:s6] =	ssyncadd.s32 @!p0 $0xFFFFFF80  }
0x2d: {  	_ =	swait.ge @!p0 [sflag:s6], $0x80  }
0x2e: {  	[sflag:s6] =	ssyncset.done @!p0 $0x0  }
0x2f: {  	[sflag:s6] =	ssyncadd.s32 @!p0 $0xFFFFFF80  }
0x30: {  	_ =	swait.ge @!p0 [sflag:s6], $0x80  }
0x31: {  	[sflag:s6] =	ssyncset.done @!p0 $0x0  }
0x32: {  	[sflag:s6] =	ssyncadd.s32 @!p0 $0xFFFFFF80  }
0x33: {  	_ =	swait.ge @!p0 [sflag:s6], $0x80  }
0x34: {  	[sflag:s6] =	ssyncset.done @!p0 $0x0  }
0x35: {  	[sflag:s6] =	ssyncadd.s32 @!p0 $0xFFFFFF80  }
0x36: {  	_ =	swait.ge @!p0 [sflag:s6], $0x80  }
0x37: {  	[sflag:s6] =	ssyncset.done @!p0 $0x0  }
0x38: {  	[sflag:s6] =	ssyncadd.s32 @!p0 $0xFFFFFF80  }
0x39: {  	_ =	swait.ge @!p0 [sflag:s6], $0x80  }
0x3a: {  	s24 =	rddreg [dreg:$0xf]  }
0x3b: {  	s1 =	sand.u32 $0xFFFF, s24  }
0x3c: {  	[sflag:s6] =	ssyncset.done @!p0 $0x0;
	p1 =	sne.s32 s1, $0x0  }
0x3d: {  	[sflag:s6] =	ssyncadd.s32 @!p0 $0xFFFFFF80;
	s6 =	simm.s32 @!p1 $0x4  }
0x3e: {  	_ =	swait.ge @!p1 [sflag:s6], $0x80  }
0x3f: {  	[sflag:s6] =	ssyncset.done @!p1 $0x0  }
0x40: {  	[sflag:s6] =	ssyncadd.s32 @!p1 $0xFFFFFF80  }
0x41: {  	_ =	swait.ge @!p1 [sflag:s6], $0x80  }
0x42: {  	[sflag:s6] =	ssyncset.done @!p1 $0x0  }
0x43: {  	[sflag:s6] =	ssyncadd.s32 @!p1 $0xFFFFFF80  }
0x44: {  	_ =	swait.ge @!p1 [sflag:s6], $0x80  }
0x45: {  	[sflag:s6] =	ssyncset.done @!p1 $0x0  }
0x46: {  	[sflag:s6] =	ssyncadd.s32 @!p1 $0xFFFFFF80  }
0x47: {  	_ =	swait.ge @!p1 [sflag:s6], $0x80  }
0x48: {  	[sflag:s6] =	ssyncset.done @!p1 $0x0  }
0x49: {  	[sflag:s6] =	ssyncadd.s32 @!p1 $0xFFFFFF80  }
0x4a: {  	_ =	swait.ge @!p1 [sflag:s6], $0x80  }
0x4b: {  	[sflag:s6] =	ssyncset.done @!p1 $0x0  }
0x4c: {  	[sflag:s6] =	ssyncadd.s32 @!p1 $0xFFFFFF80  }
0x4d: {  	_ =	swait.ge @!p1 [sflag:s6], $0x80  }
0x4e: {  	[sflag:s6] =	ssyncset.done @!p1 $0x0  }
0x4f: {  	[sflag:s6] =	ssyncadd.s32 @!p1 $0xFFFFFF80  }
0x50: {  	_ =	swait.ge @!p1 [sflag:s6], $0x80  }
0x51: {  	[sflag:s6] =	ssyncset.done @!p1 $0x0  }
0x52: {  	[sflag:s6] =	ssyncadd.s32 @!p1 $0xFFFFFF80  }
0x53: {  	_ =	swait.ge @!p1 [sflag:s6], $0x80  }
0x54: {  	p0 =	sne.s32 s4, $0x1;
	[sflag:s6] =	ssyncset.done @!p1 $0x0  }
0x55: {  	[sflag:s6] =	ssyncadd.s32 @!p1 $0xFFFFFF80;
	s6 =	simm.s32 @!p0 $0x5  }
0x56: {  	_ =	swait.ge @!p0 [sflag:s6], $0x80  }
0x57: {  	[sflag:s6] =	ssyncset.done @!p0 $0x0  }
0x58: {  	[sflag:s6] =	ssyncadd.s32 @!p0 $0xFFFFFF80  }
0x59: {  	_ =	swait.ge @!p0 [sflag:s6], $0x80  }
0x5a: {  	[sflag:s6] =	ssyncset.done @!p0 $0x0  }
0x5b: {  	[sflag:s6] =	ssyncadd.s32 @!p0 $0xFFFFFF80  }
0x5c: {  	_ =	swait.ge @!p0 [sflag:s6], $0x80  }
0x5d: {  	[sflag:s6] =	ssyncset.done @!p0 $0x0  }
0x5e: {  	[sflag:s6] =	ssyncadd.s32 @!p0 $0xFFFFFF80  }
0x5f: {  	_ =	swait.ge @!p0 [sflag:s6], $0x80  }
0x60: {  	[sflag:s6] =	ssyncset.done @!p0 $0x0  }
0x61: {  	[sflag:s6] =	ssyncadd.s32 @!p0 $0xFFFFFF80  }
0x62: {  	_ =	swait.ge @!p0 [sflag:s6], $0x80  }
0x63: {  	[sflag:s6] =	ssyncset.done @!p0 $0x0  }
0x64: {  	[sflag:s6] =	ssyncadd.s32 @!p0 $0xFFFFFF80  }
0x65: {  	_ =	swait.ge @!p0 [sflag:s6], $0x80  }
0x66: {  	[sflag:s6] =	ssyncset.done @!p0 $0x0  }
0x67: {  	[sflag:s6] =	ssyncadd.s32 @!p0 $0xFFFFFF80  }
0x68: {  	_ =	swait.ge @!p0 [sflag:s6], $0x80  }
0x69: {  	[sflag:s6] =	ssyncset.done @!p0 $0x0  }
0x6a: {  	[sflag:s6] =	ssyncadd.s32 @!p0 $0xFFFFFF80  }
0x6b: {  	_ =	swait.ge @!p0 [sflag:s6], $0x80  }
0x6c: {  	p1 =	sne.s32 s1, $0x1;
	[sflag:s6] =	ssyncset.done @!p0 $0x0  }
0x6d: {  	[sflag:s6] =	ssyncadd.s32 @!p0 $0xFFFFFF80;
	s6 =	simm.s32 @!p1 $0x5  }
0x6e: {  	_ =	swait.ge @!p1 [sflag:s6], $0x80  }
0x6f: {  	[sflag:s6] =	ssyncset.done @!p1 $0x0  }
0x70: {  	[sflag:s6] =	ssyncadd.s32 @!p1 $0xFFFFFF80  }
0x71: {  	_ =	swait.ge @!p1 [sflag:s6], $0x80  }
0x72: {  	[sflag:s6] =	ssyncset.done @!p1 $0x0  }
0x73: {  	[sflag:s6] =	ssyncadd.s32 @!p1 $0xFFFFFF80  }
0x74: {  	_ =	swait.ge @!p1 [sflag:s6], $0x80  }
0x75: {  	[sflag:s6] =	ssyncset.done @!p1 $0x0  }
0x76: {  	[sflag:s6] =	ssyncadd.s32 @!p1 $0xFFFFFF80  }
0x77: {  	_ =	swait.ge @!p1 [sflag:s6], $0x80  }
0x78: {  	[sflag:s6] =	ssyncset.done @!p1 $0x0  }
0x79: {  	[sflag:s6] =	ssyncadd.s32 @!p1 $0xFFFFFF80  }
0x7a: {  	_ =	swait.ge @!p1 [sflag:s6], $0x80  }
0x7b: {  	[sflag:s6] =	ssyncset.done @!p1 $0x0  }
0x7c: {  	[sflag:s6] =	ssyncadd.s32 @!p1 $0xFFFFFF80  }
0x7d: {  	_ =	swait.ge @!p1 [sflag:s6], $0x80  }
0x7e: {  	[sflag:s6] =	ssyncset.done @!p1 $0x0  }
0x7f: {  	[sflag:s6] =	ssyncadd.s32 @!p1 $0xFFFFFF80  }
0x80: {  	_ =	swait.ge @!p1 [sflag:s6], $0x80  }
0x81: {  	[sflag:s6] =	ssyncset.done @!p1 $0x0  }
0x82: {  	[sflag:s6] =	ssyncadd.s32 @!p1 $0xFFFFFF80  }
0x83: {  	_ =	swait.ge @!p1 [sflag:s6], $0x80  }
0x84: {  	p0 =	sne.s32 s4, $0x2;
	[sflag:s6] =	ssyncset.done @!p1 $0x0  }
0x85: {  	s4 =	simm.s32 @!p0 $0x6;
	[sflag:s6] =	ssyncadd.s32 @!p1 $0xFFFFFF80  }
0x86: {  	_ =	swait.ge @!p0 [sflag:s4], $0x80  }
0x87: {  	[sflag:s4] =	ssyncset.done @!p0 $0x0  }
0x88: {  	[sflag:s4] =	ssyncadd.s32 @!p0 $0xFFFFFF80  }
0x89: {  	_ =	swait.ge @!p0 [sflag:s4], $0x80  }
0x8a: {  	[sflag:s4] =	ssyncset.done @!p0 $0x0  }
0x8b: {  	[sflag:s4] =	ssyncadd.s32 @!p0 $0xFFFFFF80  }
0x8c: {  	_ =	swait.ge @!p0 [sflag:s4], $0x80  }
0x8d: {  	[sflag:s4] =	ssyncset.done @!p0 $0x0  }
0x8e: {  	[sflag:s4] =	ssyncadd.s32 @!p0 $0xFFFFFF80  }
0x8f: {  	_ =	swait.ge @!p0 [sflag:s4], $0x80  }
0x90: {  	[sflag:s4] =	ssyncset.done @!p0 $0x0  }
0x91: {  	[sflag:s4] =	ssyncadd.s32 @!p0 $0xFFFFFF80  }
0x92: {  	_ =	swait.ge @!p0 [sflag:s4], $0x80  }
0x93: {  	[sflag:s4] =	ssyncset.done @!p0 $0x0  }
0x94: {  	[sflag:s4] =	ssyncadd.s32 @!p0 $0xFFFFFF80  }
0x95: {  	_ =	swait.ge @!p0 [sflag:s4], $0x80  }
0x96: {  	[sflag:s4] =	ssyncset.done @!p0 $0x0  }
0x97: {  	[sflag:s4] =	ssyncadd.s32 @!p0 $0xFFFFFF80  }
0x98: {  	_ =	swait.ge @!p0 [sflag:s4], $0x80  }
0x99: {  	[sflag:s4] =	ssyncset.done @!p0 $0x0  }
0x9a: {  	[sflag:s4] =	ssyncadd.s32 @!p0 $0xFFFFFF80  }
0x9b: {  	_ =	swait.ge @!p0 [sflag:s4], $0x80  }
0x9c: {  	p1 =	sne.s32 s1, $0x2;
	[sflag:s4] =	ssyncset.done @!p0 $0x0  }
0x9d: {  	s1 =	simm.s32 @!p1 $0x6;
	[sflag:s4] =	ssyncadd.s32 @!p0 $0xFFFFFF80  }
0x9e: {  	_ =	swait.ge @!p1 [sflag:s1], $0x80  }
0x9f: {  	[sflag:s1] =	ssyncset.done @!p1 $0x0  }
0xa0: {  	[sflag:s1] =	ssyncadd.s32 @!p1 $0xFFFFFF80  }
0xa1: {  	_ =	swait.ge @!p1 [sflag:s1], $0x80  }
0xa2: {  	[sflag:s1] =	ssyncset.done @!p1 $0x0  }
0xa3: {  	[sflag:s1] =	ssyncadd.s32 @!p1 $0xFFFFFF80  }
0xa4: {  	_ =	swait.ge @!p1 [sflag:s1], $0x80  }
0xa5: {  	[sflag:s1] =	ssyncset.done @!p1 $0x0  }
0xa6: {  	[sflag:s1] =	ssyncadd.s32 @!p1 $0xFFFFFF80  }
0xa7: {  	_ =	swait.ge @!p1 [sflag:s1], $0x80  }
0xa8: {  	[sflag:s1] =	ssyncset.done @!p1 $0x0  }
0xa9: {  	[sflag:s1] =	ssyncadd.s32 @!p1 $0xFFFFFF80  }
0xaa: {  	_ =	swait.ge @!p1 [sflag:s1], $0x80  }
0xab: {  	[sflag:s1] =	ssyncset.done @!p1 $0x0  }
0xac: {  	[sflag:s1] =	ssyncadd.s32 @!p1 $0xFFFFFF80  }
0xad: {  	_ =	swait.ge @!p1 [sflag:s1], $0x80  }
0xae: {  	[sflag:s1] =	ssyncset.done @!p1 $0x0  }
0xaf: {  	[sflag:s1] =	ssyncadd.s32 @!p1 $0xFFFFFF80  }
0xb0: {  	_ =	swait.ge @!p1 [sflag:s1], $0x80  }
0xb1: {  	[sflag:s1] =	ssyncset.done @!p1 $0x0  }
0xb2: {  	[sflag:s1] =	ssyncadd.s32 @!p1 $0xFFFFFF80  }
0xb3: {  	_ =	swait.ge @!p1 [sflag:s1], $0x80  }
0xb4: {  	[sflag:s1] =	ssyncset.done @!p1 $0x0  }
0xb5: {  	[sflag:s1] =	ssyncadd.s32 @!p1 $0xFFFFFF80  }
0xb6: {  	[bflag:$0x0] =	sbarrier.arrive $0xFFFF  }
0xb7: {  	s6 =	simm.s32 $0x7;
	s24 =	rddreg [dreg:$0x7]  }
0xb8: {  	[tilespmem:s22], [sflag:$0x7] =	stream.linear.gather [spmem:s24], $0x1870, $0x38;
	[tilespmem:$0x1D970] =	vst v63  }
0xb9: {  	_ =	swait.ge [sflag:s6], $0x1870  }
0xba: {  	[sflag:s6] =	ssyncset.done $0x0  }
0xbb: {  	s23 =	simm.s32 $0x0;
	s25 =	rddreg [dreg:$0x11];
	[sflag:s6] =	ssyncadd.s32 $0xFFFFE790  }
0xbc: {  	[hbm4b:s25+s23] =	stream.linear.scatter [tilespmem:s22], [sflag:$0x7], $0x1870, $0x38;
	[tilespmem:$0x1D970] =	vst v63  }
0xbd: {  	_ =	swait.ge [sflag:s6], $0x1870  }
0xbe: {  	s30 =	rddreg [dreg:$0x12]  }
0xbf: {  	s31 =	rddreg [dreg:$0x10];
	s4 =	sadd.s32 $0x1, s30  }
0xc0: {  	p0 =	sne.s32 s4, s31  }
.Ltmp1:
0xc1: {  	_ = 	snop;
	(pc) =	sbr.rel @!p0 .LBB2_17-.Ltmp1, $3  }
0xc2: {  	_ =	sdelay $0x1  }
0xc3: {  	[sflag:s6] =	ssyncset.done $0x0  }
0xc4: {  	[sflag:s6] =	ssyncadd.s32 $0xFFFFE790  }
.LBB2_1:
0xc5: {  	[dreg:$0x12] =	wrdreg s4  }
0xc6: {  	s1 =	rddreg [dreg:$0x6]  }
0xc7: {  	[tilespmem:s22], [sflag:$0x7] =	stream.linear.gather [hbm4b:s1+s23], $0x18700, $0x38;
	[tilespmem:$0x1D970] =	vst v63  }
0xc8: {  	_ =	swait.ge [sflag:s6], $0x18700  }
0xc9: {  	[sflag:s6] =	ssyncset.done $0x0  }
0xca: {  	s4 =	simm.s32 $0x0;
	s1 =	simm.s32 $0x40;
	[sflag:s6] =	ssyncadd.s32 $0xFFFE7900  }
.LBB2_2:
0xcb: {  	p0 =	sne.s32 s1, $0x1FC0;
	[tilespmem:s4+$0x3000] =	vst v0;
	s4 =	smov.u32 s1;
	s1 =	sadd.s32 $0x40, s1  }
.Ltmp2:
0xcc: {  	(pc) =	sbr.rel @p0 .LBB2_2-.Ltmp2, $2  }
0xcd: {  	_ =	sdelay $0x2  }
0xce: {  	s4 =	sshra.s32 s4, $0x2  }
0xcf: {  	[tilespmem:s4+$0x3000] =	vst v0;
	s25 =	simm.s32 $0x3000  }
0xd0: {  	[spmem:s24] =	stream.linear.scatter [tilespmem:s25], [sflag:$0x7], $0x800, $0x38;
	[tilespmem:$0x1D970] =	vst v63  }
0xd1: {  	_ =	swait.ge [sflag:s6], $0x800  }
0xd2: {  	[sflag:s6] =	ssyncset.done $0x0  }
0xd3: {  	s1 =	rddreg [dreg:$0x8];
	[sflag:s6] =	ssyncadd.s32 $0xFFFFF800  }
0xd4: {  	[spmem:s1] =	stream.linear.scatter [tilespmem:s25], [sflag:$0x7], $0x800, $0x38;
	[tilespmem:$0x1D970] =	vst v63  }
0xd5: {  	_ =	swait.ge [sflag:s6], $0x800  }
0xd6: {  	[sflag:s6] =	ssyncset.done $0x0  }
0xd7: {  	s30 =	rddreg [dreg:$0x9];
	[sflag:s6] =	ssyncadd.s32 $0xFFFFF800  }
0xd8: {  	[spmem:s30] =	stream.linear.scatter [tilespmem:s25], [sflag:$0x7], $0x800, $0x38;
	[tilespmem:$0x1D970] =	vst v63  }
0xd9: {  	_ =	swait.ge [sflag:s6], $0x800  }
0xda: {  	[sflag:s6] =	ssyncset.done $0x0  }
0xdb: {  	s31 =	rddreg [dreg:$0xa];
	[sflag:s6] =	ssyncadd.s32 $0xFFFFF800  }
0xdc: {  	[spmem:s31] =	stream.linear.scatter [tilespmem:s25], [sflag:$0x7], $0x70, $0x38;
	[tilespmem:$0x1D970] =	vst v63  }
0xdd: {  	_ =	swait.ge [sflag:s6], $0x70  }
0xde: {  	[sflag:s6] =	ssyncset.done $0x0  }
0xdf: {  	[sflag:s6] =	ssyncadd.s32 $0xFFFFFF90  }
0xe0: {  	s8 =	simm.s32 $0x3800;
	s24 =	simm.s32 $0x0;
	s4 =	rddreg [dreg:$0x3]  }
0xe1: {  	[tilespmem:s8], [sflag:$0x7] =	stream.linear.gather [hbm4b:s4+s24], $0x180, $0x38;
	[tilespmem:$0x1D970] =	vst v63  }
0xe2: {  	_ =	swait.ge [sflag:s6], $0x180  }
0xe3: {  	[sflag:s6] =	ssyncset.done $0x0  }
0xe4: {  	[sflag:s6] =	ssyncadd.s32 $0xFFFFFE80  }
0xe5: {  	[bflag:$0x0] =	sbarrier.arrive $0xFFFF  }
0xe6: {  	s10 =	simm.s32 $0x100;
	s9 =	rddreg [dreg:$0xb]  }
0xe7: {  	[tilespmem:s24], [sflag:$0x1] =	stream.strided.gather [hbm4b:s9+s26], $0x400, s10, s26, $0x38;
	[tilespmem:$0x1D970] =	vst v63  }
.Ltmp3:
0xe8: {  	_ = 	snop;
	(pc) =	sbr.rel .LBB2_4-.Ltmp3, $4  }
0xe9: {  	s23 =	rddreg [dreg:$0xc]  }
0xea: {  	[tilespmem:s29], [sflag:$0x1] =	stream.strided.gather [hbm4b:s23+s26], $0x400, s10, s26, $0x38;
	[tilespmem:$0x1D970] =	vst v63  }
0xeb: {  	s30 =	simm.s32 $0x200;
	s31 =	simm.s32 $0x800;
	s25 =	rddreg [dreg:$0xd]  }
0xec: {  	[tilespmem:s31], [sflag:$0x1] =	stream.strided.gather [hbm4b:s25+s26], $0x400, s30, s26, $0x38;
	[tilespmem:$0x1D970] =	vst v63  }
.LBB2_15:
0xed: {  	s24 =	sadd.s32 $0x1, s24  }
0xee: {  	p0 =	sne.s32 s24, $0x62  }
.Ltmp4:
0xef: {  	_ = 	snop;
	(pc) =	sbr.rel @!p0 .LBB2_16-.Ltmp4, $1  }
0xf0: {  	_ =	sdelay $0x3  }
.LBB2_4:
0xf1: {  	p0 =	seq.s32 s24, $0x0  }
0xf2: {  	s4 =	simm.s32 @!p0 $0x5  }
0xf3: {  	_ =	swait.ge @!p0 [sflag:s4], $0x80  }
0xf4: {  	[sflag:s4] =	ssyncset.done @!p0 $0x0  }
0xf5: {  	[sflag:s4] =	ssyncadd.s32 @!p0 $0xFFFFFF80  }
0xf6: {  	_ =	swait.ge @!p0 [sflag:s4], $0x80  }
0xf7: {  	[sflag:s4] =	ssyncset.done @!p0 $0x0  }
0xf8: {  	[sflag:s4] =	ssyncadd.s32 @!p0 $0xFFFFFF80  }
0xf9: {  	s9 =	smul.u32 $0x3, s24;
	_ =	swait.ge @!p0 [sflag:s4], $0x80  }
0xfa: {  	[sflag:s4] =	ssyncset.done @!p0 $0x0  }
0xfb: {  	s1 =	sadd.s32 $0x1, s9;
	[sflag:s4] =	ssyncadd.s32 @!p0 $0xFFFFFF80  }
0xfc: {  	p1 =	sge.u32 s1, s13;
	_ =	swait.ge @!p0 [sflag:s4], $0x80  }
0xfd: {  	s23 =	sadd.s32 @!p1 s7, s1;
	[sflag:s4] =	ssyncset.done @!p0 $0x0  }
0xfe: {  	s25 =	smulhi.u32 @!p1 $0x4F8B588F, s23;
	[sflag:s4] =	ssyncadd.s32 @!p0 $0xFFFFFF80  }
0xff: {  	_ =	swait.ge @!p0 [sflag:s4], $0x80  }
0x100: {  	s30 =	ssub.s32 @!p1 s23, s25;
	[sflag:s4] =	ssyncset.done @!p0 $0x0  }
0x101: {  	s30 =	sshrl.u32 @!p1 s30, $0x1;
	[sflag:s4] =	ssyncadd.s32 @!p0 $0xFFFFFF80  }
0x102: {  	s25 =	sadd.s32 @!p1 s25, s30;
	_ =	swait.ge @!p0 [sflag:s4], $0x80  }
0x103: {  	s30 =	sshrl.u32 @!p1 s25, $0xB;
	[sflag:s4] =	ssyncset.done @!p0 $0x0  }
0x104: {  	s31 =	smul.u32 @!p1 $0x3FF3CB, s30;
	[sflag:s4] =	ssyncadd.s32 @!p0 $0xFFFFFF80  }
0x105: {  	_ =	swait.ge @!p0 [sflag:s4], $0x80  }
0x106: {  	s30 =	smul.u32 @!p1 $0x61A800, s30;
	s23 =	sadd.s32 @!p1 s23, s31;
	[sflag:s4] =	ssyncset.done @!p0 $0x0  }
0x107: {  	s31 =	sshll.u32 @!p1 s23, $0xB;
	[sflag:s4] =	ssyncadd.s32 @!p0 $0xFFFFFF80  }
0x108: {  	s6 =	simm.s32 @!p1 $0x100;
	s30 =	sadd.s32 @!p1 s30, s31;
	_ =	swait.ge @!p0 [sflag:s4], $0x80  }
0x109: {  	s8 =	simm.s32 @!p1 $0x1000;
	s30 =	sshrl.u32 @!p1 s30, $0x3;
	[sflag:s4] =	ssyncset.done @!p0 $0x0  }
0x10a: {  	s31 =	simm.s32 @!p1 $0x80;
	[sflag:s4] =	ssyncadd.s32 @!p0 $0xFFFFFF80;
	s4 =	sadd.s32 @!p1 s0, s30  }
0x10b: {  	[tilespmem:s8], [sflag:$0x2] =	stream.strided.gather @!p1 [hbm4b:s4+s31], $0x400, s6, s31, $0x38;
	[tilespmem:$0x1D970] =	vst v63  }
0x10c: {  	s4 =	sadd.s32 @!p1 s30, s14;
	s8 =	simm.s32 @!p1 $0x1400  }
0x10d: {  	[tilespmem:s8], [sflag:$0x2] =	stream.strided.gather @!p1 [hbm4b:s4+s31], $0x400, s6, s31, $0x38;
	[tilespmem:$0x1D970] =	vst v63  }
0x10e: {  	s4 =	sshrl.u32 @!p1 s25, $0x4  }
0x10f: {  	s6 =	sshll.u32 @!p1 s23, $0xC;
	s4 =	sand.u32 @!p1 $0x180, s4  }
0x110: {  	s4 =	sor.u32 @!p1 s4, s6  }
0x111: {  	s4 =	sshrl.u32 @!p1 s4, $0x3  }
0x112: {  	s8 =	simm.s32 @!p1 $0x1800;
	s6 =	simm.s32 @!p1 $0x200;
	s4 =	sadd.s32 @!p1 s2, s4  }
0x113: {  	[tilespmem:s8], [sflag:$0x2] =	stream.strided.gather @!p1 [hbm4b:s4+s31], $0x400, s6, s31, $0x38;
	[tilespmem:$0x1D970] =	vst v63  }
0x114: {  	_ =	swait.ge [sflag:s3], $0x400  }
0x115: {  	[sflag:s3] =	ssyncset.done $0x0  }
0x116: {  	[sflag:s3] =	ssyncadd.s32 $0xFFFFFC00  }
0x117: {  	_ =	swait.ge [sflag:s3], $0x400  }
0x118: {  	[sflag:s3] =	ssyncset.done $0x0  }
0x119: {  	[sflag:s3] =	ssyncadd.s32 $0xFFFFFC00  }
0x11a: {  	_ =	swait.ge [sflag:s3], $0x400  }
0x11b: {  	[sflag:s3] =	ssyncset.done $0x0  }
0x11c: {  	s23 =	simm.s32 $0x0;
	[sflag:s3] =	ssyncadd.s32 $0xFFFFFC00  }
0x11d: {  	v1 =	vld [tilespmem:s23+$0x0];
	_ =	sdelay $0x1  }
0x11e: {  	s30 =	sadd.s32 s7, s9  }
0x11f: {  	s31 =	smulhi.u32 $0x4F8B588F, s30;
	_ =	sdelay $0x1  }
0x120: {  	s4 =	ssub.s32 s30, s31  }
0x121: {  	s4 =	sshrl.u32 s4, $0x1  }
0x122: {  	s4 =	sadd.s32 s31, s4;
	v3 =	vld [tilespmem:s23+$0x800]  }
0x123: {  	s4 =	sshrl.u32 s4, $0x4;
	v2 =	vld.idx.msk [tilespmem:v1+s22+$0x0], $0xffff  }
0x124: {  	s4 =	sand.u32 $0xFFFFF80, s4;
	v4 =	vld [tilespmem:s23+$0x10]  }
0x125: {  	v1 =	vld [tilespmem:s4+$0x3800];
	_ =	sdelay $0x2  }
0x126: {  	v2 =	vmul.f32 v3, v2;
	_ =	sdelay $0x1  }
0x127: {  	v2 =	vmul.f32 v2, v1;
	_ =	sdelay $0x1  }
0x128: {  	v3 =	vld [tilespmem:s23+$0x810];
	[tilespmem:s23+$0xC00] =	vst v2  }
0x129: {  	v2 =	vld.idx.msk [tilespmem:v4+s22+$0x0], $0xffff;
	_ =	sdelay $0x1  }
0x12a: {  	v4 =	vld [tilespmem:s23+$0x20];
	_ =	sdelay $0x2  }
0x12b: {  	v2 =	vmul.f32 v3, v2;
	_ =	sdelay $0x1  }
0x12c: {  	v2 =	vmul.f32 v2, v1;
	_ =	sdelay $0x1  }
0x12d: {  	v3 =	vld [tilespmem:s23+$0x820];
	[tilespmem:s23+$0xC10] =	vst v2  }
0x12e: {  	v2 =	vld.idx.msk [tilespmem:v4+s22+$0x0], $0xffff;
	_ =	sdelay $0x1  }
0x12f: {  	v4 =	vld [tilespmem:s23+$0x30];
	_ =	sdelay $0x2  }
0x130: {  	v2 =	vmul.f32 v3, v2;
	_ =	sdelay $0x1  }
0x131: {  	v2 =	vmul.f32 v2, v1;
	_ =	sdelay $0x1  }
0x132: {  	v3 =	vld [tilespmem:s23+$0x830];
	[tilespmem:s23+$0xC20] =	vst v2  }
0x133: {  	v2 =	vld.idx.msk [tilespmem:v4+s22+$0x0], $0xffff;
	_ =	sdelay $0x1  }
0x134: {  	v4 =	vld [tilespmem:s23+$0x40];
	_ =	sdelay $0x2  }
0x135: {  	v2 =	vmul.f32 v3, v2;
	_ =	sdelay $0x1  }
0x136: {  	v2 =	vmul.f32 v2, v1;
	_ =	sdelay $0x1  }
0x137: {  	v3 =	vld [tilespmem:s23+$0x840];
	[tilespmem:s23+$0xC30] =	vst v2  }
0x138: {  	v2 =	vld.idx.msk [tilespmem:v4+s22+$0x0], $0xffff;
	_ =	sdelay $0x1  }
0x139: {  	v4 =	vld [tilespmem:s23+$0x50];
	_ =	sdelay $0x2  }
0x13a: {  	v2 =	vmul.f32 v3, v2;
	_ =	sdelay $0x1  }
0x13b: {  	v2 =	vmul.f32 v2, v1;
	_ =	sdelay $0x1  }
0x13c: {  	v3 =	vld [tilespmem:s23+$0x850];
	[tilespmem:s23+$0xC40] =	vst v2  }
0x13d: {  	v2 =	vld.idx.msk [tilespmem:v4+s22+$0x0], $0xffff;
	_ =	sdelay $0x1  }
0x13e: {  	v4 =	vld [tilespmem:s23+$0x60];
	_ =	sdelay $0x2  }
0x13f: {  	v2 =	vmul.f32 v3, v2;
	_ =	sdelay $0x1  }
0x140: {  	v2 =	vmul.f32 v2, v1;
	_ =	sdelay $0x1  }
0x141: {  	v3 =	vld [tilespmem:s23+$0x860];
	[tilespmem:s23+$0xC50] =	vst v2  }
0x142: {  	v2 =	vld.idx.msk [tilespmem:v4+s22+$0x0], $0xffff;
	_ =	sdelay $0x1  }
0x143: {  	v4 =	vld [tilespmem:s23+$0x70];
	_ =	sdelay $0x2  }
0x144: {  	v2 =	vmul.f32 v3, v2;
	_ =	sdelay $0x1  }
0x145: {  	v2 =	vmul.f32 v2, v1;
	_ =	sdelay $0x1  }
0x146: {  	v3 =	vld [tilespmem:s23+$0x870];
	[tilespmem:s23+$0xC60] =	vst v2  }
0x147: {  	v2 =	vld.idx.msk [tilespmem:v4+s22+$0x0], $0xffff  }
0x148: {  	s25 =	simm.s32 $0x80;
	s4 =	simm.s32 $0x400  }
.LBB2_5:
0x149: {  	p1 =	sne.s32 s4, $0xE00;
	v4 =	vld [tilespmem:s25+$0x0];
	_ =	sdelay $0x2  }
0x14a: {  	v2 =	vmul.f32 v3, v2;
	_ =	sdelay $0x1  }
0x14b: {  	v2 =	vmul.f32 v2, v1;
	_ =	sdelay $0x1  }
0x14c: {  	[tilespmem:s23+$0xC70] =	vst v2;
	s23 =	smov.u32 s25  }
0x14d: {  	v2 =	vld.idx.msk [tilespmem:v4+s22+$0x0], $0xffff  }
0x14e: {  	v3 =	vld [tilespmem:s23+$0x800];
	_ =	sdelay $0x1  }
0x14f: {  	v4 =	vld [tilespmem:s23+$0x10];
	_ =	sdelay $0x2  }
0x150: {  	v2 =	vmul.f32 v3, v2;
	_ =	sdelay $0x1  }
0x151: {  	v2 =	vmul.f32 v2, v1;
	_ =	sdelay $0x1  }
0x152: {  	[tilespmem:s23+$0xC00] =	vst v2  }
0x153: {  	v2 =	vld.idx.msk [tilespmem:v4+s22+$0x0], $0xffff  }
0x154: {  	v3 =	vld [tilespmem:s23+$0x810];
	_ =	sdelay $0x1  }
0x155: {  	v4 =	vld [tilespmem:s23+$0x20];
	_ =	sdelay $0x2  }
0x156: {  	v2 =	vmul.f32 v3, v2;
	_ =	sdelay $0x1  }
0x157: {  	v2 =	vmul.f32 v2, v1;
	_ =	sdelay $0x1  }
0x158: {  	[tilespmem:s23+$0xC10] =	vst v2  }
0x159: {  	v2 =	vld.idx.msk [tilespmem:v4+s22+$0x0], $0xffff  }
0x15a: {  	v3 =	vld [tilespmem:s23+$0x820];
	_ =	sdelay $0x1  }
0x15b: {  	v4 =	vld [tilespmem:s23+$0x30];
	_ =	sdelay $0x2  }
0x15c: {  	v2 =	vmul.f32 v3, v2;
	_ =	sdelay $0x1  }
0x15d: {  	v2 =	vmul.f32 v2, v1;
	_ =	sdelay $0x1  }
0x15e: {  	[tilespmem:s23+$0xC20] =	vst v2  }
0x15f: {  	v2 =	vld.idx.msk [tilespmem:v4+s22+$0x0], $0xffff  }
0x160: {  	v3 =	vld [tilespmem:s23+$0x830];
	_ =	sdelay $0x1  }
0x161: {  	v4 =	vld [tilespmem:s23+$0x40];
	_ =	sdelay $0x2  }
0x162: {  	v2 =	vmul.f32 v3, v2;
	_ =	sdelay $0x1  }
0x163: {  	v2 =	vmul.f32 v2, v1;
	_ =	sdelay $0x1  }
0x164: {  	[tilespmem:s23+$0xC30] =	vst v2  }
0x165: {  	v2 =	vld.idx.msk [tilespmem:v4+s22+$0x0], $0xffff  }
0x166: {  	v3 =	vld [tilespmem:s23+$0x840];
	_ =	sdelay $0x1  }
0x167: {  	v4 =	vld [tilespmem:s23+$0x50];
	_ =	sdelay $0x2  }
0x168: {  	v2 =	vmul.f32 v3, v2;
	_ =	sdelay $0x1  }
0x169: {  	v2 =	vmul.f32 v2, v1;
	_ =	sdelay $0x1  }
0x16a: {  	[tilespmem:s23+$0xC40] =	vst v2  }
0x16b: {  	v2 =	vld.idx.msk [tilespmem:v4+s22+$0x0], $0xffff  }
0x16c: {  	v3 =	vld [tilespmem:s23+$0x850];
	_ =	sdelay $0x1  }
0x16d: {  	v4 =	vld [tilespmem:s23+$0x60];
	_ =	sdelay $0x2  }
0x16e: {  	v2 =	vmul.f32 v3, v2;
	_ =	sdelay $0x1  }
0x16f: {  	v2 =	vmul.f32 v2, v1;
	_ =	sdelay $0x1  }
0x170: {  	[tilespmem:s23+$0xC50] =	vst v2  }
0x171: {  	v2 =	vld.idx.msk [tilespmem:v4+s22+$0x0], $0xffff  }
0x172: {  	v3 =	vld [tilespmem:s23+$0x860];
	_ =	sdelay $0x1  }
0x173: {  	v4 =	vld [tilespmem:s23+$0x70];
	_ =	sdelay $0x2  }
0x174: {  	v2 =	vmul.f32 v3, v2;
	_ =	sdelay $0x1  }
0x175: {  	v2 =	vmul.f32 v2, v1  }
.Ltmp5:
0x176: {  	(pc) =	sbr.rel @p1 .LBB2_5-.Ltmp5, $4  }
0x177: {  	[tilespmem:s23+$0xC60] =	vst v2  }
0x178: {  	v2 =	vld.idx.msk [tilespmem:v4+s22+$0x0], $0xffff  }
0x179: {  	v3 =	vld [tilespmem:s23+$0x870]  }
0x17a: {  	s25 =	sshra.s32 s4, $0x2;
	s4 =	sadd.s32 $0x200, s4  }
0x17b: {  	v4 =	vld [tilespmem:s25+$0x0];
	_ =	sdelay $0x2  }
0x17c: {  	v2 =	vmul.f32 v3, v2;
	_ =	sdelay $0x1  }
0x17d: {  	v2 =	vmul.f32 v2, v1;
	_ =	sdelay $0x1  }
0x17e: {  	[tilespmem:s23+$0xC70] =	vst v2  }
0x17f: {  	v2 =	vld.idx.msk [tilespmem:v4+s22+$0x0], $0xffff  }
0x180: {  	v3 =	vld [tilespmem:s25+$0x800];
	_ =	sdelay $0x1  }
0x181: {  	v57 =	vld [tilespmem:s25+$0x10];
	_ =	sdelay $0x2  }
0x182: {  	v2 =	vmul.f32 v3, v2;
	_ =	sdelay $0x1  }
0x183: {  	v2 =	vmul.f32 v2, v1;
	_ =	sdelay $0x1  }
0x184: {  	v3 =	vld [tilespmem:s25+$0x810];
	[tilespmem:s25+$0xC00] =	vst v2  }
0x185: {  	v2 =	vld.idx.msk [tilespmem:v57+s22+$0x0], $0xffff;
	_ =	sdelay $0x1  }
0x186: {  	v58 =	vld [tilespmem:s25+$0x20];
	_ =	sdelay $0x2  }
0x187: {  	v2 =	vmul.f32 v3, v2;
	_ =	sdelay $0x1  }
0x188: {  	v2 =	vmul.f32 v2, v1;
	_ =	sdelay $0x1  }
0x189: {  	v3 =	vld [tilespmem:s25+$0x820];
	[tilespmem:s25+$0xC10] =	vst v2  }
0x18a: {  	v2 =	vld.idx.msk [tilespmem:v58+s22+$0x0], $0xffff;
	_ =	sdelay $0x1  }
0x18b: {  	v59 =	vld [tilespmem:s25+$0x30];
	_ =	sdelay $0x2  }
0x18c: {  	v2 =	vmul.f32 v3, v2;
	_ =	sdelay $0x1  }
0x18d: {  	v2 =	vmul.f32 v2, v1;
	_ =	sdelay $0x1  }
0x18e: {  	v3 =	vld [tilespmem:s25+$0x830];
	[tilespmem:s25+$0xC20] =	vst v2  }
0x18f: {  	v2 =	vld.idx.msk [tilespmem:v59+s22+$0x0], $0xffff;
	_ =	sdelay $0x1  }
0x190: {  	v60 =	vld [tilespmem:s25+$0x40];
	_ =	sdelay $0x2  }
0x191: {  	v2 =	vmul.f32 v3, v2;
	_ =	sdelay $0x1  }
0x192: {  	v2 =	vmul.f32 v2, v1;
	_ =	sdelay $0x1  }
0x193: {  	v3 =	vld [tilespmem:s25+$0x840];
	[tilespmem:s25+$0xC30] =	vst v2  }
0x194: {  	v2 =	vld.idx.msk [tilespmem:v60+s22+$0x0], $0xffff;
	_ =	sdelay $0x1  }
0x195: {  	v61 =	vld [tilespmem:s25+$0x50];
	_ =	sdelay $0x2  }
0x196: {  	v2 =	vmul.f32 v3, v2;
	_ =	sdelay $0x1  }
0x197: {  	v2 =	vmul.f32 v2, v1;
	_ =	sdelay $0x1  }
0x198: {  	v3 =	vld [tilespmem:s25+$0x850];
	[tilespmem:s25+$0xC40] =	vst v2  }
0x199: {  	v2 =	vld.idx.msk [tilespmem:v61+s22+$0x0], $0xffff;
	_ =	sdelay $0x1  }
0x19a: {  	v62 =	vld [tilespmem:s25+$0x60];
	_ =	sdelay $0x2  }
0x19b: {  	v2 =	vmul.f32 v3, v2;
	_ =	sdelay $0x1  }
0x19c: {  	v2 =	vmul.f32 v2, v1;
	_ =	sdelay $0x1  }
0x19d: {  	v3 =	vld [tilespmem:s25+$0x860];
	[tilespmem:s25+$0xC50] =	vst v2  }
0x19e: {  	v2 =	vld.idx.msk [tilespmem:v62+s22+$0x0], $0xffff;
	_ =	sdelay $0x1  }
0x19f: {  	v63 =	vld [tilespmem:s25+$0x70];
	_ =	sdelay $0x2  }
0x1a0: {  	v2 =	vmul.f32 v3, v2;
	_ =	sdelay $0x1  }
0x1a1: {  	v2 =	vmul.f32 v2, v1;
	_ =	sdelay $0x1  }
0x1a2: {  	v3 =	vld [tilespmem:s25+$0x870];
	[tilespmem:s25+$0xC60] =	vst v2  }
0x1a3: {  	v2 =	vld.idx.msk [tilespmem:v63+s22+$0x0], $0xffff;
	_ =	sdelay $0x4  }
0x1a4: {  	v2 =	vmul.f32 v3, v2;
	_ =	sdelay $0x1  }
0x1a5: {  	v1 =	vmul.f32 v2, v1;
	_ =	sdelay $0x1  }
0x1a6: {  	s4 =	simm.s32 $0xC00;
	[tilespmem:s25+$0xC70] =	vst v1  }
0x1a7: {  	[spmem:s5] =	stream.indirect.scatter.add.f32 [tilespmem:s4], [sflag:$0x4], $0x1, s29, s26, $0xb8;
	[tilespmem:$0x1D970] =	vst v63  }
0x1a8: {  	s8 =	simm.s32 $0x480;
	s6 =	simm.s32 $0xC80  }
0x1a9: {  	[spmem:s5] =	stream.indirect.scatter.add.f32 [tilespmem:s6], [sflag:$0x4], $0x1, s8, s26, $0xb8;
	[tilespmem:$0x1D970] =	vst v63  }
0x1aa: {  	s10 =	simm.s32 $0x500;
	s23 =	simm.s32 $0xD00  }
0x1ab: {  	[spmem:s5] =	stream.indirect.scatter.add.f32 [tilespmem:s23], [sflag:$0x4], $0x1, s10, s26, $0xb8;
	[tilespmem:$0x1D970] =	vst v63  }
0x1ac: {  	s30 =	simm.s32 $0xD80;
	s25 =	simm.s32 $0x580  }
0x1ad: {  	[spmem:s5] =	stream.indirect.scatter.add.f32 [tilespmem:s30], [sflag:$0x4], $0x1, s25, s26, $0xb8;
	[tilespmem:$0x1D970] =	vst v63  }
0x1ae: {  	s31 =	simm.s32 $0x600  }
0x1af: {  	[spmem:s5] =	stream.indirect.scatter.add.f32 [tilespmem:s11], [sflag:$0x4], $0x1, s31, s26, $0xb8;
	[tilespmem:$0x1D970] =	vst v63  }
0x1b0: {  	p1 =	slt.u32 s1, s13  }
0x1b1: {  	[spmem:s5] =	stream.indirect.scatter.add.f32 [tilespmem:s15], [sflag:$0x4], $0x1, s12, s26, $0xb8;
	[tilespmem:$0x1D970] =	vst v63  }
.Ltmp6:
0x1b2: {  	_ = 	snop;
	(pc) =	sbr.rel @!p1 .LBB2_7-.Ltmp6, $4  }
0x1b3: {  	_ = 	snop  }
0x1b4: {  	[spmem:s5] =	stream.indirect.scatter.add.f32 [tilespmem:s28], [sflag:$0x4], $0x1, s16, s26, $0xb8;
	[tilespmem:$0x1D970] =	vst v63  }
0x1b5: {  	_ = 	snop  }
0x1b6: {  	[spmem:s5] =	stream.indirect.scatter.add.f32 [tilespmem:s18], [sflag:$0x4], $0x1, s17, s26, $0xb8;
	[tilespmem:$0x1D970] =	vst v63  }
0x1b7: {  	s4 =	simm.s32 @!p0 $0x6  }
0x1b8: {  	_ =	swait.ge @!p0 [sflag:s4], $0x80  }
0x1b9: {  	[sflag:s4] =	ssyncset.done @!p0 $0x0  }
0x1ba: {  	[sflag:s4] =	ssyncadd.s32 @!p0 $0xFFFFFF80  }
0x1bb: {  	_ =	swait.ge @!p0 [sflag:s4], $0x80  }
0x1bc: {  	[sflag:s4] =	ssyncset.done @!p0 $0x0  }
0x1bd: {  	[sflag:s4] =	ssyncadd.s32 @!p0 $0xFFFFFF80  }
0x1be: {  	_ =	swait.ge @!p0 [sflag:s4], $0x80  }
0x1bf: {  	[sflag:s4] =	ssyncset.done @!p0 $0x0  }
0x1c0: {  	s23 =	sadd.s32 $0x2, s9;
	[sflag:s4] =	ssyncadd.s32 @!p0 $0xFFFFFF80  }
0x1c1: {  	p1 =	sge.u32 s23, s13;
	_ =	swait.ge @!p0 [sflag:s4], $0x80  }
0x1c2: {  	s6 =	sadd.s32 @!p1 s7, s23;
	[sflag:s4] =	ssyncset.done @!p0 $0x0  }
0x1c3: {  	s8 =	smulhi.u32 @!p1 $0x4F8B588F, s6;
	[sflag:s4] =	ssyncadd.s32 @!p0 $0xFFFFFF80  }
0x1c4: {  	_ =	swait.ge @!p0 [sflag:s4], $0x80  }
0x1c5: {  	s25 =	ssub.s32 @!p1 s6, s8;
	[sflag:s4] =	ssyncset.done @!p0 $0x0  }
0x1c6: {  	s25 =	sshrl.u32 @!p1 s25, $0x1;
	[sflag:s4] =	ssyncadd.s32 @!p0 $0xFFFFFF80  }
0x1c7: {  	s8 =	sadd.s32 @!p1 s8, s25;
	_ =	swait.ge @!p0 [sflag:s4], $0x80  }
0x1c8: {  	s25 =	sshrl.u32 @!p1 s8, $0xB;
	[sflag:s4] =	ssyncset.done @!p0 $0x0  }
0x1c9: {  	s30 =	smul.u32 @!p1 $0x3FF3CB, s25;
	[sflag:s4] =	ssyncadd.s32 @!p0 $0xFFFFFF80  }
0x1ca: {  	_ =	swait.ge @!p0 [sflag:s4], $0x80  }
0x1cb: {  	s25 =	smul.u32 @!p1 $0x61A800, s25;
	s6 =	sadd.s32 @!p1 s6, s30;
	[sflag:s4] =	ssyncset.done @!p0 $0x0  }
0x1cc: {  	s30 =	sshll.u32 @!p1 s6, $0xB;
	[sflag:s4] =	ssyncadd.s32 @!p0 $0xFFFFFF80  }
0x1cd: {  	s31 =	simm.s32 @!p1 $0x100;
	s25 =	sadd.s32 @!p1 s25, s30;
	_ =	swait.ge @!p0 [sflag:s4], $0x80  }
0x1ce: {  	s10 =	simm.s32 @!p1 $0x2000;
	s25 =	sshrl.u32 @!p1 s25, $0x3;
	[sflag:s4] =	ssyncset.done @!p0 $0x0  }
0x1cf: {  	s30 =	simm.s32 @!p1 $0x80;
	[sflag:s4] =	ssyncadd.s32 @!p0 $0xFFFFFF80;
	s4 =	sadd.s32 @!p1 s0, s25  }
0x1d0: {  	[tilespmem:s10], [sflag:$0x3] =	stream.strided.gather @!p1 [hbm4b:s4+s30], $0x400, s31, s30, $0x38;
	[tilespmem:$0x1D970] =	vst v63  }
0x1d1: {  	s4 =	sadd.s32 @!p1 s25, s14;
	s10 =	simm.s32 @!p1 $0x2400  }
0x1d2: {  	[tilespmem:s10], [sflag:$0x3] =	stream.strided.gather @!p1 [hbm4b:s4+s30], $0x400, s31, s30, $0x38;
	[tilespmem:$0x1D970] =	vst v63  }
0x1d3: {  	s4 =	sshrl.u32 @!p1 s8, $0x4  }
0x1d4: {  	s6 =	sshll.u32 @!p1 s6, $0xC;
	s4 =	sand.u32 @!p1 $0x180, s4  }
0x1d5: {  	s4 =	sor.u32 @!p1 s4, s6  }
0x1d6: {  	s4 =	sshrl.u32 @!p1 s4, $0x3  }
0x1d7: {  	s8 =	simm.s32 @!p1 $0x2800;
	s6 =	simm.s32 @!p1 $0x200;
	s4 =	sadd.s32 @!p1 s2, s4  }
0x1d8: {  	[tilespmem:s8], [sflag:$0x3] =	stream.strided.gather @!p1 [hbm4b:s4+s30], $0x400, s6, s30, $0x38;
	[tilespmem:$0x1D970] =	vst v63  }
0x1d9: {  	_ =	swait.ge [sflag:s19], $0x400  }
0x1da: {  	[sflag:s19] =	ssyncset.done $0x0  }
0x1db: {  	[sflag:s19] =	ssyncadd.s32 $0xFFFFFC00  }
0x1dc: {  	_ =	swait.ge [sflag:s19], $0x400  }
0x1dd: {  	[sflag:s19] =	ssyncset.done $0x0  }
0x1de: {  	[sflag:s19] =	ssyncadd.s32 $0xFFFFFC00  }
0x1df: {  	_ =	swait.ge [sflag:s19], $0x400  }
0x1e0: {  	[sflag:s19] =	ssyncset.done $0x0  }
0x1e1: {  	s4 =	simm.s32 $0x0;
	[sflag:s19] =	ssyncadd.s32 $0xFFFFFC00  }
0x1e2: {  	v1 =	vld [tilespmem:s4+$0x1000];
	_ =	sdelay $0x1  }
0x1e3: {  	s1 =	sadd.s32 s7, s1  }
0x1e4: {  	s31 =	smulhi.u32 $0x4F8B588F, s1;
	_ =	sdelay $0x1  }
0x1e5: {  	s1 =	ssub.s32 s1, s31  }
0x1e6: {  	s1 =	sshrl.u32 s1, $0x1  }
0x1e7: {  	s1 =	sadd.s32 s31, s1;
	v3 =	vld [tilespmem:s4+$0x1800]  }
0x1e8: {  	s1 =	sshrl.u32 s1, $0x4;
	v2 =	vld.idx.msk [tilespmem:v1+s22+$0x0], $0xffff  }
0x1e9: {  	s1 =	sand.u32 $0xFFFFF80, s1;
	v4 =	vld [tilespmem:s4+$0x1010]  }
0x1ea: {  	v1 =	vld [tilespmem:s1+$0x3800];
	_ =	sdelay $0x2  }
0x1eb: {  	v2 =	vmul.f32 v3, v2;
	_ =	sdelay $0x1  }
0x1ec: {  	v2 =	vmul.f32 v2, v1;
	_ =	sdelay $0x1  }
0x1ed: {  	v3 =	vld [tilespmem:s4+$0x1810];
	[tilespmem:s4+$0x1C00] =	vst v2  }
0x1ee: {  	v2 =	vld.idx.msk [tilespmem:v4+s22+$0x0], $0xffff;
	_ =	sdelay $0x1  }
0x1ef: {  	v4 =	vld [tilespmem:s4+$0x1020];
	_ =	sdelay $0x2  }
0x1f0: {  	v2 =	vmul.f32 v3, v2;
	_ =	sdelay $0x1  }
0x1f1: {  	v2 =	vmul.f32 v2, v1;
	_ =	sdelay $0x1  }
0x1f2: {  	v3 =	vld [tilespmem:s4+$0x1820];
	[tilespmem:s4+$0x1C10] =	vst v2  }
0x1f3: {  	v2 =	vld.idx.msk [tilespmem:v4+s22+$0x0], $0xffff;
	_ =	sdelay $0x1  }
0x1f4: {  	v4 =	vld [tilespmem:s4+$0x1030];
	_ =	sdelay $0x2  }
0x1f5: {  	v2 =	vmul.f32 v3, v2;
	_ =	sdelay $0x1  }
0x1f6: {  	v2 =	vmul.f32 v2, v1;
	_ =	sdelay $0x1  }
0x1f7: {  	v3 =	vld [tilespmem:s4+$0x1830];
	[tilespmem:s4+$0x1C20] =	vst v2  }
0x1f8: {  	v2 =	vld.idx.msk [tilespmem:v4+s22+$0x0], $0xffff;
	_ =	sdelay $0x1  }
0x1f9: {  	v4 =	vld [tilespmem:s4+$0x1040];
	_ =	sdelay $0x2  }
0x1fa: {  	v2 =	vmul.f32 v3, v2;
	_ =	sdelay $0x1  }
0x1fb: {  	v2 =	vmul.f32 v2, v1;
	_ =	sdelay $0x1  }
0x1fc: {  	v3 =	vld [tilespmem:s4+$0x1840];
	[tilespmem:s4+$0x1C30] =	vst v2  }
0x1fd: {  	v2 =	vld.idx.msk [tilespmem:v4+s22+$0x0], $0xffff;
	_ =	sdelay $0x1  }
0x1fe: {  	v4 =	vld [tilespmem:s4+$0x1050];
	_ =	sdelay $0x2  }
0x1ff: {  	v2 =	vmul.f32 v3, v2;
	_ =	sdelay $0x1  }
0x200: {  	v2 =	vmul.f32 v2, v1;
	_ =	sdelay $0x1  }
0x201: {  	v3 =	vld [tilespmem:s4+$0x1850];
	[tilespmem:s4+$0x1C40] =	vst v2  }
0x202: {  	v2 =	vld.idx.msk [tilespmem:v4+s22+$0x0], $0xffff;
	_ =	sdelay $0x1  }
0x203: {  	v4 =	vld [tilespmem:s4+$0x1060];
	_ =	sdelay $0x2  }
0x204: {  	v2 =	vmul.f32 v3, v2;
	_ =	sdelay $0x1  }
0x205: {  	v2 =	vmul.f32 v2, v1;
	_ =	sdelay $0x1  }
0x206: {  	v3 =	vld [tilespmem:s4+$0x1860];
	[tilespmem:s4+$0x1C50] =	vst v2  }
0x207: {  	v2 =	vld.idx.msk [tilespmem:v4+s22+$0x0], $0xffff;
	_ =	sdelay $0x1  }
0x208: {  	v4 =	vld [tilespmem:s4+$0x1070];
	_ =	sdelay $0x2  }
0x209: {  	v2 =	vmul.f32 v3, v2;
	_ =	sdelay $0x1  }
0x20a: {  	v2 =	vmul.f32 v2, v1;
	_ =	sdelay $0x1  }
0x20b: {  	v3 =	vld [tilespmem:s4+$0x1870];
	[tilespmem:s4+$0x1C60] =	vst v2  }
0x20c: {  	v2 =	vld.idx.msk [tilespmem:v4+s22+$0x0], $0xffff  }
0x20d: {  	s25 =	simm.s32 $0x80;
	s1 =	simm.s32 $0x400  }
.LBB2_9:
0x20e: {  	p0 =	sne.s32 s1, $0xE00;
	v4 =	vld [tilespmem:s25+$0x1000];
	_ =	sdelay $0x2  }
0x20f: {  	v2 =	vmul.f32 v3, v2;
	_ =	sdelay $0x1  }
0x210: {  	v2 =	vmul.f32 v2, v1;
	_ =	sdelay $0x1  }
0x211: {  	[tilespmem:s4+$0x1C70] =	vst v2;
	s4 =	smov.u32 s25  }
0x212: {  	v2 =	vld.idx.msk [tilespmem:v4+s22+$0x0], $0xffff  }
0x213: {  	v3 =	vld [tilespmem:s4+$0x1800];
	_ =	sdelay $0x1  }
0x214: {  	v4 =	vld [tilespmem:s4+$0x1010];
	_ =	sdelay $0x2  }
0x215: {  	v2 =	vmul.f32 v3, v2;
	_ =	sdelay $0x1  }
0x216: {  	v2 =	vmul.f32 v2, v1;
	_ =	sdelay $0x1  }
0x217: {  	[tilespmem:s4+$0x1C00] =	vst v2  }
0x218: {  	v2 =	vld.idx.msk [tilespmem:v4+s22+$0x0], $0xffff  }
0x219: {  	v3 =	vld [tilespmem:s4+$0x1810];
	_ =	sdelay $0x1  }
0x21a: {  	v4 =	vld [tilespmem:s4+$0x1020];
	_ =	sdelay $0x2  }
0x21b: {  	v2 =	vmul.f32 v3, v2;
	_ =	sdelay $0x1  }
0x21c: {  	v2 =	vmul.f32 v2, v1;
	_ =	sdelay $0x1  }
0x21d: {  	[tilespmem:s4+$0x1C10] =	vst v2  }
0x21e: {  	v2 =	vld.idx.msk [tilespmem:v4+s22+$0x0], $0xffff  }
0x21f: {  	v3 =	vld [tilespmem:s4+$0x1820];
	_ =	sdelay $0x1  }
0x220: {  	v4 =	vld [tilespmem:s4+$0x1030];
	_ =	sdelay $0x2  }
0x221: {  	v2 =	vmul.f32 v3, v2;
	_ =	sdelay $0x1  }
0x222: {  	v2 =	vmul.f32 v2, v1;
	_ =	sdelay $0x1  }
0x223: {  	[tilespmem:s4+$0x1C20] =	vst v2  }
0x224: {  	v2 =	vld.idx.msk [tilespmem:v4+s22+$0x0], $0xffff  }
0x225: {  	v3 =	vld [tilespmem:s4+$0x1830];
	_ =	sdelay $0x1  }
0x226: {  	v4 =	vld [tilespmem:s4+$0x1040];
	_ =	sdelay $0x2  }
0x227: {  	v2 =	vmul.f32 v3, v2;
	_ =	sdelay $0x1  }
0x228: {  	v2 =	vmul.f32 v2, v1;
	_ =	sdelay $0x1  }
0x229: {  	[tilespmem:s4+$0x1C30] =	vst v2  }
0x22a: {  	v2 =	vld.idx.msk [tilespmem:v4+s22+$0x0], $0xffff  }
0x22b: {  	v3 =	vld [tilespmem:s4+$0x1840];
	_ =	sdelay $0x1  }
0x22c: {  	v4 =	vld [tilespmem:s4+$0x1050];
	_ =	sdelay $0x2  }
0x22d: {  	v2 =	vmul.f32 v3, v2;
	_ =	sdelay $0x1  }
0x22e: {  	v2 =	vmul.f32 v2, v1;
	_ =	sdelay $0x1  }
0x22f: {  	[tilespmem:s4+$0x1C40] =	vst v2  }
0x230: {  	v2 =	vld.idx.msk [tilespmem:v4+s22+$0x0], $0xffff  }
0x231: {  	v3 =	vld [tilespmem:s4+$0x1850];
	_ =	sdelay $0x1  }
0x232: {  	v4 =	vld [tilespmem:s4+$0x1060];
	_ =	sdelay $0x2  }
0x233: {  	v2 =	vmul.f32 v3, v2;
	_ =	sdelay $0x1  }
0x234: {  	v2 =	vmul.f32 v2, v1;
	_ =	sdelay $0x1  }
0x235: {  	[tilespmem:s4+$0x1C50] =	vst v2  }
0x236: {  	v2 =	vld.idx.msk [tilespmem:v4+s22+$0x0], $0xffff  }
0x237: {  	v3 =	vld [tilespmem:s4+$0x1860];
	_ =	sdelay $0x1  }
0x238: {  	v4 =	vld [tilespmem:s4+$0x1070];
	_ =	sdelay $0x2  }
0x239: {  	v2 =	vmul.f32 v3, v2;
	_ =	sdelay $0x1  }
0x23a: {  	v2 =	vmul.f32 v2, v1  }
.Ltmp7:
0x23b: {  	(pc) =	sbr.rel @p0 .LBB2_9-.Ltmp7, $4  }
0x23c: {  	[tilespmem:s4+$0x1C60] =	vst v2  }
0x23d: {  	v2 =	vld.idx.msk [tilespmem:v4+s22+$0x0], $0xffff  }
0x23e: {  	v3 =	vld [tilespmem:s4+$0x1870]  }
0x23f: {  	s25 =	sshra.s32 s1, $0x2;
	s1 =	sadd.s32 $0x200, s1  }
0x240: {  	v4 =	vld [tilespmem:s25+$0x1000];
	_ =	sdelay $0x2  }
0x241: {  	v2 =	vmul.f32 v3, v2;
	_ =	sdelay $0x1  }
0x242: {  	v2 =	vmul.f32 v2, v1;
	_ =	sdelay $0x1  }
0x243: {  	[tilespmem:s4+$0x1C70] =	vst v2  }
0x244: {  	v2 =	vld.idx.msk [tilespmem:v4+s22+$0x0], $0xffff  }
0x245: {  	v3 =	vld [tilespmem:s25+$0x1800];
	_ =	sdelay $0x1  }
0x246: {  	v57 =	vld [tilespmem:s25+$0x1010];
	_ =	sdelay $0x2  }
0x247: {  	v2 =	vmul.f32 v3, v2;
	_ =	sdelay $0x1  }
0x248: {  	v2 =	vmul.f32 v2, v1;
	_ =	sdelay $0x1  }
0x249: {  	v3 =	vld [tilespmem:s25+$0x1810];
	[tilespmem:s25+$0x1C00] =	vst v2  }
0x24a: {  	v2 =	vld.idx.msk [tilespmem:v57+s22+$0x0], $0xffff;
	_ =	sdelay $0x1  }
0x24b: {  	v58 =	vld [tilespmem:s25+$0x1020];
	_ =	sdelay $0x2  }
0x24c: {  	v2 =	vmul.f32 v3, v2;
	_ =	sdelay $0x1  }
0x24d: {  	v2 =	vmul.f32 v2, v1;
	_ =	sdelay $0x1  }
0x24e: {  	v3 =	vld [tilespmem:s25+$0x1820];
	[tilespmem:s25+$0x1C10] =	vst v2  }
0x24f: {  	v2 =	vld.idx.msk [tilespmem:v58+s22+$0x0], $0xffff;
	_ =	sdelay $0x1  }
0x250: {  	v59 =	vld [tilespmem:s25+$0x1030];
	_ =	sdelay $0x2  }
0x251: {  	v2 =	vmul.f32 v3, v2;
	_ =	sdelay $0x1  }
0x252: {  	v2 =	vmul.f32 v2, v1;
	_ =	sdelay $0x1  }
0x253: {  	v3 =	vld [tilespmem:s25+$0x1830];
	[tilespmem:s25+$0x1C20] =	vst v2  }
0x254: {  	v2 =	vld.idx.msk [tilespmem:v59+s22+$0x0], $0xffff;
	_ =	sdelay $0x1  }
0x255: {  	v60 =	vld [tilespmem:s25+$0x1040];
	_ =	sdelay $0x2  }
0x256: {  	v2 =	vmul.f32 v3, v2;
	_ =	sdelay $0x1  }
0x257: {  	v2 =	vmul.f32 v2, v1;
	_ =	sdelay $0x1  }
0x258: {  	v3 =	vld [tilespmem:s25+$0x1840];
	[tilespmem:s25+$0x1C30] =	vst v2  }
0x259: {  	v2 =	vld.idx.msk [tilespmem:v60+s22+$0x0], $0xffff;
	_ =	sdelay $0x1  }
0x25a: {  	v61 =	vld [tilespmem:s25+$0x1050];
	_ =	sdelay $0x2  }
0x25b: {  	v2 =	vmul.f32 v3, v2;
	_ =	sdelay $0x1  }
0x25c: {  	v2 =	vmul.f32 v2, v1;
	_ =	sdelay $0x1  }
0x25d: {  	v3 =	vld [tilespmem:s25+$0x1850];
	[tilespmem:s25+$0x1C40] =	vst v2  }
0x25e: {  	v2 =	vld.idx.msk [tilespmem:v61+s22+$0x0], $0xffff;
	_ =	sdelay $0x1  }
0x25f: {  	v62 =	vld [tilespmem:s25+$0x1060];
	_ =	sdelay $0x2  }
0x260: {  	v2 =	vmul.f32 v3, v2;
	_ =	sdelay $0x1  }
0x261: {  	v2 =	vmul.f32 v2, v1;
	_ =	sdelay $0x1  }
0x262: {  	v3 =	vld [tilespmem:s25+$0x1860];
	[tilespmem:s25+$0x1C50] =	vst v2  }
0x263: {  	v2 =	vld.idx.msk [tilespmem:v62+s22+$0x0], $0xffff;
	_ =	sdelay $0x1  }
0x264: {  	v63 =	vld [tilespmem:s25+$0x1070];
	_ =	sdelay $0x2  }
0x265: {  	v2 =	vmul.f32 v3, v2;
	_ =	sdelay $0x1  }
0x266: {  	v2 =	vmul.f32 v2, v1;
	_ =	sdelay $0x1  }
0x267: {  	v3 =	vld [tilespmem:s25+$0x1870];
	[tilespmem:s25+$0x1C60] =	vst v2  }
0x268: {  	v2 =	vld.idx.msk [tilespmem:v63+s22+$0x0], $0xffff;
	_ =	sdelay $0x4  }
0x269: {  	v2 =	vmul.f32 v3, v2;
	_ =	sdelay $0x1  }
0x26a: {  	v1 =	vmul.f32 v2, v1;
	_ =	sdelay $0x1  }
0x26b: {  	s1 =	simm.s32 $0x1400;
	[tilespmem:s25+$0x1C70] =	vst v1;
	s25 =	simm.s32 $0x1C00  }
0x26c: {  	[spmem:s5] =	stream.indirect.scatter.add.f32 [tilespmem:s25], [sflag:$0x5], $0x1, s1, s26, $0xb8;
	[tilespmem:$0x1D970] =	vst v63  }
0x26d: {  	s30 =	simm.s32 $0x1480;
	s31 =	simm.s32 $0x1C80  }
0x26e: {  	[spmem:s5] =	stream.indirect.scatter.add.f32 [tilespmem:s31], [sflag:$0x5], $0x1, s30, s26, $0xb8;
	[tilespmem:$0x1D970] =	vst v63  }
0x26f: {  	s6 =	simm.s32 $0x1500;
	s8 =	simm.s32 $0x1D00  }
0x270: {  	[spmem:s5] =	stream.indirect.scatter.add.f32 [tilespmem:s8], [sflag:$0x5], $0x1, s6, s26, $0xb8;
	[tilespmem:$0x1D970] =	vst v63  }
0x271: {  	s10 =	simm.s32 $0x1580;
	s25 =	simm.s32 $0x1D80  }
0x272: {  	[spmem:s5] =	stream.indirect.scatter.add.f32 [tilespmem:s25], [sflag:$0x5], $0x1, s10, s26, $0xb8;
	[tilespmem:$0x1D970] =	vst v63  }
0x273: {  	s30 =	simm.s32 $0x1600;
	s31 =	simm.s32 $0x1E00  }
0x274: {  	[spmem:s5] =	stream.indirect.scatter.add.f32 [tilespmem:s31], [sflag:$0x5], $0x1, s30, s26, $0xb8;
	[tilespmem:$0x1D970] =	vst v63  }
0x275: {  	s6 =	simm.s32 $0x1680;
	s8 =	simm.s32 $0x1E80  }
0x276: {  	[spmem:s5] =	stream.indirect.scatter.add.f32 [tilespmem:s8], [sflag:$0x5], $0x1, s6, s26, $0xb8;
	[tilespmem:$0x1D970] =	vst v63  }
.Ltmp8:
0x277: {  	_ = 	snop;
	(pc) =	sbr.rel .LBB2_11-.Ltmp8, $4  }
0x278: {  	s10 =	simm.s32 $0x1700;
	s25 =	simm.s32 $0x1F00  }
0x279: {  	[spmem:s5] =	stream.indirect.scatter.add.f32 [tilespmem:s25], [sflag:$0x5], $0x1, s10, s26, $0xb8;
	[tilespmem:$0x1D970] =	vst v63  }
0x27a: {  	s30 =	simm.s32 $0x1780;
	s31 =	simm.s32 $0x1F80  }
0x27b: {  	[spmem:s5] =	stream.indirect.scatter.add.f32 [tilespmem:s31], [sflag:$0x5], $0x1, s30, s26, $0xb8;
	[tilespmem:$0x1D970] =	vst v63  }
.LBB2_7:
0x27c: {  	s23 =	sadd.s32 $0x2, s9  }
.LBB2_11:
0x27d: {  	p0 =	sge.u32 s23, s13  }
.Ltmp9:
0x27e: {  	_ = 	snop;
	(pc) =	sbr.rel @p0 .LBB2_15-.Ltmp9, $1  }
0x27f: {  	_ =	sdelay $0x3  }
0x280: {  	_ =	swait.ge [sflag:s20], $0x80  }
0x281: {  	[sflag:s20] =	ssyncset.done $0x0  }
0x282: {  	[sflag:s20] =	ssyncadd.s32 $0xFFFFFF80  }
0x283: {  	_ =	swait.ge [sflag:s20], $0x80  }
0x284: {  	[sflag:s20] =	ssyncset.done $0x0  }
0x285: {  	[sflag:s20] =	ssyncadd.s32 $0xFFFFFF80  }
0x286: {  	_ =	swait.ge [sflag:s20], $0x80  }
0x287: {  	[sflag:s20] =	ssyncset.done $0x0  }
0x288: {  	s1 =	sadd.s32 $0x3, s9;
	[sflag:s20] =	ssyncadd.s32 $0xFFFFFF80  }
0x289: {  	p0 =	sge.u32 s1, s13;
	_ =	swait.ge [sflag:s20], $0x80  }
0x28a: {  	s1 =	sadd.s32 @!p0 s7, s1;
	[sflag:s20] =	ssyncset.done $0x0  }
0x28b: {  	s4 =	smulhi.u32 @!p0 $0x4F8B588F, s1;
	[sflag:s20] =	ssyncadd.s32 $0xFFFFFF80  }
0x28c: {  	_ =	swait.ge [sflag:s20], $0x80  }
0x28d: {  	s6 =	ssub.s32 @!p0 s1, s4;
	[sflag:s20] =	ssyncset.done $0x0  }
0x28e: {  	s6 =	sshrl.u32 @!p0 s6, $0x1;
	[sflag:s20] =	ssyncadd.s32 $0xFFFFFF80  }
0x28f: {  	s4 =	sadd.s32 @!p0 s4, s6;
	_ =	swait.ge [sflag:s20], $0x80  }
0x290: {  	s6 =	sshrl.u32 @!p0 s4, $0xB;
	[sflag:s20] =	ssyncset.done $0x0  }
0x291: {  	s9 =	simm.s32 @!p0 $0x80;
	s8 =	smul.u32 @!p0 $0x3FF3CB, s6;
	[sflag:s20] =	ssyncadd.s32 $0xFFFFFF80  }
0x292: {  	s10 =	simm.s32 @!p0 $0x100;
	s25 =	simm.s32 @!p0 $0x0;
	_ =	swait.ge [sflag:s20], $0x80  }
0x293: {  	s6 =	smul.u32 @!p0 $0x61A800, s6;
	s1 =	sadd.s32 @!p0 s1, s8;
	[sflag:s20] =	ssyncset.done $0x0  }
0x294: {  	s4 =	sshrl.u32 @!p0 s4, $0x4;
	s8 =	sshll.u32 @!p0 s1, $0xB;
	[sflag:s20] =	ssyncadd.s32 $0xFFFFFF80  }
0x295: {  	s4 =	sand.u32 @!p0 $0x180, s4;
	s6 =	sadd.s32 @!p0 s6, s8;
	_ =	swait.ge [sflag:s20], $0x80  }
0x296: {  	s1 =	sshll.u32 @!p0 s1, $0xC;
	s6 =	sshrl.u32 @!p0 s6, $0x3;
	[sflag:s20] =	ssyncset.done $0x0  }
0x297: {  	s1 =	sor.u32 @!p0 s4, s1;
	s8 =	sadd.s32 @!p0 s0, s6;
	[sflag:s20] =	ssyncadd.s32 $0xFFFFFF80  }
0x298: {  	[tilespmem:s25], [sflag:$0x1] =	stream.strided.gather @!p0 [hbm4b:s8+s9], $0x400, s10, s9, $0x38;
	[tilespmem:$0x1D970] =	vst v63  }
0x299: {  	s1 =	sshrl.u32 @!p0 s1, $0x3;
	s6 =	sadd.s32 @!p0 s6, s14;
	s8 =	simm.s32 @!p0 $0x400  }
0x29a: {  	[tilespmem:s8], [sflag:$0x1] =	stream.strided.gather @!p0 [hbm4b:s6+s9], $0x400, s10, s9, $0x38;
	[tilespmem:$0x1D970] =	vst v63  }
0x29b: {  	s4 =	simm.s32 @!p0 $0x200;
	s1 =	sadd.s32 @!p0 s2, s1;
	s6 =	simm.s32 @!p0 $0x800  }
0x29c: {  	[tilespmem:s6], [sflag:$0x1] =	stream.strided.gather @!p0 [hbm4b:s1+s9], $0x400, s4, s9, $0x38;
	[tilespmem:$0x1D970] =	vst v63  }
0x29d: {  	_ =	swait.ge [sflag:s21], $0x400  }
0x29e: {  	[sflag:s21] =	ssyncset.done $0x0  }
0x29f: {  	[sflag:s21] =	ssyncadd.s32 $0xFFFFFC00  }
0x2a0: {  	_ =	swait.ge [sflag:s21], $0x400  }
0x2a1: {  	[sflag:s21] =	ssyncset.done $0x0  }
0x2a2: {  	[sflag:s21] =	ssyncadd.s32 $0xFFFFFC00  }
0x2a3: {  	_ =	swait.ge [sflag:s21], $0x400  }
0x2a4: {  	[sflag:s21] =	ssyncset.done $0x0  }
0x2a5: {  	s1 =	simm.s32 $0x0;
	[sflag:s21] =	ssyncadd.s32 $0xFFFFFC00  }
0x2a6: {  	v1 =	vld [tilespmem:s1+$0x2000];
	_ =	sdelay $0x1  }
0x2a7: {  	s30 =	sadd.s32 s7, s23  }
0x2a8: {  	s31 =	smulhi.u32 $0x4F8B588F, s30;
	_ =	sdelay $0x1  }
0x2a9: {  	s4 =	ssub.s32 s30, s31  }
0x2aa: {  	s4 =	sshrl.u32 s4, $0x1  }
0x2ab: {  	s4 =	sadd.s32 s31, s4;
	v3 =	vld [tilespmem:s1+$0x2800]  }
0x2ac: {  	s4 =	sshrl.u32 s4, $0x4;
	v2 =	vld.idx.msk [tilespmem:v1+s22+$0x0], $0xffff  }
0x2ad: {  	s4 =	sand.u32 $0xFFFFF80, s4;
	v4 =	vld [tilespmem:s1+$0x2010]  }
0x2ae: {  	v1 =	vld [tilespmem:s4+$0x3800];
	_ =	sdelay $0x2  }
0x2af: {  	v2 =	vmul.f32 v3, v2;
	_ =	sdelay $0x1  }
0x2b0: {  	v2 =	vmul.f32 v2, v1;
	_ =	sdelay $0x1  }
0x2b1: {  	v3 =	vld [tilespmem:s1+$0x2810];
	[tilespmem:s1+$0x2C00] =	vst v2  }
0x2b2: {  	v2 =	vld.idx.msk [tilespmem:v4+s22+$0x0], $0xffff;
	_ =	sdelay $0x1  }
0x2b3: {  	v4 =	vld [tilespmem:s1+$0x2020];
	_ =	sdelay $0x2  }
0x2b4: {  	v2 =	vmul.f32 v3, v2;
	_ =	sdelay $0x1  }
0x2b5: {  	v2 =	vmul.f32 v2, v1;
	_ =	sdelay $0x1  }
0x2b6: {  	v3 =	vld [tilespmem:s1+$0x2820];
	[tilespmem:s1+$0x2C10] =	vst v2  }
0x2b7: {  	v2 =	vld.idx.msk [tilespmem:v4+s22+$0x0], $0xffff;
	_ =	sdelay $0x1  }
0x2b8: {  	v4 =	vld [tilespmem:s1+$0x2030];
	_ =	sdelay $0x2  }
0x2b9: {  	v2 =	vmul.f32 v3, v2;
	_ =	sdelay $0x1  }
0x2ba: {  	v2 =	vmul.f32 v2, v1;
	_ =	sdelay $0x1  }
0x2bb: {  	v3 =	vld [tilespmem:s1+$0x2830];
	[tilespmem:s1+$0x2C20] =	vst v2  }
0x2bc: {  	v2 =	vld.idx.msk [tilespmem:v4+s22+$0x0], $0xffff;
	_ =	sdelay $0x1  }
0x2bd: {  	v4 =	vld [tilespmem:s1+$0x2040];
	_ =	sdelay $0x2  }
0x2be: {  	v2 =	vmul.f32 v3, v2;
	_ =	sdelay $0x1  }
0x2bf: {  	v2 =	vmul.f32 v2, v1;
	_ =	sdelay $0x1  }
0x2c0: {  	v3 =	vld [tilespmem:s1+$0x2840];
	[tilespmem:s1+$0x2C30] =	vst v2  }
0x2c1: {  	v2 =	vld.idx.msk [tilespmem:v4+s22+$0x0], $0xffff;
	_ =	sdelay $0x1  }
0x2c2: {  	v4 =	vld [tilespmem:s1+$0x2050];
	_ =	sdelay $0x2  }
0x2c3: {  	v2 =	vmul.f32 v3, v2;
	_ =	sdelay $0x1  }
0x2c4: {  	v2 =	vmul.f32 v2, v1;
	_ =	sdelay $0x1  }
0x2c5: {  	v3 =	vld [tilespmem:s1+$0x2850];
	[tilespmem:s1+$0x2C40] =	vst v2  }
0x2c6: {  	v2 =	vld.idx.msk [tilespmem:v4+s22+$0x0], $0xffff;
	_ =	sdelay $0x1  }
0x2c7: {  	v4 =	vld [tilespmem:s1+$0x2060];
	_ =	sdelay $0x2  }
0x2c8: {  	v2 =	vmul.f32 v3, v2;
	_ =	sdelay $0x1  }
0x2c9: {  	v2 =	vmul.f32 v2, v1;
	_ =	sdelay $0x1  }
0x2ca: {  	v3 =	vld [tilespmem:s1+$0x2860];
	[tilespmem:s1+$0x2C50] =	vst v2  }
0x2cb: {  	v2 =	vld.idx.msk [tilespmem:v4+s22+$0x0], $0xffff;
	_ =	sdelay $0x1  }
0x2cc: {  	v4 =	vld [tilespmem:s1+$0x2070];
	_ =	sdelay $0x2  }
0x2cd: {  	v2 =	vmul.f32 v3, v2;
	_ =	sdelay $0x1  }
0x2ce: {  	v2 =	vmul.f32 v2, v1;
	_ =	sdelay $0x1  }
0x2cf: {  	v3 =	vld [tilespmem:s1+$0x2870];
	[tilespmem:s1+$0x2C60] =	vst v2  }
0x2d0: {  	v2 =	vld.idx.msk [tilespmem:v4+s22+$0x0], $0xffff  }
0x2d1: {  	s9 =	simm.s32 $0x80;
	s4 =	simm.s32 $0x400  }
.LBB2_13:
0x2d2: {  	p0 =	sne.s32 s4, $0xE00;
	v4 =	vld [tilespmem:s9+$0x2000];
	_ =	sdelay $0x2  }
0x2d3: {  	v2 =	vmul.f32 v3, v2;
	_ =	sdelay $0x1  }
0x2d4: {  	v2 =	vmul.f32 v2, v1;
	_ =	sdelay $0x1  }
0x2d5: {  	[tilespmem:s1+$0x2C70] =	vst v2;
	s1 =	smov.u32 s9  }
0x2d6: {  	v2 =	vld.idx.msk [tilespmem:v4+s22+$0x0], $0xffff  }
0x2d7: {  	v3 =	vld [tilespmem:s1+$0x2800];
	_ =	sdelay $0x1  }
0x2d8: {  	v4 =	vld [tilespmem:s1+$0x2010];
	_ =	sdelay $0x2  }
0x2d9: {  	v2 =	vmul.f32 v3, v2;
	_ =	sdelay $0x1  }
0x2da: {  	v2 =	vmul.f32 v2, v1;
	_ =	sdelay $0x1  }
0x2db: {  	[tilespmem:s1+$0x2C00] =	vst v2  }
0x2dc: {  	v2 =	vld.idx.msk [tilespmem:v4+s22+$0x0], $0xffff  }
0x2dd: {  	v3 =	vld [tilespmem:s1+$0x2810];
	_ =	sdelay $0x1  }
0x2de: {  	v4 =	vld [tilespmem:s1+$0x2020];
	_ =	sdelay $0x2  }
0x2df: {  	v2 =	vmul.f32 v3, v2;
	_ =	sdelay $0x1  }
0x2e0: {  	v2 =	vmul.f32 v2, v1;
	_ =	sdelay $0x1  }
0x2e1: {  	[tilespmem:s1+$0x2C10] =	vst v2  }
0x2e2: {  	v2 =	vld.idx.msk [tilespmem:v4+s22+$0x0], $0xffff  }
0x2e3: {  	v3 =	vld [tilespmem:s1+$0x2820];
	_ =	sdelay $0x1  }
0x2e4: {  	v4 =	vld [tilespmem:s1+$0x2030];
	_ =	sdelay $0x2  }
0x2e5: {  	v2 =	vmul.f32 v3, v2;
	_ =	sdelay $0x1  }
0x2e6: {  	v2 =	vmul.f32 v2, v1;
	_ =	sdelay $0x1  }
0x2e7: {  	[tilespmem:s1+$0x2C20] =	vst v2  }
0x2e8: {  	v2 =	vld.idx.msk [tilespmem:v4+s22+$0x0], $0xffff  }
0x2e9: {  	v3 =	vld [tilespmem:s1+$0x2830];
	_ =	sdelay $0x1  }
0x2ea: {  	v4 =	vld [tilespmem:s1+$0x2040];
	_ =	sdelay $0x2  }
0x2eb: {  	v2 =	vmul.f32 v3, v2;
	_ =	sdelay $0x1  }
0x2ec: {  	v2 =	vmul.f32 v2, v1;
	_ =	sdelay $0x1  }
0x2ed: {  	[tilespmem:s1+$0x2C30] =	vst v2  }
0x2ee: {  	v2 =	vld.idx.msk [tilespmem:v4+s22+$0x0], $0xffff  }
0x2ef: {  	v3 =	vld [tilespmem:s1+$0x2840];
	_ =	sdelay $0x1  }
0x2f0: {  	v4 =	vld [tilespmem:s1+$0x2050];
	_ =	sdelay $0x2  }
0x2f1: {  	v2 =	vmul.f32 v3, v2;
	_ =	sdelay $0x1  }
0x2f2: {  	v2 =	vmul.f32 v2, v1;
	_ =	sdelay $0x1  }
0x2f3: {  	[tilespmem:s1+$0x2C40] =	vst v2  }
0x2f4: {  	v2 =	vld.idx.msk [tilespmem:v4+s22+$0x0], $0xffff  }
0x2f5: {  	v3 =	vld [tilespmem:s1+$0x2850];
	_ =	sdelay $0x1  }
0x2f6: {  	v4 =	vld [tilespmem:s1+$0x2060];
	_ =	sdelay $0x2  }
0x2f7: {  	v2 =	vmul.f32 v3, v2;
	_ =	sdelay $0x1  }
0x2f8: {  	v2 =	vmul.f32 v2, v1;
	_ =	sdelay $0x1  }
0x2f9: {  	[tilespmem:s1+$0x2C50] =	vst v2  }
0x2fa: {  	v2 =	vld.idx.msk [tilespmem:v4+s22+$0x0], $0xffff  }
0x2fb: {  	v3 =	vld [tilespmem:s1+$0x2860];
	_ =	sdelay $0x1  }
0x2fc: {  	v4 =	vld [tilespmem:s1+$0x2070];
	_ =	sdelay $0x2  }
0x2fd: {  	v2 =	vmul.f32 v3, v2;
	_ =	sdelay $0x1  }
0x2fe: {  	v2 =	vmul.f32 v2, v1  }
.Ltmp10:
0x2ff: {  	(pc) =	sbr.rel @p0 .LBB2_13-.Ltmp10, $4  }
0x300: {  	[tilespmem:s1+$0x2C60] =	vst v2  }
0x301: {  	v2 =	vld.idx.msk [tilespmem:v4+s22+$0x0], $0xffff  }
0x302: {  	v3 =	vld [tilespmem:s1+$0x2870]  }
0x303: {  	s9 =	sshra.s32 s4, $0x2;
	s4 =	sadd.s32 $0x200, s4  }
0x304: {  	v4 =	vld [tilespmem:s9+$0x2000];
	_ =	sdelay $0x2  }
0x305: {  	v2 =	vmul.f32 v3, v2;
	_ =	sdelay $0x1  }
0x306: {  	v2 =	vmul.f32 v2, v1;
	_ =	sdelay $0x1  }
0x307: {  	[tilespmem:s1+$0x2C70] =	vst v2  }
0x308: {  	v2 =	vld.idx.msk [tilespmem:v4+s22+$0x0], $0xffff  }
0x309: {  	v3 =	vld [tilespmem:s9+$0x2800];
	_ =	sdelay $0x1  }
0x30a: {  	v57 =	vld [tilespmem:s9+$0x2010];
	_ =	sdelay $0x2  }
0x30b: {  	v2 =	vmul.f32 v3, v2;
	_ =	sdelay $0x1  }
0x30c: {  	v2 =	vmul.f32 v2, v1;
	_ =	sdelay $0x1  }
0x30d: {  	v3 =	vld [tilespmem:s9+$0x2810];
	[tilespmem:s9+$0x2C00] =	vst v2  }
0x30e: {  	v2 =	vld.idx.msk [tilespmem:v57+s22+$0x0], $0xffff;
	_ =	sdelay $0x1  }
0x30f: {  	v58 =	vld [tilespmem:s9+$0x2020];
	_ =	sdelay $0x2  }
0x310: {  	v2 =	vmul.f32 v3, v2;
	_ =	sdelay $0x1  }
0x311: {  	v2 =	vmul.f32 v2, v1;
	_ =	sdelay $0x1  }
0x312: {  	v3 =	vld [tilespmem:s9+$0x2820];
	[tilespmem:s9+$0x2C10] =	vst v2  }
0x313: {  	v2 =	vld.idx.msk [tilespmem:v58+s22+$0x0], $0xffff;
	_ =	sdelay $0x1  }
0x314: {  	v59 =	vld [tilespmem:s9+$0x2030];
	_ =	sdelay $0x2  }
0x315: {  	v2 =	vmul.f32 v3, v2;
	_ =	sdelay $0x1  }
0x316: {  	v2 =	vmul.f32 v2, v1;
	_ =	sdelay $0x1  }
0x317: {  	v3 =	vld [tilespmem:s9+$0x2830];
	[tilespmem:s9+$0x2C20] =	vst v2  }
0x318: {  	v2 =	vld.idx.msk [tilespmem:v59+s22+$0x0], $0xffff;
	_ =	sdelay $0x1  }
0x319: {  	v60 =	vld [tilespmem:s9+$0x2040];
	_ =	sdelay $0x2  }
0x31a: {  	v2 =	vmul.f32 v3, v2;
	_ =	sdelay $0x1  }
0x31b: {  	v2 =	vmul.f32 v2, v1;
	_ =	sdelay $0x1  }
0x31c: {  	v3 =	vld [tilespmem:s9+$0x2840];
	[tilespmem:s9+$0x2C30] =	vst v2  }
0x31d: {  	v2 =	vld.idx.msk [tilespmem:v60+s22+$0x0], $0xffff;
	_ =	sdelay $0x1  }
0x31e: {  	v61 =	vld [tilespmem:s9+$0x2050];
	_ =	sdelay $0x2  }
0x31f: {  	v2 =	vmul.f32 v3, v2;
	_ =	sdelay $0x1  }
0x320: {  	v2 =	vmul.f32 v2, v1;
	_ =	sdelay $0x1  }
0x321: {  	v3 =	vld [tilespmem:s9+$0x2850];
	[tilespmem:s9+$0x2C40] =	vst v2  }
0x322: {  	v2 =	vld.idx.msk [tilespmem:v61+s22+$0x0], $0xffff;
	_ =	sdelay $0x1  }
0x323: {  	v62 =	vld [tilespmem:s9+$0x2060];
	_ =	sdelay $0x2  }
0x324: {  	v2 =	vmul.f32 v3, v2;
	_ =	sdelay $0x1  }
0x325: {  	v2 =	vmul.f32 v2, v1;
	_ =	sdelay $0x1  }
0x326: {  	v3 =	vld [tilespmem:s9+$0x2860];
	[tilespmem:s9+$0x2C50] =	vst v2  }
0x327: {  	v2 =	vld.idx.msk [tilespmem:v62+s22+$0x0], $0xffff;
	_ =	sdelay $0x1  }
0x328: {  	v63 =	vld [tilespmem:s9+$0x2070];
	_ =	sdelay $0x2  }
0x329: {  	v2 =	vmul.f32 v3, v2;
	_ =	sdelay $0x1  }
0x32a: {  	v2 =	vmul.f32 v2, v1;
	_ =	sdelay $0x1  }
0x32b: {  	v3 =	vld [tilespmem:s9+$0x2870];
	[tilespmem:s9+$0x2C60] =	vst v2  }
0x32c: {  	v2 =	vld.idx.msk [tilespmem:v63+s22+$0x0], $0xffff;
	_ =	sdelay $0x4  }
0x32d: {  	v2 =	vmul.f32 v3, v2;
	_ =	sdelay $0x1  }
0x32e: {  	v1 =	vmul.f32 v2, v1;
	_ =	sdelay $0x1  }
0x32f: {  	s8 =	simm.s32 $0x2400;
	s4 =	simm.s32 $0x2C00;
	[tilespmem:s9+$0x2C70] =	vst v1  }
0x330: {  	[spmem:s5] =	stream.indirect.scatter.add.f32 [tilespmem:s4], [sflag:$0x6], $0x1, s8, s26, $0xb8;
	[tilespmem:$0x1D970] =	vst v63  }
0x331: {  	s10 =	simm.s32 $0x2C80;
	s9 =	simm.s32 $0x2480  }
0x332: {  	[spmem:s5] =	stream.indirect.scatter.add.f32 [tilespmem:s10], [sflag:$0x6], $0x1, s9, s26, $0xb8;
	[tilespmem:$0x1D970] =	vst v63  }
0x333: {  	s23 =	simm.s32 $0x2500;
	s25 =	simm.s32 $0x2D00  }
0x334: {  	[spmem:s5] =	stream.indirect.scatter.add.f32 [tilespmem:s25], [sflag:$0x6], $0x1, s23, s26, $0xb8;
	[tilespmem:$0x1D970] =	vst v63  }
0x335: {  	s30 =	simm.s32 $0x2580;
	s31 =	simm.s32 $0x2D80  }
0x336: {  	[spmem:s5] =	stream.indirect.scatter.add.f32 [tilespmem:s31], [sflag:$0x6], $0x1, s30, s26, $0xb8;
	[tilespmem:$0x1D970] =	vst v63  }
0x337: {  	s6 =	simm.s32 $0x2600;
	s8 =	simm.s32 $0x2E00  }
0x338: {  	[spmem:s5] =	stream.indirect.scatter.add.f32 [tilespmem:s8], [sflag:$0x6], $0x1, s6, s26, $0xb8;
	[tilespmem:$0x1D970] =	vst v63  }
0x339: {  	s9 =	simm.s32 $0x2680;
	s10 =	simm.s32 $0x2E80  }
0x33a: {  	[spmem:s5] =	stream.indirect.scatter.add.f32 [tilespmem:s10], [sflag:$0x6], $0x1, s9, s26, $0xb8;
	[tilespmem:$0x1D970] =	vst v63  }
.Ltmp11:
0x33b: {  	_ = 	snop;
	(pc) =	sbr.rel .LBB2_15-.Ltmp11, $4  }
0x33c: {  	s23 =	simm.s32 $0x2700;
	s25 =	simm.s32 $0x2F00  }
0x33d: {  	[spmem:s5] =	stream.indirect.scatter.add.f32 [tilespmem:s25], [sflag:$0x6], $0x1, s23, s26, $0xb8;
	[tilespmem:$0x1D970] =	vst v63  }
0x33e: {  	s30 =	simm.s32 $0x2780;
	s31 =	simm.s32 $0x2F80  }
0x33f: {  	[spmem:s5] =	stream.indirect.scatter.add.f32 [tilespmem:s31], [sflag:$0x6], $0x1, s30, s26, $0xb8;
	[tilespmem:$0x1D970] =	vst v63  }
.LBB2_17:
0x340: {  	_ =	sfence.sel $0x180000  }
0x341: {  	[bflag:$0x0] =	sbarrier.arrive $0xFFFF  }
0x342: {  	_ =	strace $0x90000047  }
0x343: {  	s0 =	stileid.u32;
	[bflag:$0x2] =	sbarrier.arrive $0xFFFF  }
0x344: {  	p0 =	sne.s32 s0, $0x0;
	s0 =	rddreg [dreg:$0x5]  }
0x345: {  	s0 =	sadd.s32 @!p0 $0x100000, s0  }
0x346: {  	[sflag:s0] =	ssyncadd.tile.s32 @!p0 $0x1;
	_ =	shalt  }
.Lfunc_end2:
_tile_overlayer_lowered:
.L_overlay_start_2:
0x347: {  	(tag) =	ssettag $0x2  }
0x348: {  	s0 =	rddreg [dreg:$0x0];
	s2 =	stileid.u32  }
0x349: {  	s1 =	rddreg [dreg:$0x1];
	p0 =	sne.s32 s2, $0x0  }
0x34a: {  	s3 =	rddreg [dreg:$0x2];
	[bflag:$0x3] =	sbarrier.arrive $0xFFFF;
	s2 =	simm.s32 @!p0 $0x1C07  }
0x34b: {  	[timem:s3], [sflag:s2] =	dma.local @!p0 [hbm:s0], s1  }
0x34c: {  	s0 =	simm.s32 @!p0 $0x7  }
0x34d: {  	_ =	swait.ge @!p0 [sflag:s0], s1  }
0x34e: {  	s1 =	ssub.s32 @!p0 $0x0, s1;
	[sflag:s0] =	ssyncset.done @!p0 $0x0  }
0x34f: {  	[sflag:s0] =	ssyncadd.s32 @!p0 s1  }
0x350: {  	[bflag:$0x3] =	sbarrier.arrive $0xFFFF  }
0x351: {  	_ =	shalt  }

</sc_bundles>
